<compile_context>
chip_gen: v7x
topology: tpu7x:2x2x1
jax: 0.10.2.dev20260603
libtpu: 0.0.44.dev20260713+nightly
codegen_flags: <defaults>
</compile_context>

<pallas_src>
import functools

import jax
import jax.numpy as jnp
from jax import lax
from jax.experimental import pallas as pl
from jax.experimental.pallas import tpu as pltpu
from jax.experimental.pallas import tpu_sc as plsc

VOCAB = 1000
EMBED_DIM = 64
BATCH = 1024
HIST = 200

NUM_CORES = 2
NUM_SUBCORES = 16
NW = NUM_CORES * NUM_SUBCORES
NBT = BATCH // 128
H_PER_W = HIST // (NW // NBT)
LANES = 16
NGRP = 128 // LANES

_mesh = plsc.VectorSubcoreMesh(core_axis_name="c", subcore_axis_name="s")


@functools.partial(
    pl.kernel,
    out_type=jax.ShapeDtypeStruct((HIST, 8, NBT, 8, 128), jnp.float32),
    mesh=_mesh,
    scratch_types=[
        pltpu.VMEM((VOCAB * EMBED_DIM,), jnp.float32),
        pltpu.VMEM((H_PER_W, 128), jnp.int32),
        pltpu.VMEM((2, 8, 8, 128), jnp.float32),
        [pltpu.SemaphoreType.DMA] * 2,
    ],
    compiler_params=pltpu.CompilerParams(
        use_tc_tiling_on_sc=False, needs_layout_passes=False
    ),
)
def _lookup(idx_hbm, table_hbm, out_hbm, table_v, idx_v, block_v, wsems):
    wid = lax.axis_index("s") * NUM_CORES + lax.axis_index("c")
    bt = wid % NBT
    h0 = (wid // NBT) * H_PER_W

    pltpu.sync_copy(table_hbm, table_v)
    pltpu.sync_copy(
        idx_hbm.at[pl.ds(h0, H_PER_W), pl.ds(bt * 128, 128)], idx_v
    )

    iota = lax.iota(jnp.int32, LANES)

    def compute(u, buf):
        @plsc.parallel_loop(0, NGRP)
        def grp(g):
            tok = idx_v[u, pl.ds(g * LANES, LANES)]
            base = tok * EMBED_DIM
            bvec = iota + g * LANES

            @plsc.parallel_loop(0, EMBED_DIM // 16)
            def win(chi):
                base2 = base + chi * 16
                row0 = 2 * chi
                for j0 in range(0, 16, 8):
                    ds = [(iota + (j0 + k)) & 15 for k in range(8)]
                    vals = [
                        plsc.load_gather(table_v, [base2 + ds[k]])
                        for k in range(8)
                    ]
                    for k in range(8):
                        plsc.store_scatter(
                            block_v.at[buf],
                            [(ds[k] >> 3) + row0, ds[k] & 7, bvec],
                            vals[k],
                        )

    def start_w(u, buf):
        pltpu.async_copy(
            block_v.at[buf], out_hbm.at[h0 + u, :, bt], wsems[buf]
        )

    def wait_w(u, buf):
        pltpu.make_async_copy(
            block_v.at[buf], out_hbm.at[h0 + u, :, bt], wsems[buf]
        ).wait()

    compute(0, 0)
    start_w(0, 0)
    compute(1, 1)
    start_w(1, 1)

    def outer(i, carry):
        for b2 in range(2):
            u = 2 * i + b2
            wait_w(u - 2, b2)
            compute(u, b2)
            start_w(u, b2)
        return carry

    lax.fori_loop(1, H_PER_W // 2, outer, 0)
    wait_w(H_PER_W - 2, 0)
    wait_w(H_PER_W - 1, 1)


def kernel(token_indices, embeddings):
    out5 = _lookup(token_indices.T, embeddings.reshape(VOCAB * EMBED_DIM))
    return out5.transpose(2, 4, 0, 1, 3).reshape(BATCH, HIST, EMBED_DIM)

# --- scband reference (transcript-rebuilt; emitter-appended) ---
"""Pipeline reference for scband-token-codebook-21182778704405 (READ-ONLY COPY).

The authoritative reference and input builder live on the scoring server;
editing this copy changes nothing except your own understanding.
"""

import jax, jax.numpy as jnp
import numpy as np

VOCAB = 1000
EMBED_DIM = 64
BATCH = 1024
HIST = 200

def setup_inputs(seed: int = 0) -> dict:
    key = jax.random.key(seed)
    k1, k2 = jax.random.split(key)
    token_indices = jax.random.randint(k1, (BATCH, HIST), 0, VOCAB, dtype=jnp.int32)
    embeddings = jax.random.normal(k2, (VOCAB, EMBED_DIM), dtype=jnp.float32)
    return {"token_indices": token_indices, "embeddings": embeddings}

def reference(token_indices, embeddings):
    # nn.Embedding lookup: gather rows of the table by index
    return jnp.take(embeddings, token_indices, axis=0)

if __name__ == "__main__":
    import jax
    _d = setup_inputs()
    print(jax.jit(kernel)(*tuple(_d.values())))

</pallas_src>

<mosaic_0001>
#map = affine_map<(d0, d1) -> (0, 0)>
#map1 = affine_map<(d0, d1) -> (0)>
#map2 = affine_map<(d0, d1) -> (0, 0, 0, 0, 0)>
module attributes {stable_mosaic.version = 14 : i64} {
  func.func @_lookup(%arg0: i32, %arg1: i32, %arg2: memref<200x1024xi32, #tpu.memory_space<hbm>>, %arg3: memref<64000xf32, #tpu.memory_space<hbm>>, %arg4: memref<200x8x8x8x128xf32, #tpu.memory_space<hbm>>, %arg5: memref<64000xf32, #tpu.memory_space<vmem>>, %arg6: memref<50x128xi32, #tpu.memory_space<vmem>>, %arg7: memref<2x8x8x128xf32, #tpu.memory_space<vmem>>, %arg8: memref<!tpu.dma_semaphore, #tpu.memory_space<semaphore_mem>>, %arg9: memref<!tpu.dma_semaphore, #tpu.memory_space<semaphore_mem>>) attributes {dimension_semantics = [#tpu.dimension_semantics<core_parallel>, #tpu.dimension_semantics<subcore_parallel>], iteration_bounds = array<i64: 2, 16>, scalar_prefetch = 0 : i64, scratch_operands = 5 : i64, tpu.core_type = #tpu.core_type<sc_vector_subcore>, window_params = [{transform_indices = #map}, {transform_indices = #map1}, {transform_indices = #map2}]} {
    %mul3A = arith.constant 2 : i32
    %mul3A_0 = arith.muli %arg1, %mul3A : i32
    %add3A = arith.addi %mul3A_0, %arg0 : i32
    %jit3A = arith.constant 8 : i32
    %eq3A = arith.constant 0 : i32
    %eq3A_1 = arith.cmpi eq, %jit3A, %eq3A : i32
    %jit3A_2 = arith.constant 1 : i32
    %select_n3A = arith.select %eq3A_1, %jit3A_2, %jit3A : i32
    %rem3A = arith.remsi %add3A, %select_n3A : i32
    %ne3A = arith.constant 0 : i32
    %ne3A_3 = arith.cmpi ne, %rem3A, %ne3A : i32
    %lt3A = arith.constant 0 : i32
    %lt3A_4 = arith.cmpi slt, %rem3A, %lt3A : i32
    %lt3A_5 = arith.constant 0 : i32
    %lt3A_6 = arith.cmpi slt, %select_n3A, %lt3A_5 : i32
    %ne3A_7 = arith.xori %lt3A_4, %lt3A_6 : i1
    %and3A = arith.andi %ne3A_7, %ne3A_3 : i1
    %add3A_8 = arith.addi %rem3A, %select_n3A : i32
    %select_n3A_9 = arith.select %and3A, %add3A_8, %rem3A : i32
    %jit3A_10 = arith.constant 8 : i32
    %div3A = arith.divsi %add3A, %jit3A_10 : i32
    %sign3A = arith.constant 0 : i32
    %sign3A_11 = arith.cmpi sgt, %add3A, %sign3A : i32
    %sign3A_12 = arith.extui %sign3A_11 : i1 to i32
    %sign3A_13 = arith.constant 0 : i32
    %sign3A_14 = arith.cmpi slt, %add3A, %sign3A_13 : i32
    %sign3A_15 = arith.extui %sign3A_14 : i1 to i32
    %sign3A_16 = arith.subi %sign3A_12, %sign3A_15 : i32
    %sign3A_17 = arith.constant 0 : i32
    %sign3A_18 = arith.cmpi sgt, %jit3A_10, %sign3A_17 : i32
    %sign3A_19 = arith.extui %sign3A_18 : i1 to i32
    %sign3A_20 = arith.constant 0 : i32
    %sign3A_21 = arith.cmpi slt, %jit3A_10, %sign3A_20 : i32
    %sign3A_22 = arith.extui %sign3A_21 : i1 to i32
    %sign3A_23 = arith.subi %sign3A_19, %sign3A_22 : i32
    %ne3A_24 = arith.cmpi ne, %sign3A_16, %sign3A_23 : i32
    %rem3A_25 = arith.remsi %add3A, %jit3A_10 : i32
    %ne3A_26 = arith.constant 0 : i32
    %ne3A_27 = arith.cmpi ne, %rem3A_25, %ne3A_26 : i32
    %and3A_28 = arith.andi %ne3A_24, %ne3A_27 : i1
    %sub3A = arith.constant 1 : i32
    %sub3A_29 = arith.subi %div3A, %sub3A : i32
    %select_n3A_30 = arith.select %and3A_28, %sub3A_29, %div3A : i32
    %mul3A_31 = arith.constant 50 : i32
    %mul3A_32 = arith.muli %select_n3A_30, %mul3A_31 : i32
    "tpu.region"() ({
      %run_scoped3A = tpu.sem_alloc : memref<!tpu.dma_semaphore, #tpu.memory_space<semaphore_mem>>
      tpu.enqueue_dma source(%arg3 : memref<64000xf32, #tpu.memory_space<hbm>>) target(%arg5 : memref<64000xf32, #tpu.memory_space<vmem>>) target_semaphore(%run_scoped3A : memref<!tpu.dma_semaphore, #tpu.memory_space<semaphore_mem>>)
      tpu.wait_dma2 semaphore(%run_scoped3A : memref<!tpu.dma_semaphore, #tpu.memory_space<semaphore_mem>>) src(%arg3 : memref<64000xf32, #tpu.memory_space<hbm>>) dst(%arg5 : memref<64000xf32, #tpu.memory_space<vmem>>)
      tpu.yield
    }) : () -> ()
    %mul3A_33 = arith.constant 128 : i32
    %mul3A_34 = arith.muli %select_n3A_9, %mul3A_33 : i32
    "tpu.region"() ({
      %run_scoped3A = tpu.sem_alloc : memref<!tpu.dma_semaphore, #tpu.memory_space<semaphore_mem>>
      %dma_start3A_135 = tpu.memref_slice %arg2[%mul3A_32, %mul3A_34] : memref<200x1024xi32, #tpu.memory_space<hbm>> -> memref<50x128xi32, #tpu.memory_space<hbm>>
      %dma_start3A_136 = tpu.memref_slice %arg2[%mul3A_32, %mul3A_34] : memref<200x1024xi32, #tpu.memory_space<hbm>> -> memref<50x128xi32, #tpu.memory_space<hbm>>
      tpu.enqueue_dma source(%dma_start3A_136 : memref<50x128xi32, #tpu.memory_space<hbm>>) target(%arg6 : memref<50x128xi32, #tpu.memory_space<vmem>>) target_semaphore(%run_scoped3A : memref<!tpu.dma_semaphore, #tpu.memory_space<semaphore_mem>>)
      %dma_wait3A_137 = tpu.memref_slice %arg2[%mul3A_32, %mul3A_34] : memref<200x1024xi32, #tpu.memory_space<hbm>> -> memref<50x128xi32, #tpu.memory_space<hbm>>
      %dma_wait3A_138 = tpu.memref_slice %arg2[%mul3A_32, %mul3A_34] : memref<200x1024xi32, #tpu.memory_space<hbm>> -> memref<50x128xi32, #tpu.memory_space<hbm>>
      tpu.wait_dma2 semaphore(%run_scoped3A : memref<!tpu.dma_semaphore, #tpu.memory_space<semaphore_mem>>) src(%dma_wait3A_138 : memref<50x128xi32, #tpu.memory_space<hbm>>) dst(%arg6 : memref<50x128xi32, #tpu.memory_space<vmem>>)
      tpu.yield
    }) : () -> ()
    %iota3A = tpu.iota {dimensions = array<i32: 0>} : vector<16xi32>
    %parallel_loop3A = arith.constant 0 : i32
    %parallel_loop3A_35 = arith.constant 8 : i32
    %parallel_loop3A_36 = arith.constant 1 : i32
    scf.for %parallel_loop3A_135 = %parallel_loop3A to %parallel_loop3A_35 step %parallel_loop3A_36  : i32 {
      %parallel_loop3A_136 = arith.constant 16 : i32
      %parallel_loop3A_137 = arith.muli %parallel_loop3A_135, %parallel_loop3A_136 : i32
      %parallel_loop3A_138 = arith.constant 0 : i32
      %parallel_loop3A_139 = arith.index_cast %parallel_loop3A_138 : i32 to index
      %parallel_loop3A_140 = arith.index_cast %parallel_loop3A_137 : i32 to index
      %parallel_loop3A_141 = tpu.vector_load %arg6[%parallel_loop3A_139, %parallel_loop3A_140] {strides = array<i32>} : memref<50x128xi32, #tpu.memory_space<vmem>>, vector<16xi32>,
      %parallel_loop3A_142 = arith.constant 64 : i32
      %parallel_loop3A_143 = vector.broadcast %parallel_loop3A_142 : i32 to vector<16xi32>
      %parallel_loop3A_144 = arith.muli %parallel_loop3A_141, %parallel_loop3A_143 : vector<16xi32>
      %parallel_loop3A_145 = arith.constant 16 : i32
      %parallel_loop3A_146 = arith.muli %parallel_loop3A_135, %parallel_loop3A_145 : i32
      %parallel_loop3A_147 = vector.broadcast %parallel_loop3A_146 : i32 to vector<16xi32>
      %parallel_loop3A_148 = arith.addi %iota3A, %parallel_loop3A_147 : vector<16xi32>
      %parallel_loop3A_149 = arith.constant 0 : i32
      %parallel_loop3A_150 = arith.constant 4 : i32
      %parallel_loop3A_151 = arith.constant 1 : i32
      scf.for %parallel_loop3A_152 = %parallel_loop3A_149 to %parallel_loop3A_150 step %parallel_loop3A_151  : i32 {
        %parallel_loop3A_153 = arith.constant 16 : i32
        %parallel_loop3A_154 = arith.muli %parallel_loop3A_152, %parallel_loop3A_153 : i32
        %parallel_loop3A_155 = vector.broadcast %parallel_loop3A_154 : i32 to vector<16xi32>
        %parallel_loop3A_156 = arith.addi %parallel_loop3A_144, %parallel_loop3A_155 : vector<16xi32>
        %parallel_loop3A_157 = arith.constant 2 : i32
        %parallel_loop3A_158 = arith.muli %parallel_loop3A_157, %parallel_loop3A_152 : i32
        %parallel_loop3A_159 = arith.constant 0 : i32
        %parallel_loop3A_160 = vector.broadcast %parallel_loop3A_159 : i32 to vector<16xi32>
        %parallel_loop3A_161 = arith.addi %iota3A, %parallel_loop3A_160 : vector<16xi32>
        %parallel_loop3A_162 = arith.constant 15 : i32
        %parallel_loop3A_163 = vector.broadcast %parallel_loop3A_162 : i32 to vector<16xi32>
        %parallel_loop3A_164 = arith.andi %parallel_loop3A_161, %parallel_loop3A_163 : vector<16xi32>
        %parallel_loop3A_165 = arith.constant 1 : i32
        %parallel_loop3A_166 = vector.broadcast %parallel_loop3A_165 : i32 to vector<16xi32>
        %parallel_loop3A_167 = arith.addi %iota3A, %parallel_loop3A_166 : vector<16xi32>
        %parallel_loop3A_168 = arith.constant 15 : i32
        %parallel_loop3A_169 = vector.broadcast %parallel_loop3A_168 : i32 to vector<16xi32>
        %parallel_loop3A_170 = arith.andi %parallel_loop3A_167, %parallel_loop3A_169 : vector<16xi32>
        %parallel_loop3A_171 = arith.constant 2 : i32
        %parallel_loop3A_172 = vector.broadcast %parallel_loop3A_171 : i32 to vector<16xi32>
        %parallel_loop3A_173 = arith.addi %iota3A, %parallel_loop3A_172 : vector<16xi32>
        %parallel_loop3A_174 = arith.constant 15 : i32
        %parallel_loop3A_175 = vector.broadcast %parallel_loop3A_174 : i32 to vector<16xi32>
        %parallel_loop3A_176 = arith.andi %parallel_loop3A_173, %parallel_loop3A_175 : vector<16xi32>
        %parallel_loop3A_177 = arith.constant 3 : i32
        %parallel_loop3A_178 = vector.broadcast %parallel_loop3A_177 : i32 to vector<16xi32>
        %parallel_loop3A_179 = arith.addi %iota3A, %parallel_loop3A_178 : vector<16xi32>
        %parallel_loop3A_180 = arith.constant 15 : i32
        %parallel_loop3A_181 = vector.broadcast %parallel_loop3A_180 : i32 to vector<16xi32>
        %parallel_loop3A_182 = arith.andi %parallel_loop3A_179, %parallel_loop3A_181 : vector<16xi32>
        %parallel_loop3A_183 = arith.constant 4 : i32
        %parallel_loop3A_184 = vector.broadcast %parallel_loop3A_183 : i32 to vector<16xi32>
        %parallel_loop3A_185 = arith.addi %iota3A, %parallel_loop3A_184 : vector<16xi32>
        %parallel_loop3A_186 = arith.constant 15 : i32
        %parallel_loop3A_187 = vector.broadcast %parallel_loop3A_186 : i32 to vector<16xi32>
        %parallel_loop3A_188 = arith.andi %parallel_loop3A_185, %parallel_loop3A_187 : vector<16xi32>
        %parallel_loop3A_189 = arith.constant 5 : i32
        %parallel_loop3A_190 = vector.broadcast %parallel_loop3A_189 : i32 to vector<16xi32>
        %parallel_loop3A_191 = arith.addi %iota3A, %parallel_loop3A_190 : vector<16xi32>
        %parallel_loop3A_192 = arith.constant 15 : i32
        %parallel_loop3A_193 = vector.broadcast %parallel_loop3A_192 : i32 to vector<16xi32>
        %parallel_loop3A_194 = arith.andi %parallel_loop3A_191, %parallel_loop3A_193 : vector<16xi32>
        %parallel_loop3A_195 = arith.constant 6 : i32
        %parallel_loop3A_196 = vector.broadcast %parallel_loop3A_195 : i32 to vector<16xi32>
        %parallel_loop3A_197 = arith.addi %iota3A, %parallel_loop3A_196 : vector<16xi32>
        %parallel_loop3A_198 = arith.constant 15 : i32
        %parallel_loop3A_199 = vector.broadcast %parallel_loop3A_198 : i32 to vector<16xi32>
        %parallel_loop3A_200 = arith.andi %parallel_loop3A_197, %parallel_loop3A_199 : vector<16xi32>
        %parallel_loop3A_201 = arith.constant 7 : i32
        %parallel_loop3A_202 = vector.broadcast %parallel_loop3A_201 : i32 to vector<16xi32>
        %parallel_loop3A_203 = arith.addi %iota3A, %parallel_loop3A_202 : vector<16xi32>
        %parallel_loop3A_204 = arith.constant 15 : i32
        %parallel_loop3A_205 = vector.broadcast %parallel_loop3A_204 : i32 to vector<16xi32>
        %parallel_loop3A_206 = arith.andi %parallel_loop3A_203, %parallel_loop3A_205 : vector<16xi32>
        %parallel_loop3A_207 = arith.addi %parallel_loop3A_156, %parallel_loop3A_164 : vector<16xi32>
        %parallel_loop3A_208 = tpu.vector_load_idx %arg5[%parallel_loop3A_207] : memref<64000xf32, #tpu.memory_space<vmem>>[vector<16xi32>], vector<16xf32>,
        %parallel_loop3A_209 = arith.addi %parallel_loop3A_156, %parallel_loop3A_170 : vector<16xi32>
        %parallel_loop3A_210 = tpu.vector_load_idx %arg5[%parallel_loop3A_209] : memref<64000xf32, #tpu.memory_space<vmem>>[vector<16xi32>], vector<16xf32>,
        %parallel_loop3A_211 = arith.addi %parallel_loop3A_156, %parallel_loop3A_176 : vector<16xi32>
        %parallel_loop3A_212 = tpu.vector_load_idx %arg5[%parallel_loop3A_211] : memref<64000xf32, #tpu.memory_space<vmem>>[vector<16xi32>], vector<16xf32>,
        %parallel_loop3A_213 = arith.addi %parallel_loop3A_156, %parallel_loop3A_182 : vector<16xi32>
        %parallel_loop3A_214 = tpu.vector_load_idx %arg5[%parallel_loop3A_213] : memref<64000xf32, #tpu.memory_space<vmem>>[vector<16xi32>], vector<16xf32>,
        %parallel_loop3A_215 = arith.addi %parallel_loop3A_156, %parallel_loop3A_188 : vector<16xi32>
        %parallel_loop3A_216 = tpu.vector_load_idx %arg5[%parallel_loop3A_215] : memref<64000xf32, #tpu.memory_space<vmem>>[vector<16xi32>], vector<16xf32>,
        %parallel_loop3A_217 = arith.addi %parallel_loop3A_156, %parallel_loop3A_194 : vector<16xi32>
        %parallel_loop3A_218 = tpu.vector_load_idx %arg5[%parallel_loop3A_217] : memref<64000xf32, #tpu.memory_space<vmem>>[vector<16xi32>], vector<16xf32>,
        %parallel_loop3A_219 = arith.addi %parallel_loop3A_156, %parallel_loop3A_200 : vector<16xi32>
        %parallel_loop3A_220 = tpu.vector_load_idx %arg5[%parallel_loop3A_219] : memref<64000xf32, #tpu.memory_space<vmem>>[vector<16xi32>], vector<16xf32>,
        %parallel_loop3A_221 = arith.addi %parallel_loop3A_156, %parallel_loop3A_206 : vector<16xi32>
        %parallel_loop3A_222 = tpu.vector_load_idx %arg5[%parallel_loop3A_221] : memref<64000xf32, #tpu.memory_space<vmem>>[vector<16xi32>], vector<16xf32>,
        %parallel_loop3A_223 = arith.constant 3 : i32
        %parallel_loop3A_224 = vector.broadcast %parallel_loop3A_223 : i32 to vector<16xi32>
        %parallel_loop3A_225 = arith.shrsi %parallel_loop3A_164, %parallel_loop3A_224 : vector<16xi32>
        %parallel_loop3A_226 = vector.broadcast %parallel_loop3A_158 : i32 to vector<16xi32>
        %parallel_loop3A_227 = arith.addi %parallel_loop3A_225, %parallel_loop3A_226 : vector<16xi32>
        %parallel_loop3A_228 = arith.constant 7 : i32
        %parallel_loop3A_229 = vector.broadcast %parallel_loop3A_228 : i32 to vector<16xi32>
        %parallel_loop3A_230 = arith.andi %parallel_loop3A_164, %parallel_loop3A_229 : vector<16xi32>
        %parallel_loop3A_231 = arith.constant 0 : i32
        %parallel_loop3A_232 = arith.constant 0 : i32
        %parallel_loop3A_233 = arith.constant 0 : i32
        %parallel_loop3A_234 = arith.constant 0 : i32
        %parallel_loop3A_235 = tpu.memref_slice %arg7[%parallel_loop3A_231, %parallel_loop3A_232, %parallel_loop3A_233, %parallel_loop3A_234] : memref<2x8x8x128xf32, #tpu.memory_space<vmem>> -> memref<1x8x8x128xf32, #tpu.memory_space<vmem>>
        %parallel_loop3A_236 = tpu.memref_squeeze %parallel_loop3A_235 : memref<1x8x8x128xf32, #tpu.memory_space<vmem>> -> memref<8x8x128xf32, #tpu.memory_space<vmem>>
        tpu.vector_store_idx %parallel_loop3A_236[%parallel_loop3A_227, %parallel_loop3A_230, %parallel_loop3A_148], %parallel_loop3A_208 : memref<8x8x128xf32, #tpu.memory_space<vmem>>[vector<16xi32>, vector<16xi32>, vector<16xi32>], vector<16xf32>,
        %parallel_loop3A_237 = arith.constant 3 : i32
        %parallel_loop3A_238 = vector.broadcast %parallel_loop3A_237 : i32 to vector<16xi32>
        %parallel_loop3A_239 = arith.shrsi %parallel_loop3A_170, %parallel_loop3A_238 : vector<16xi32>
        %parallel_loop3A_240 = vector.broadcast %parallel_loop3A_158 : i32 to vector<16xi32>
        %parallel_loop3A_241 = arith.addi %parallel_loop3A_239, %parallel_loop3A_240 : vector<16xi32>
        %parallel_loop3A_242 = arith.constant 7 : i32
        %parallel_loop3A_243 = vector.broadcast %parallel_loop3A_242 : i32 to vector<16xi32>
        %parallel_loop3A_244 = arith.andi %parallel_loop3A_170, %parallel_loop3A_243 : vector<16xi32>
        %parallel_loop3A_245 = arith.constant 0 : i32
        %parallel_loop3A_246 = arith.constant 0 : i32
        %parallel_loop3A_247 = arith.constant 0 : i32
        %parallel_loop3A_248 = arith.constant 0 : i32
        %parallel_loop3A_249 = tpu.memref_slice %arg7[%parallel_loop3A_245, %parallel_loop3A_246, %parallel_loop3A_247, %parallel_loop3A_248] : memref<2x8x8x128xf32, #tpu.memory_space<vmem>> -> memref<1x8x8x128xf32, #tpu.memory_space<vmem>>
        %parallel_loop3A_250 = tpu.memref_squeeze %parallel_loop3A_249 : memref<1x8x8x128xf32, #tpu.memory_space<vmem>> -> memref<8x8x128xf32, #tpu.memory_space<vmem>>
        tpu.vector_store_idx %parallel_loop3A_250[%parallel_loop3A_241, %parallel_loop3A_244, %parallel_loop3A_148], %parallel_loop3A_210 : memref<8x8x128xf32, #tpu.memory_space<vmem>>[vector<16xi32>, vector<16xi32>, vector<16xi32>], vector<16xf32>,
        %parallel_loop3A_251 = arith.constant 3 : i32
        %parallel_loop3A_252 = vector.broadcast %parallel_loop3A_251 : i32 to vector<16xi32>
        %parallel_loop3A_253 = arith.shrsi %parallel_loop3A_176, %parallel_loop3A_252 : vector<16xi32>
        %parallel_loop3A_254 = vector.broadcast %parallel_loop3A_158 : i32 to vector<16xi32>
        %parallel_loop3A_255 = arith.addi %parallel_loop3A_253, %parallel_loop3A_254 : vector<16xi32>
        %parallel_loop3A_256 = arith.constant 7 : i32
        %parallel_loop3A_257 = vector.broadcast %parallel_loop3A_256 : i32 to vector<16xi32>
        %parallel_loop3A_258 = arith.andi %parallel_loop3A_176, %parallel_loop3A_257 : vector<16xi32>
        %parallel_loop3A_259 = arith.constant 0 : i32
        %parallel_loop3A_260 = arith.constant 0 : i32
        %parallel_loop3A_261 = arith.constant 0 : i32
        %parallel_loop3A_262 = arith.constant 0 : i32
        %parallel_loop3A_263 = tpu.memref_slice %arg7[%parallel_loop3A_259, %parallel_loop3A_260, %parallel_loop3A_261, %parallel_loop3A_262] : memref<2x8x8x128xf32, #tpu.memory_space<vmem>> -> memref<1x8x8x128xf32, #tpu.memory_space<vmem>>
        %parallel_loop3A_264 = tpu.memref_squeeze %parallel_loop3A_263 : memref<1x8x8x128xf32, #tpu.memory_space<vmem>> -> memref<8x8x128xf32, #tpu.memory_space<vmem>>
        tpu.vector_store_idx %parallel_loop3A_264[%parallel_loop3A_255, %parallel_loop3A_258, %parallel_loop3A_148], %parallel_loop3A_212 : memref<8x8x128xf32, #tpu.memory_space<vmem>>[vector<16xi32>, vector<16xi32>, vector<16xi32>], vector<16xf32>,
        %parallel_loop3A_265 = arith.constant 3 : i32
        %parallel_loop3A_266 = vector.broadcast %parallel_loop3A_265 : i32 to vector<16xi32>
        %parallel_loop3A_267 = arith.shrsi %parallel_loop3A_182, %parallel_loop3A_266 : vector<16xi32>
        %parallel_loop3A_268 = vector.broadcast %parallel_loop3A_158 : i32 to vector<16xi32>
        %parallel_loop3A_269 = arith.addi %parallel_loop3A_267, %parallel_loop3A_268 : vector<16xi32>
        %parallel_loop3A_270 = arith.constant 7 : i32
        %parallel_loop3A_271 = vector.broadcast %parallel_loop3A_270 : i32 to vector<16xi32>
        %parallel_loop3A_272 = arith.andi %parallel_loop3A_182, %parallel_loop3A_271 : vector<16xi32>
        %parallel_loop3A_273 = arith.constant 0 : i32
        %parallel_loop3A_274 = arith.constant 0 : i32
        %parallel_loop3A_275 = arith.constant 0 : i32
        %parallel_loop3A_276 = arith.constant 0 : i32
        %parallel_loop3A_277 = tpu.memref_slice %arg7[%parallel_loop3A_273, %parallel_loop3A_274, %parallel_loop3A_275, %parallel_loop3A_276] : memref<2x8x8x128xf32, #tpu.memory_space<vmem>> -> memref<1x8x8x128xf32, #tpu.memory_space<vmem>>
        %parallel_loop3A_278 = tpu.memref_squeeze %parallel_loop3A_277 : memref<1x8x8x128xf32, #tpu.memory_space<vmem>> -> memref<8x8x128xf32, #tpu.memory_space<vmem>>
        tpu.vector_store_idx %parallel_loop3A_278[%parallel_loop3A_269, %parallel_loop3A_272, %parallel_loop3A_148], %parallel_loop3A_214 : memref<8x8x128xf32, #tpu.memory_space<vmem>>[vector<16xi32>, vector<16xi32>, vector<16xi32>], vector<16xf32>,
        %parallel_loop3A_279 = arith.constant 3 : i32
        %parallel_loop3A_280 = vector.broadcast %parallel_loop3A_279 : i32 to vector<16xi32>
        %parallel_loop3A_281 = arith.shrsi %parallel_loop3A_188, %parallel_loop3A_280 : vector<16xi32>
        %parallel_loop3A_282 = vector.broadcast %parallel_loop3A_158 : i32 to vector<16xi32>
        %parallel_loop3A_283 = arith.addi %parallel_loop3A_281, %parallel_loop3A_282 : vector<16xi32>
        %parallel_loop3A_284 = arith.constant 7 : i32
        %parallel_loop3A_285 = vector.broadcast %parallel_loop3A_284 : i32 to vector<16xi32>
        %parallel_loop3A_286 = arith.andi %parallel_loop3A_188, %parallel_loop3A_285 : vector<16xi32>
        %parallel_loop3A_287 = arith.constant 0 : i32
        %parallel_loop3A_288 = arith.constant 0 : i32
        %parallel_loop3A_289 = arith.constant 0 : i32
        %parallel_loop3A_290 = arith.constant 0 : i32
        %parallel_loop3A_291 = tpu.memref_slice %arg7[%parallel_loop3A_287, %parallel_loop3A_288, %parallel_loop3A_289, %parallel_loop3A_290] : memref<2x8x8x128xf32, #tpu.memory_space<vmem>> -> memref<1x8x8x128xf32, #tpu.memory_space<vmem>>
        %parallel_loop3A_292 = tpu.memref_squeeze %parallel_loop3A_291 : memref<1x8x8x128xf32, #tpu.memory_space<vmem>> -> memref<8x8x128xf32, #tpu.memory_space<vmem>>
        tpu.vector_store_idx %parallel_loop3A_292[%parallel_loop3A_283, %parallel_loop3A_286, %parallel_loop3A_148], %parallel_loop3A_216 : memref<8x8x128xf32, #tpu.memory_space<vmem>>[vector<16xi32>, vector<16xi32>, vector<16xi32>], vector<16xf32>,
        %parallel_loop3A_293 = arith.constant 3 : i32
        %parallel_loop3A_294 = vector.broadcast %parallel_loop3A_293 : i32 to vector<16xi32>
        %parallel_loop3A_295 = arith.shrsi %parallel_loop3A_194, %parallel_loop3A_294 : vector<16xi32>
        %parallel_loop3A_296 = vector.broadcast %parallel_loop3A_158 : i32 to vector<16xi32>
        %parallel_loop3A_297 = arith.addi %parallel_loop3A_295, %parallel_loop3A_296 : vector<16xi32>
        %parallel_loop3A_298 = arith.constant 7 : i32
        %parallel_loop3A_299 = vector.broadcast %parallel_loop3A_298 : i32 to vector<16xi32>
        %parallel_loop3A_300 = arith.andi %parallel_loop3A_194, %parallel_loop3A_299 : vector<16xi32>
        %parallel_loop3A_301 = arith.constant 0 : i32
        %parallel_loop3A_302 = arith.constant 0 : i32
        %parallel_loop3A_303 = arith.constant 0 : i32
        %parallel_loop3A_304 = arith.constant 0 : i32
        %parallel_loop3A_305 = tpu.memref_slice %arg7[%parallel_loop3A_301, %parallel_loop3A_302, %parallel_loop3A_303, %parallel_loop3A_304] : memref<2x8x8x128xf32, #tpu.memory_space<vmem>> -> memref<1x8x8x128xf32, #tpu.memory_space<vmem>>
        %parallel_loop3A_306 = tpu.memref_squeeze %parallel_loop3A_305 : memref<1x8x8x128xf32, #tpu.memory_space<vmem>> -> memref<8x8x128xf32, #tpu.memory_space<vmem>>
        tpu.vector_store_idx %parallel_loop3A_306[%parallel_loop3A_297, %parallel_loop3A_300, %parallel_loop3A_148], %parallel_loop3A_218 : memref<8x8x128xf32, #tpu.memory_space<vmem>>[vector<16xi32>, vector<16xi32>, vector<16xi32>], vector<16xf32>,
        %parallel_loop3A_307 = arith.constant 3 : i32
        %parallel_loop3A_308 = vector.broadcast %parallel_loop3A_307 : i32 to vector<16xi32>
        %parallel_loop3A_309 = arith.shrsi %parallel_loop3A_200, %parallel_loop3A_308 : vector<16xi32>
        %parallel_loop3A_310 = vector.broadcast %parallel_loop3A_158 : i32 to vector<16xi32>
        %parallel_loop3A_311 = arith.addi %parallel_loop3A_309, %parallel_loop3A_310 : vector<16xi32>
        %parallel_loop3A_312 = arith.constant 7 : i32
        %parallel_loop3A_313 = vector.broadcast %parallel_loop3A_312 : i32 to vector<16xi32>
        %parallel_loop3A_314 = arith.andi %parallel_loop3A_200, %parallel_loop3A_313 : vector<16xi32>
        %parallel_loop3A_315 = arith.constant 0 : i32
        %parallel_loop3A_316 = arith.constant 0 : i32
        %parallel_loop3A_317 = arith.constant 0 : i32
        %parallel_loop3A_318 = arith.constant 0 : i32
        %parallel_loop3A_319 = tpu.memref_slice %arg7[%parallel_loop3A_315, %parallel_loop3A_316, %parallel_loop3A_317, %parallel_loop3A_318] : memref<2x8x8x128xf32, #tpu.memory_space<vmem>> -> memref<1x8x8x128xf32, #tpu.memory_space<vmem>>
        %parallel_loop3A_320 = tpu.memref_squeeze %parallel_loop3A_319 : memref<1x8x8x128xf32, #tpu.memory_space<vmem>> -> memref<8x8x128xf32, #tpu.memory_space<vmem>>
        tpu.vector_store_idx %parallel_loop3A_320[%parallel_loop3A_311, %parallel_loop3A_314, %parallel_loop3A_148], %parallel_loop3A_220 : memref<8x8x128xf32, #tpu.memory_space<vmem>>[vector<16xi32>, vector<16xi32>, vector<16xi32>], vector<16xf32>,
        %parallel_loop3A_321 = arith.constant 3 : i32
        %parallel_loop3A_322 = vector.broadcast %parallel_loop3A_321 : i32 to vector<16xi32>
        %parallel_loop3A_323 = arith.shrsi %parallel_loop3A_206, %parallel_loop3A_322 : vector<16xi32>
        %parallel_loop3A_324 = vector.broadcast %parallel_loop3A_158 : i32 to vector<16xi32>
        %parallel_loop3A_325 = arith.addi %parallel_loop3A_323, %parallel_loop3A_324 : vector<16xi32>
        %parallel_loop3A_326 = arith.constant 7 : i32
        %parallel_loop3A_327 = vector.broadcast %parallel_loop3A_326 : i32 to vector<16xi32>
        %parallel_loop3A_328 = arith.andi %parallel_loop3A_206, %parallel_loop3A_327 : vector<16xi32>
        %parallel_loop3A_329 = arith.constant 0 : i32
        %parallel_loop3A_330 = arith.constant 0 : i32
        %parallel_loop3A_331 = arith.constant 0 : i32
        %parallel_loop3A_332 = arith.constant 0 : i32
        %parallel_loop3A_333 = tpu.memref_slice %arg7[%parallel_loop3A_329, %parallel_loop3A_330, %parallel_loop3A_331, %parallel_loop3A_332] : memref<2x8x8x128xf32, #tpu.memory_space<vmem>> -> memref<1x8x8x128xf32, #tpu.memory_space<vmem>>
        %parallel_loop3A_334 = tpu.memref_squeeze %parallel_loop3A_333 : memref<1x8x8x128xf32, #tpu.memory_space<vmem>> -> memref<8x8x128xf32, #tpu.memory_space<vmem>>
        tpu.vector_store_idx %parallel_loop3A_334[%parallel_loop3A_325, %parallel_loop3A_328, %parallel_loop3A_148], %parallel_loop3A_222 : memref<8x8x128xf32, #tpu.memory_space<vmem>>[vector<16xi32>, vector<16xi32>, vector<16xi32>], vector<16xf32>,
        %parallel_loop3A_335 = arith.constant 8 : i32
        %parallel_loop3A_336 = vector.broadcast %parallel_loop3A_335 : i32 to vector<16xi32>
        %parallel_loop3A_337 = arith.addi %iota3A, %parallel_loop3A_336 : vector<16xi32>
        %parallel_loop3A_338 = arith.constant 15 : i32
        %parallel_loop3A_339 = vector.broadcast %parallel_loop3A_338 : i32 to vector<16xi32>
        %parallel_loop3A_340 = arith.andi %parallel_loop3A_337, %parallel_loop3A_339 : vector<16xi32>
        %parallel_loop3A_341 = arith.constant 9 : i32
        %parallel_loop3A_342 = vector.broadcast %parallel_loop3A_341 : i32 to vector<16xi32>
        %parallel_loop3A_343 = arith.addi %iota3A, %parallel_loop3A_342 : vector<16xi32>
        %parallel_loop3A_344 = arith.constant 15 : i32
        %parallel_loop3A_345 = vector.broadcast %parallel_loop3A_344 : i32 to vector<16xi32>
        %parallel_loop3A_346 = arith.andi %parallel_loop3A_343, %parallel_loop3A_345 : vector<16xi32>
        %parallel_loop3A_347 = arith.constant 10 : i32
        %parallel_loop3A_348 = vector.broadcast %parallel_loop3A_347 : i32 to vector<16xi32>
        %parallel_loop3A_349 = arith.addi %iota3A, %parallel_loop3A_348 : vector<16xi32>
        %parallel_loop3A_350 = arith.constant 15 : i32
        %parallel_loop3A_351 = vector.broadcast %parallel_loop3A_350 : i32 to vector<16xi32>
        %parallel_loop3A_352 = arith.andi %parallel_loop3A_349, %parallel_loop3A_351 : vector<16xi32>
        %parallel_loop3A_353 = arith.constant 11 : i32
        %parallel_loop3A_354 = vector.broadcast %parallel_loop3A_353 : i32 to vector<16xi32>
        %parallel_loop3A_355 = arith.addi %iota3A, %parallel_loop3A_354 : vector<16xi32>
        %parallel_loop3A_356 = arith.constant 15 : i32
        %parallel_loop3A_357 = vector.broadcast %parallel_loop3A_356 : i32 to vector<16xi32>
        %parallel_loop3A_358 = arith.andi %parallel_loop3A_355, %parallel_loop3A_357 : vector<16xi32>
        %parallel_loop3A_359 = arith.constant 12 : i32
        %parallel_loop3A_360 = vector.broadcast %parallel_loop3A_359 : i32 to vector<16xi32>
        %parallel_loop3A_361 = arith.addi %iota3A, %parallel_loop3A_360 : vector<16xi32>
        %parallel_loop3A_362 = arith.constant 15 : i32
        %parallel_loop3A_363 = vector.broadcast %parallel_loop3A_362 : i32 to vector<16xi32>
        %parallel_loop3A_364 = arith.andi %parallel_loop3A_361, %parallel_loop3A_363 : vector<16xi32>
        %parallel_loop3A_365 = arith.constant 13 : i32
        %parallel_loop3A_366 = vector.broadcast %parallel_loop3A_365 : i32 to vector<16xi32>
        %parallel_loop3A_367 = arith.addi %iota3A, %parallel_loop3A_366 : vector<16xi32>
        %parallel_loop3A_368 = arith.constant 15 : i32
        %parallel_loop3A_369 = vector.broadcast %parallel_loop3A_368 : i32 to vector<16xi32>
        %parallel_loop3A_370 = arith.andi %parallel_loop3A_367, %parallel_loop3A_369 : vector<16xi32>
        %parallel_loop3A_371 = arith.constant 14 : i32
        %parallel_loop3A_372 = vector.broadcast %parallel_loop3A_371 : i32 to vector<16xi32>
        %parallel_loop3A_373 = arith.addi %iota3A, %parallel_loop3A_372 : vector<16xi32>
        %parallel_loop3A_374 = arith.constant 15 : i32
        %parallel_loop3A_375 = vector.broadcast %parallel_loop3A_374 : i32 to vector<16xi32>
        %parallel_loop3A_376 = arith.andi %parallel_loop3A_373, %parallel_loop3A_375 : vector<16xi32>
        %parallel_loop3A_377 = arith.constant 15 : i32
        %parallel_loop3A_378 = vector.broadcast %parallel_loop3A_377 : i32 to vector<16xi32>
        %parallel_loop3A_379 = arith.addi %iota3A, %parallel_loop3A_378 : vector<16xi32>
        %parallel_loop3A_380 = arith.constant 15 : i32
        %parallel_loop3A_381 = vector.broadcast %parallel_loop3A_380 : i32 to vector<16xi32>
        %parallel_loop3A_382 = arith.andi %parallel_loop3A_379, %parallel_loop3A_381 : vector<16xi32>
        %parallel_loop3A_383 = arith.addi %parallel_loop3A_156, %parallel_loop3A_340 : vector<16xi32>
        %parallel_loop3A_384 = tpu.vector_load_idx %arg5[%parallel_loop3A_383] : memref<64000xf32, #tpu.memory_space<vmem>>[vector<16xi32>], vector<16xf32>,
        %parallel_loop3A_385 = arith.addi %parallel_loop3A_156, %parallel_loop3A_346 : vector<16xi32>
        %parallel_loop3A_386 = tpu.vector_load_idx %arg5[%parallel_loop3A_385] : memref<64000xf32, #tpu.memory_space<vmem>>[vector<16xi32>], vector<16xf32>,
        %parallel_loop3A_387 = arith.addi %parallel_loop3A_156, %parallel_loop3A_352 : vector<16xi32>
        %parallel_loop3A_388 = tpu.vector_load_idx %arg5[%parallel_loop3A_387] : memref<64000xf32, #tpu.memory_space<vmem>>[vector<16xi32>], vector<16xf32>,
        %parallel_loop3A_389 = arith.addi %parallel_loop3A_156, %parallel_loop3A_358 : vector<16xi32>
        %parallel_loop3A_390 = tpu.vector_load_idx %arg5[%parallel_loop3A_389] : memref<64000xf32, #tpu.memory_space<vmem>>[vector<16xi32>], vector<16xf32>,
        %parallel_loop3A_391 = arith.addi %parallel_loop3A_156, %parallel_loop3A_364 : vector<16xi32>
        %parallel_loop3A_392 = tpu.vector_load_idx %arg5[%parallel_loop3A_391] : memref<64000xf32, #tpu.memory_space<vmem>>[vector<16xi32>], vector<16xf32>,
        %parallel_loop3A_393 = arith.addi %parallel_loop3A_156, %parallel_loop3A_370 : vector<16xi32>
        %parallel_loop3A_394 = tpu.vector_load_idx %arg5[%parallel_loop3A_393] : memref<64000xf32, #tpu.memory_space<vmem>>[vector<16xi32>], vector<16xf32>,
        %parallel_loop3A_395 = arith.addi %parallel_loop3A_156, %parallel_loop3A_376 : vector<16xi32>
        %parallel_loop3A_396 = tpu.vector_load_idx %arg5[%parallel_loop3A_395] : memref<64000xf32, #tpu.memory_space<vmem>>[vector<16xi32>], vector<16xf32>,
        %parallel_loop3A_397 = arith.addi %parallel_loop3A_156, %parallel_loop3A_382 : vector<16xi32>
        %parallel_loop3A_398 = tpu.vector_load_idx %arg5[%parallel_loop3A_397] : memref<64000xf32, #tpu.memory_space<vmem>>[vector<16xi32>], vector<16xf32>,
        %parallel_loop3A_399 = arith.constant 3 : i32
        %parallel_loop3A_400 = vector.broadcast %parallel_loop3A_399 : i32 to vector<16xi32>
        %parallel_loop3A_401 = arith.shrsi %parallel_loop3A_340, %parallel_loop3A_400 : vector<16xi32>
        %parallel_loop3A_402 = vector.broadcast %parallel_loop3A_158 : i32 to vector<16xi32>
        %parallel_loop3A_403 = arith.addi %parallel_loop3A_401, %parallel_loop3A_402 : vector<16xi32>
        %parallel_loop3A_404 = arith.constant 7 : i32
        %parallel_loop3A_405 = vector.broadcast %parallel_loop3A_404 : i32 to vector<16xi32>
        %parallel_loop3A_406 = arith.andi %parallel_loop3A_340, %parallel_loop3A_405 : vector<16xi32>
        %parallel_loop3A_407 = arith.constant 0 : i32
        %parallel_loop3A_408 = arith.constant 0 : i32
        %parallel_loop3A_409 = arith.constant 0 : i32
        %parallel_loop3A_410 = arith.constant 0 : i32
        %parallel_loop3A_411 = tpu.memref_slice %arg7[%parallel_loop3A_407, %parallel_loop3A_408, %parallel_loop3A_409, %parallel_loop3A_410] : memref<2x8x8x128xf32, #tpu.memory_space<vmem>> -> memref<1x8x8x128xf32, #tpu.memory_space<vmem>>
        %parallel_loop3A_412 = tpu.memref_squeeze %parallel_loop3A_411 : memref<1x8x8x128xf32, #tpu.memory_space<vmem>> -> memref<8x8x128xf32, #tpu.memory_space<vmem>>
        tpu.vector_store_idx %parallel_loop3A_412[%parallel_loop3A_403, %parallel_loop3A_406, %parallel_loop3A_148], %parallel_loop3A_384 : memref<8x8x128xf32, #tpu.memory_space<vmem>>[vector<16xi32>, vector<16xi32>, vector<16xi32>], vector<16xf32>,
        %parallel_loop3A_413 = arith.constant 3 : i32
        %parallel_loop3A_414 = vector.broadcast %parallel_loop3A_413 : i32 to vector<16xi32>
        %parallel_loop3A_415 = arith.shrsi %parallel_loop3A_346, %parallel_loop3A_414 : vector<16xi32>
        %parallel_loop3A_416 = vector.broadcast %parallel_loop3A_158 : i32 to vector<16xi32>
        %parallel_loop3A_417 = arith.addi %parallel_loop3A_415, %parallel_loop3A_416 : vector<16xi32>
        %parallel_loop3A_418 = arith.constant 7 : i32
        %parallel_loop3A_419 = vector.broadcast %parallel_loop3A_418 : i32 to vector<16xi32>
        %parallel_loop3A_420 = arith.andi %parallel_loop3A_346, %parallel_loop3A_419 : vector<16xi32>
        %parallel_loop3A_421 = arith.constant 0 : i32
        %parallel_loop3A_422 = arith.constant 0 : i32
        %parallel_loop3A_423 = arith.constant 0 : i32
        %parallel_loop3A_424 = arith.constant 0 : i32
        %parallel_loop3A_425 = tpu.memref_slice %arg7[%parallel_loop3A_421, %parallel_loop3A_422, %parallel_loop3A_423, %parallel_loop3A_424] : memref<2x8x8x128xf32, #tpu.memory_space<vmem>> -> memref<1x8x8x128xf32, #tpu.memory_space<vmem>>
        %parallel_loop3A_426 = tpu.memref_squeeze %parallel_loop3A_425 : memref<1x8x8x128xf32, #tpu.memory_space<vmem>> -> memref<8x8x128xf32, #tpu.memory_space<vmem>>
        tpu.vector_store_idx %parallel_loop3A_426[%parallel_loop3A_417, %parallel_loop3A_420, %parallel_loop3A_148], %parallel_loop3A_386 : memref<8x8x128xf32, #tpu.memory_space<vmem>>[vector<16xi32>, vector<16xi32>, vector<16xi32>], vector<16xf32>,
        %parallel_loop3A_427 = arith.constant 3 : i32
        %parallel_loop3A_428 = vector.broadcast %parallel_loop3A_427 : i32 to vector<16xi32>
        %parallel_loop3A_429 = arith.shrsi %parallel_loop3A_352, %parallel_loop3A_428 : vector<16xi32>
        %parallel_loop3A_430 = vector.broadcast %parallel_loop3A_158 : i32 to vector<16xi32>
        %parallel_loop3A_431 = arith.addi %parallel_loop3A_429, %parallel_loop3A_430 : vector<16xi32>
        %parallel_loop3A_432 = arith.constant 7 : i32
        %parallel_loop3A_433 = vector.broadcast %parallel_loop3A_432 : i32 to vector<16xi32>
        %parallel_loop3A_434 = arith.andi %parallel_loop3A_352, %parallel_loop3A_433 : vector<16xi32>
        %parallel_loop3A_435 = arith.constant 0 : i32
        %parallel_loop3A_436 = arith.constant 0 : i32
        %parallel_loop3A_437 = arith.constant 0 : i32
        %parallel_loop3A_438 = arith.constant 0 : i32
        %parallel_loop3A_439 = tpu.memref_slice %arg7[%parallel_loop3A_435, %parallel_loop3A_436, %parallel_loop3A_437, %parallel_loop3A_438] : memref<2x8x8x128xf32, #tpu.memory_space<vmem>> -> memref<1x8x8x128xf32, #tpu.memory_space<vmem>>
        %parallel_loop3A_440 = tpu.memref_squeeze %parallel_loop3A_439 : memref<1x8x8x128xf32, #tpu.memory_space<vmem>> -> memref<8x8x128xf32, #tpu.memory_space<vmem>>
        tpu.vector_store_idx %parallel_loop3A_440[%parallel_loop3A_431, %parallel_loop3A_434, %parallel_loop3A_148], %parallel_loop3A_388 : memref<8x8x128xf32, #tpu.memory_space<vmem>>[vector<16xi32>, vector<16xi32>, vector<16xi32>], vector<16xf32>,
        %parallel_loop3A_441 = arith.constant 3 : i32
        %parallel_loop3A_442 = vector.broadcast %parallel_loop3A_441 : i32 to vector<16xi32>
        %parallel_loop3A_443 = arith.shrsi %parallel_loop3A_358, %parallel_loop3A_442 : vector<16xi32>
        %parallel_loop3A_444 = vector.broadcast %parallel_loop3A_158 : i32 to vector<16xi32>
        %parallel_loop3A_445 = arith.addi %parallel_loop3A_443, %parallel_loop3A_444 : vector<16xi32>
        %parallel_loop3A_446 = arith.constant 7 : i32
        %parallel_loop3A_447 = vector.broadcast %parallel_loop3A_446 : i32 to vector<16xi32>
        %parallel_loop3A_448 = arith.andi %parallel_loop3A_358, %parallel_loop3A_447 : vector<16xi32>
        %parallel_loop3A_449 = arith.constant 0 : i32
        %parallel_loop3A_450 = arith.constant 0 : i32
        %parallel_loop3A_451 = arith.constant 0 : i32
        %parallel_loop3A_452 = arith.constant 0 : i32
        %parallel_loop3A_453 = tpu.memref_slice %arg7[%parallel_loop3A_449, %parallel_loop3A_450, %parallel_loop3A_451, %parallel_loop3A_452] : memref<2x8x8x128xf32, #tpu.memory_space<vmem>> -> memref<1x8x8x128xf32, #tpu.memory_space<vmem>>
        %parallel_loop3A_454 = tpu.memref_squeeze %parallel_loop3A_453 : memref<1x8x8x128xf32, #tpu.memory_space<vmem>> -> memref<8x8x128xf32, #tpu.memory_space<vmem>>
        tpu.vector_store_idx %parallel_loop3A_454[%parallel_loop3A_445, %parallel_loop3A_448, %parallel_loop3A_148], %parallel_loop3A_390 : memref<8x8x128xf32, #tpu.memory_space<vmem>>[vector<16xi32>, vector<16xi32>, vector<16xi32>], vector<16xf32>,
        %parallel_loop3A_455 = arith.constant 3 : i32
        %parallel_loop3A_456 = vector.broadcast %parallel_loop3A_455 : i32 to vector<16xi32>
        %parallel_loop3A_457 = arith.shrsi %parallel_loop3A_364, %parallel_loop3A_456 : vector<16xi32>
        %parallel_loop3A_458 = vector.broadcast %parallel_loop3A_158 : i32 to vector<16xi32>
        %parallel_loop3A_459 = arith.addi %parallel_loop3A_457, %parallel_loop3A_458 : vector<16xi32>
        %parallel_loop3A_460 = arith.constant 7 : i32
        %parallel_loop3A_461 = vector.broadcast %parallel_loop3A_460 : i32 to vector<16xi32>
        %parallel_loop3A_462 = arith.andi %parallel_loop3A_364, %parallel_loop3A_461 : vector<16xi32>
        %parallel_loop3A_463 = arith.constant 0 : i32
        %parallel_loop3A_464 = arith.constant 0 : i32
        %parallel_loop3A_465 = arith.constant 0 : i32
        %parallel_loop3A_466 = arith.constant 0 : i32
        %parallel_loop3A_467 = tpu.memref_slice %arg7[%parallel_loop3A_463, %parallel_loop3A_464, %parallel_loop3A_465, %parallel_loop3A_466] : memref<2x8x8x128xf32, #tpu.memory_space<vmem>> -> memref<1x8x8x128xf32, #tpu.memory_space<vmem>>
        %parallel_loop3A_468 = tpu.memref_squeeze %parallel_loop3A_467 : memref<1x8x8x128xf32, #tpu.memory_space<vmem>> -> memref<8x8x128xf32, #tpu.memory_space<vmem>>
        tpu.vector_store_idx %parallel_loop3A_468[%parallel_loop3A_459, %parallel_loop3A_462, %parallel_loop3A_148], %parallel_loop3A_392 : memref<8x8x128xf32, #tpu.memory_space<vmem>>[vector<16xi32>, vector<16xi32>, vector<16xi32>], vector<16xf32>,
        %parallel_loop3A_469 = arith.constant 3 : i32
        %parallel_loop3A_470 = vector.broadcast %parallel_loop3A_469 : i32 to vector<16xi32>
        %parallel_loop3A_471 = arith.shrsi %parallel_loop3A_370, %parallel_loop3A_470 : vector<16xi32>
        %parallel_loop3A_472 = vector.broadcast %parallel_loop3A_158 : i32 to vector<16xi32>
        %parallel_loop3A_473 = arith.addi %parallel_loop3A_471, %parallel_loop3A_472 : vector<16xi32>
        %parallel_loop3A_474 = arith.constant 7 : i32
        %parallel_loop3A_475 = vector.broadcast %parallel_loop3A_474 : i32 to vector<16xi32>
        %parallel_loop3A_476 = arith.andi %parallel_loop3A_370, %parallel_loop3A_475 : vector<16xi32>
        %parallel_loop3A_477 = arith.constant 0 : i32
        %parallel_loop3A_478 = arith.constant 0 : i32
        %parallel_loop3A_479 = arith.constant 0 : i32
        %parallel_loop3A_480 = arith.constant 0 : i32
        %parallel_loop3A_481 = tpu.memref_slice %arg7[%parallel_loop3A_477, %parallel_loop3A_478, %parallel_loop3A_479, %parallel_loop3A_480] : memref<2x8x8x128xf32, #tpu.memory_space<vmem>> -> memref<1x8x8x128xf32, #tpu.memory_space<vmem>>
        %parallel_loop3A_482 = tpu.memref_squeeze %parallel_loop3A_481 : memref<1x8x8x128xf32, #tpu.memory_space<vmem>> -> memref<8x8x128xf32, #tpu.memory_space<vmem>>
        tpu.vector_store_idx %parallel_loop3A_482[%parallel_loop3A_473, %parallel_loop3A_476, %parallel_loop3A_148], %parallel_loop3A_394 : memref<8x8x128xf32, #tpu.memory_space<vmem>>[vector<16xi32>, vector<16xi32>, vector<16xi32>], vector<16xf32>,
        %parallel_loop3A_483 = arith.constant 3 : i32
        %parallel_loop3A_484 = vector.broadcast %parallel_loop3A_483 : i32 to vector<16xi32>
        %parallel_loop3A_485 = arith.shrsi %parallel_loop3A_376, %parallel_loop3A_484 : vector<16xi32>
        %parallel_loop3A_486 = vector.broadcast %parallel_loop3A_158 : i32 to vector<16xi32>
        %parallel_loop3A_487 = arith.addi %parallel_loop3A_485, %parallel_loop3A_486 : vector<16xi32>
        %parallel_loop3A_488 = arith.constant 7 : i32
        %parallel_loop3A_489 = vector.broadcast %parallel_loop3A_488 : i32 to vector<16xi32>
        %parallel_loop3A_490 = arith.andi %parallel_loop3A_376, %parallel_loop3A_489 : vector<16xi32>
        %parallel_loop3A_491 = arith.constant 0 : i32
        %parallel_loop3A_492 = arith.constant 0 : i32
        %parallel_loop3A_493 = arith.constant 0 : i32
        %parallel_loop3A_494 = arith.constant 0 : i32
        %parallel_loop3A_495 = tpu.memref_slice %arg7[%parallel_loop3A_491, %parallel_loop3A_492, %parallel_loop3A_493, %parallel_loop3A_494] : memref<2x8x8x128xf32, #tpu.memory_space<vmem>> -> memref<1x8x8x128xf32, #tpu.memory_space<vmem>>
        %parallel_loop3A_496 = tpu.memref_squeeze %parallel_loop3A_495 : memref<1x8x8x128xf32, #tpu.memory_space<vmem>> -> memref<8x8x128xf32, #tpu.memory_space<vmem>>
        tpu.vector_store_idx %parallel_loop3A_496[%parallel_loop3A_487, %parallel_loop3A_490, %parallel_loop3A_148], %parallel_loop3A_396 : memref<8x8x128xf32, #tpu.memory_space<vmem>>[vector<16xi32>, vector<16xi32>, vector<16xi32>], vector<16xf32>,
        %parallel_loop3A_497 = arith.constant 3 : i32
        %parallel_loop3A_498 = vector.broadcast %parallel_loop3A_497 : i32 to vector<16xi32>
        %parallel_loop3A_499 = arith.shrsi %parallel_loop3A_382, %parallel_loop3A_498 : vector<16xi32>
        %parallel_loop3A_500 = vector.broadcast %parallel_loop3A_158 : i32 to vector<16xi32>
        %parallel_loop3A_501 = arith.addi %parallel_loop3A_499, %parallel_loop3A_500 : vector<16xi32>
        %parallel_loop3A_502 = arith.constant 7 : i32
        %parallel_loop3A_503 = vector.broadcast %parallel_loop3A_502 : i32 to vector<16xi32>
        %parallel_loop3A_504 = arith.andi %parallel_loop3A_382, %parallel_loop3A_503 : vector<16xi32>
        %parallel_loop3A_505 = arith.constant 0 : i32
        %parallel_loop3A_506 = arith.constant 0 : i32
        %parallel_loop3A_507 = arith.constant 0 : i32
        %parallel_loop3A_508 = arith.constant 0 : i32
        %parallel_loop3A_509 = tpu.memref_slice %arg7[%parallel_loop3A_505, %parallel_loop3A_506, %parallel_loop3A_507, %parallel_loop3A_508] : memref<2x8x8x128xf32, #tpu.memory_space<vmem>> -> memref<1x8x8x128xf32, #tpu.memory_space<vmem>>
        %parallel_loop3A_510 = tpu.memref_squeeze %parallel_loop3A_509 : memref<1x8x8x128xf32, #tpu.memory_space<vmem>> -> memref<8x8x128xf32, #tpu.memory_space<vmem>>
        tpu.vector_store_idx %parallel_loop3A_510[%parallel_loop3A_501, %parallel_loop3A_504, %parallel_loop3A_148], %parallel_loop3A_398 : memref<8x8x128xf32, #tpu.memory_space<vmem>>[vector<16xi32>, vector<16xi32>, vector<16xi32>], vector<16xf32>,
      } {sc.loop_unroll_factor = 1 : i64, sc.parallel_access}
    } {sc.loop_unroll_factor = 1 : i64, sc.parallel_access}
    %add3A_37 = arith.constant 0 : i32
    %add3A_38 = arith.addi %mul3A_32, %add3A_37 : i32
    %dma_start3A = arith.constant 0 : i32
    %dma_start3A_39 = arith.constant 0 : i32
    %dma_start3A_40 = arith.constant 0 : i32
    %dma_start3A_41 = arith.constant 0 : i32
    %dma_start3A_42 = tpu.memref_slice %arg7[%dma_start3A, %dma_start3A_39, %dma_start3A_40, %dma_start3A_41] : memref<2x8x8x128xf32, #tpu.memory_space<vmem>> -> memref<1x8x8x128xf32, #tpu.memory_space<vmem>>
    %dma_start3A_43 = tpu.memref_squeeze %dma_start3A_42 : memref<1x8x8x128xf32, #tpu.memory_space<vmem>> -> memref<8x8x128xf32, #tpu.memory_space<vmem>>
    %dma_start3A_44 = arith.constant 0 : i32
    %dma_start3A_45 = arith.constant 0 : i32
    %dma_start3A_46 = arith.constant 0 : i32
    %dma_start3A_47 = tpu.memref_slice %arg4[%add3A_38, %dma_start3A_44, %select_n3A_9, %dma_start3A_45, %dma_start3A_46] : memref<200x8x8x8x128xf32, #tpu.memory_space<hbm>> -> memref<1x8x1x8x128xf32, #tpu.memory_space<hbm>>
    %dma_start3A_48 = tpu.memref_squeeze %dma_start3A_47 : memref<1x8x1x8x128xf32, #tpu.memory_space<hbm>> -> memref<8x8x128xf32, #tpu.memory_space<hbm>>
    %dma_start3A_49 = arith.constant 0 : i32
    %dma_start3A_50 = arith.constant 0 : i32
    %dma_start3A_51 = arith.constant 0 : i32
    %dma_start3A_52 = tpu.memref_slice %arg4[%add3A_38, %dma_start3A_49, %select_n3A_9, %dma_start3A_50, %dma_start3A_51] : memref<200x8x8x8x128xf32, #tpu.memory_space<hbm>> -> memref<1x8x1x8x128xf32, #tpu.memory_space<hbm>>
    %dma_start3A_53 = tpu.memref_squeeze %dma_start3A_52 : memref<1x8x1x8x128xf32, #tpu.memory_space<hbm>> -> memref<8x8x128xf32, #tpu.memory_space<hbm>>
    %dma_start3A_54 = arith.constant 0 : i32
    %dma_start3A_55 = arith.constant 0 : i32
    %dma_start3A_56 = arith.constant 0 : i32
    %dma_start3A_57 = tpu.memref_slice %arg7[%dma_start3A, %dma_start3A_54, %dma_start3A_55, %dma_start3A_56] : memref<2x8x8x128xf32, #tpu.memory_space<vmem>> -> memref<1x8x8x128xf32, #tpu.memory_space<vmem>>
    %dma_start3A_58 = tpu.memref_squeeze %dma_start3A_57 : memref<1x8x8x128xf32, #tpu.memory_space<vmem>> -> memref<8x8x128xf32, #tpu.memory_space<vmem>>
    tpu.enqueue_dma source(%dma_start3A_58 : memref<8x8x128xf32, #tpu.memory_space<vmem>>) target(%dma_start3A_53 : memref<8x8x128xf32, #tpu.memory_space<hbm>>) target_semaphore(%arg8 : memref<!tpu.dma_semaphore, #tpu.memory_space<semaphore_mem>>)
    %parallel_loop3A_59 = arith.constant 0 : i32
    %parallel_loop3A_60 = arith.constant 8 : i32
    %parallel_loop3A_61 = arith.constant 1 : i32
    scf.for %parallel_loop3A_135 = %parallel_loop3A_59 to %parallel_loop3A_60 step %parallel_loop3A_61  : i32 {
      %parallel_loop3A_136 = arith.constant 16 : i32
      %parallel_loop3A_137 = arith.muli %parallel_loop3A_135, %parallel_loop3A_136 : i32
      %parallel_loop3A_138 = arith.constant 1 : i32
      %parallel_loop3A_139 = arith.index_cast %parallel_loop3A_138 : i32 to index
      %parallel_loop3A_140 = arith.index_cast %parallel_loop3A_137 : i32 to index
      %parallel_loop3A_141 = tpu.vector_load %arg6[%parallel_loop3A_139, %parallel_loop3A_140] {strides = array<i32>} : memref<50x128xi32, #tpu.memory_space<vmem>>, vector<16xi32>,
      %parallel_loop3A_142 = arith.constant 64 : i32
      %parallel_loop3A_143 = vector.broadcast %parallel_loop3A_142 : i32 to vector<16xi32>
      %parallel_loop3A_144 = arith.muli %parallel_loop3A_141, %parallel_loop3A_143 : vector<16xi32>
      %parallel_loop3A_145 = arith.constant 16 : i32
      %parallel_loop3A_146 = arith.muli %parallel_loop3A_135, %parallel_loop3A_145 : i32
      %parallel_loop3A_147 = vector.broadcast %parallel_loop3A_146 : i32 to vector<16xi32>
      %parallel_loop3A_148 = arith.addi %iota3A, %parallel_loop3A_147 : vector<16xi32>
      %parallel_loop3A_149 = arith.constant 0 : i32
      %parallel_loop3A_150 = arith.constant 4 : i32
      %parallel_loop3A_151 = arith.constant 1 : i32
      scf.for %parallel_loop3A_152 = %parallel_loop3A_149 to %parallel_loop3A_150 step %parallel_loop3A_151  : i32 {
        %parallel_loop3A_153 = arith.constant 16 : i32
        %parallel_loop3A_154 = arith.muli %parallel_loop3A_152, %parallel_loop3A_153 : i32
        %parallel_loop3A_155 = vector.broadcast %parallel_loop3A_154 : i32 to vector<16xi32>
        %parallel_loop3A_156 = arith.addi %parallel_loop3A_144, %parallel_loop3A_155 : vector<16xi32>
        %parallel_loop3A_157 = arith.constant 2 : i32
        %parallel_loop3A_158 = arith.muli %parallel_loop3A_157, %parallel_loop3A_152 : i32
        %parallel_loop3A_159 = arith.constant 0 : i32
        %parallel_loop3A_160 = vector.broadcast %parallel_loop3A_159 : i32 to vector<16xi32>
        %parallel_loop3A_161 = arith.addi %iota3A, %parallel_loop3A_160 : vector<16xi32>
        %parallel_loop3A_162 = arith.constant 15 : i32
        %parallel_loop3A_163 = vector.broadcast %parallel_loop3A_162 : i32 to vector<16xi32>
        %parallel_loop3A_164 = arith.andi %parallel_loop3A_161, %parallel_loop3A_163 : vector<16xi32>
        %parallel_loop3A_165 = arith.constant 1 : i32
        %parallel_loop3A_166 = vector.broadcast %parallel_loop3A_165 : i32 to vector<16xi32>
        %parallel_loop3A_167 = arith.addi %iota3A, %parallel_loop3A_166 : vector<16xi32>
        %parallel_loop3A_168 = arith.constant 15 : i32
        %parallel_loop3A_169 = vector.broadcast %parallel_loop3A_168 : i32 to vector<16xi32>
        %parallel_loop3A_170 = arith.andi %parallel_loop3A_167, %parallel_loop3A_169 : vector<16xi32>
        %parallel_loop3A_171 = arith.constant 2 : i32
        %parallel_loop3A_172 = vector.broadcast %parallel_loop3A_171 : i32 to vector<16xi32>
        %parallel_loop3A_173 = arith.addi %iota3A, %parallel_loop3A_172 : vector<16xi32>
        %parallel_loop3A_174 = arith.constant 15 : i32
        %parallel_loop3A_175 = vector.broadcast %parallel_loop3A_174 : i32 to vector<16xi32>
        %parallel_loop3A_176 = arith.andi %parallel_loop3A_173, %parallel_loop3A_175 : vector<16xi32>
        %parallel_loop3A_177 = arith.constant 3 : i32
        %parallel_loop3A_178 = vector.broadcast %parallel_loop3A_177 : i32 to vector<16xi32>
        %parallel_loop3A_179 = arith.addi %iota3A, %parallel_loop3A_178 : vector<16xi32>
        %parallel_loop3A_180 = arith.constant 15 : i32
        %parallel_loop3A_181 = vector.broadcast %parallel_loop3A_180 : i32 to vector<16xi32>
        %parallel_loop3A_182 = arith.andi %parallel_loop3A_179, %parallel_loop3A_181 : vector<16xi32>
        %parallel_loop3A_183 = arith.constant 4 : i32
        %parallel_loop3A_184 = vector.broadcast %parallel_loop3A_183 : i32 to vector<16xi32>
        %parallel_loop3A_185 = arith.addi %iota3A, %parallel_loop3A_184 : vector<16xi32>
        %parallel_loop3A_186 = arith.constant 15 : i32
        %parallel_loop3A_187 = vector.broadcast %parallel_loop3A_186 : i32 to vector<16xi32>
        %parallel_loop3A_188 = arith.andi %parallel_loop3A_185, %parallel_loop3A_187 : vector<16xi32>
        %parallel_loop3A_189 = arith.constant 5 : i32
        %parallel_loop3A_190 = vector.broadcast %parallel_loop3A_189 : i32 to vector<16xi32>
        %parallel_loop3A_191 = arith.addi %iota3A, %parallel_loop3A_190 : vector<16xi32>
        %parallel_loop3A_192 = arith.constant 15 : i32
        %parallel_loop3A_193 = vector.broadcast %parallel_loop3A_192 : i32 to vector<16xi32>
        %parallel_loop3A_194 = arith.andi %parallel_loop3A_191, %parallel_loop3A_193 : vector<16xi32>
        %parallel_loop3A_195 = arith.constant 6 : i32
        %parallel_loop3A_196 = vector.broadcast %parallel_loop3A_195 : i32 to vector<16xi32>
        %parallel_loop3A_197 = arith.addi %iota3A, %parallel_loop3A_196 : vector<16xi32>
        %parallel_loop3A_198 = arith.constant 15 : i32
        %parallel_loop3A_199 = vector.broadcast %parallel_loop3A_198 : i32 to vector<16xi32>
        %parallel_loop3A_200 = arith.andi %parallel_loop3A_197, %parallel_loop3A_199 : vector<16xi32>
        %parallel_loop3A_201 = arith.constant 7 : i32
        %parallel_loop3A_202 = vector.broadcast %parallel_loop3A_201 : i32 to vector<16xi32>
        %parallel_loop3A_203 = arith.addi %iota3A, %parallel_loop3A_202 : vector<16xi32>
        %parallel_loop3A_204 = arith.constant 15 : i32
        %parallel_loop3A_205 = vector.broadcast %parallel_loop3A_204 : i32 to vector<16xi32>
        %parallel_loop3A_206 = arith.andi %parallel_loop3A_203, %parallel_loop3A_205 : vector<16xi32>
        %parallel_loop3A_207 = arith.addi %parallel_loop3A_156, %parallel_loop3A_164 : vector<16xi32>
        %parallel_loop3A_208 = tpu.vector_load_idx %arg5[%parallel_loop3A_207] : memref<64000xf32, #tpu.memory_space<vmem>>[vector<16xi32>], vector<16xf32>,
        %parallel_loop3A_209 = arith.addi %parallel_loop3A_156, %parallel_loop3A_170 : vector<16xi32>
        %parallel_loop3A_210 = tpu.vector_load_idx %arg5[%parallel_loop3A_209] : memref<64000xf32, #tpu.memory_space<vmem>>[vector<16xi32>], vector<16xf32>,
        %parallel_loop3A_211 = arith.addi %parallel_loop3A_156, %parallel_loop3A_176 : vector<16xi32>
        %parallel_loop3A_212 = tpu.vector_load_idx %arg5[%parallel_loop3A_211] : memref<64000xf32, #tpu.memory_space<vmem>>[vector<16xi32>], vector<16xf32>,
        %parallel_loop3A_213 = arith.addi %parallel_loop3A_156, %parallel_loop3A_182 : vector<16xi32>
        %parallel_loop3A_214 = tpu.vector_load_idx %arg5[%parallel_loop3A_213] : memref<64000xf32, #tpu.memory_space<vmem>>[vector<16xi32>], vector<16xf32>,
        %parallel_loop3A_215 = arith.addi %parallel_loop3A_156, %parallel_loop3A_188 : vector<16xi32>
        %parallel_loop3A_216 = tpu.vector_load_idx %arg5[%parallel_loop3A_215] : memref<64000xf32, #tpu.memory_space<vmem>>[vector<16xi32>], vector<16xf32>,
        %parallel_loop3A_217 = arith.addi %parallel_loop3A_156, %parallel_loop3A_194 : vector<16xi32>
        %parallel_loop3A_218 = tpu.vector_load_idx %arg5[%parallel_loop3A_217] : memref<64000xf32, #tpu.memory_space<vmem>>[vector<16xi32>], vector<16xf32>,
        %parallel_loop3A_219 = arith.addi %parallel_loop3A_156, %parallel_loop3A_200 : vector<16xi32>
        %parallel_loop3A_220 = tpu.vector_load_idx %arg5[%parallel_loop3A_219] : memref<64000xf32, #tpu.memory_space<vmem>>[vector<16xi32>], vector<16xf32>,
        %parallel_loop3A_221 = arith.addi %parallel_loop3A_156, %parallel_loop3A_206 : vector<16xi32>
        %parallel_loop3A_222 = tpu.vector_load_idx %arg5[%parallel_loop3A_221] : memref<64000xf32, #tpu.memory_space<vmem>>[vector<16xi32>], vector<16xf32>,
        %parallel_loop3A_223 = arith.constant 3 : i32
        %parallel_loop3A_224 = vector.broadcast %parallel_loop3A_223 : i32 to vector<16xi32>
        %parallel_loop3A_225 = arith.shrsi %parallel_loop3A_164, %parallel_loop3A_224 : vector<16xi32>
        %parallel_loop3A_226 = vector.broadcast %parallel_loop3A_158 : i32 to vector<16xi32>
        %parallel_loop3A_227 = arith.addi %parallel_loop3A_225, %parallel_loop3A_226 : vector<16xi32>
        %parallel_loop3A_228 = arith.constant 7 : i32
        %parallel_loop3A_229 = vector.broadcast %parallel_loop3A_228 : i32 to vector<16xi32>
        %parallel_loop3A_230 = arith.andi %parallel_loop3A_164, %parallel_loop3A_229 : vector<16xi32>
        %parallel_loop3A_231 = arith.constant 1 : i32
        %parallel_loop3A_232 = arith.constant 0 : i32
        %parallel_loop3A_233 = arith.constant 0 : i32
        %parallel_loop3A_234 = arith.constant 0 : i32
        %parallel_loop3A_235 = tpu.memref_slice %arg7[%parallel_loop3A_231, %parallel_loop3A_232, %parallel_loop3A_233, %parallel_loop3A_234] : memref<2x8x8x128xf32, #tpu.memory_space<vmem>> -> memref<1x8x8x128xf32, #tpu.memory_space<vmem>>
        %parallel_loop3A_236 = tpu.memref_squeeze %parallel_loop3A_235 : memref<1x8x8x128xf32, #tpu.memory_space<vmem>> -> memref<8x8x128xf32, #tpu.memory_space<vmem>>
        tpu.vector_store_idx %parallel_loop3A_236[%parallel_loop3A_227, %parallel_loop3A_230, %parallel_loop3A_148], %parallel_loop3A_208 : memref<8x8x128xf32, #tpu.memory_space<vmem>>[vector<16xi32>, vector<16xi32>, vector<16xi32>], vector<16xf32>,
        %parallel_loop3A_237 = arith.constant 3 : i32
        %parallel_loop3A_238 = vector.broadcast %parallel_loop3A_237 : i32 to vector<16xi32>
        %parallel_loop3A_239 = arith.shrsi %parallel_loop3A_170, %parallel_loop3A_238 : vector<16xi32>
        %parallel_loop3A_240 = vector.broadcast %parallel_loop3A_158 : i32 to vector<16xi32>
        %parallel_loop3A_241 = arith.addi %parallel_loop3A_239, %parallel_loop3A_240 : vector<16xi32>
        %parallel_loop3A_242 = arith.constant 7 : i32
        %parallel_loop3A_243 = vector.broadcast %parallel_loop3A_242 : i32 to vector<16xi32>
        %parallel_loop3A_244 = arith.andi %parallel_loop3A_170, %parallel_loop3A_243 : vector<16xi32>
        %parallel_loop3A_245 = arith.constant 1 : i32
        %parallel_loop3A_246 = arith.constant 0 : i32
        %parallel_loop3A_247 = arith.constant 0 : i32
        %parallel_loop3A_248 = arith.constant 0 : i32
        %parallel_loop3A_249 = tpu.memref_slice %arg7[%parallel_loop3A_245, %parallel_loop3A_246, %parallel_loop3A_247, %parallel_loop3A_248] : memref<2x8x8x128xf32, #tpu.memory_space<vmem>> -> memref<1x8x8x128xf32, #tpu.memory_space<vmem>>
        %parallel_loop3A_250 = tpu.memref_squeeze %parallel_loop3A_249 : memref<1x8x8x128xf32, #tpu.memory_space<vmem>> -> memref<8x8x128xf32, #tpu.memory_space<vmem>>
        tpu.vector_store_idx %parallel_loop3A_250[%parallel_loop3A_241, %parallel_loop3A_244, %parallel_loop3A_148], %parallel_loop3A_210 : memref<8x8x128xf32, #tpu.memory_space<vmem>>[vector<16xi32>, vector<16xi32>, vector<16xi32>], vector<16xf32>,
        %parallel_loop3A_251 = arith.constant 3 : i32
        %parallel_loop3A_252 = vector.broadcast %parallel_loop3A_251 : i32 to vector<16xi32>
        %parallel_loop3A_253 = arith.shrsi %parallel_loop3A_176, %parallel_loop3A_252 : vector<16xi32>
        %parallel_loop3A_254 = vector.broadcast %parallel_loop3A_158 : i32 to vector<16xi32>
        %parallel_loop3A_255 = arith.addi %parallel_loop3A_253, %parallel_loop3A_254 : vector<16xi32>
        %parallel_loop3A_256 = arith.constant 7 : i32
        %parallel_loop3A_257 = vector.broadcast %parallel_loop3A_256 : i32 to vector<16xi32>
        %parallel_loop3A_258 = arith.andi %parallel_loop3A_176, %parallel_loop3A_257 : vector<16xi32>
        %parallel_loop3A_259 = arith.constant 1 : i32
        %parallel_loop3A_260 = arith.constant 0 : i32
        %parallel_loop3A_261 = arith.constant 0 : i32
        %parallel_loop3A_262 = arith.constant 0 : i32
        %parallel_loop3A_263 = tpu.memref_slice %arg7[%parallel_loop3A_259, %parallel_loop3A_260, %parallel_loop3A_261, %parallel_loop3A_262] : memref<2x8x8x128xf32, #tpu.memory_space<vmem>> -> memref<1x8x8x128xf32, #tpu.memory_space<vmem>>
        %parallel_loop3A_264 = tpu.memref_squeeze %parallel_loop3A_263 : memref<1x8x8x128xf32, #tpu.memory_space<vmem>> -> memref<8x8x128xf32, #tpu.memory_space<vmem>>
        tpu.vector_store_idx %parallel_loop3A_264[%parallel_loop3A_255, %parallel_loop3A_258, %parallel_loop3A_148], %parallel_loop3A_212 : memref<8x8x128xf32, #tpu.memory_space<vmem>>[vector<16xi32>, vector<16xi32>, vector<16xi32>], vector<16xf32>,
        %parallel_loop3A_265 = arith.constant 3 : i32
        %parallel_loop3A_266 = vector.broadcast %parallel_loop3A_265 : i32 to vector<16xi32>
        %parallel_loop3A_267 = arith.shrsi %parallel_loop3A_182, %parallel_loop3A_266 : vector<16xi32>
        %parallel_loop3A_268 = vector.broadcast %parallel_loop3A_158 : i32 to vector<16xi32>
        %parallel_loop3A_269 = arith.addi %parallel_loop3A_267, %parallel_loop3A_268 : vector<16xi32>
        %parallel_loop3A_270 = arith.constant 7 : i32
        %parallel_loop3A_271 = vector.broadcast %parallel_loop3A_270 : i32 to vector<16xi32>
        %parallel_loop3A_272 = arith.andi %parallel_loop3A_182, %parallel_loop3A_271 : vector<16xi32>
        %parallel_loop3A_273 = arith.constant 1 : i32
        %parallel_loop3A_274 = arith.constant 0 : i32
        %parallel_loop3A_275 = arith.constant 0 : i32
        %parallel_loop3A_276 = arith.constant 0 : i32
        %parallel_loop3A_277 = tpu.memref_slice %arg7[%parallel_loop3A_273, %parallel_loop3A_274, %parallel_loop3A_275, %parallel_loop3A_276] : memref<2x8x8x128xf32, #tpu.memory_space<vmem>> -> memref<1x8x8x128xf32, #tpu.memory_space<vmem>>
        %parallel_loop3A_278 = tpu.memref_squeeze %parallel_loop3A_277 : memref<1x8x8x128xf32, #tpu.memory_space<vmem>> -> memref<8x8x128xf32, #tpu.memory_space<vmem>>
        tpu.vector_store_idx %parallel_loop3A_278[%parallel_loop3A_269, %parallel_loop3A_272, %parallel_loop3A_148], %parallel_loop3A_214 : memref<8x8x128xf32, #tpu.memory_space<vmem>>[vector<16xi32>, vector<16xi32>, vector<16xi32>], vector<16xf32>,
        %parallel_loop3A_279 = arith.constant 3 : i32
        %parallel_loop3A_280 = vector.broadcast %parallel_loop3A_279 : i32 to vector<16xi32>
        %parallel_loop3A_281 = arith.shrsi %parallel_loop3A_188, %parallel_loop3A_280 : vector<16xi32>
        %parallel_loop3A_282 = vector.broadcast %parallel_loop3A_158 : i32 to vector<16xi32>
        %parallel_loop3A_283 = arith.addi %parallel_loop3A_281, %parallel_loop3A_282 : vector<16xi32>
        %parallel_loop3A_284 = arith.constant 7 : i32
        %parallel_loop3A_285 = vector.broadcast %parallel_loop3A_284 : i32 to vector<16xi32>
        %parallel_loop3A_286 = arith.andi %parallel_loop3A_188, %parallel_loop3A_285 : vector<16xi32>
        %parallel_loop3A_287 = arith.constant 1 : i32
        %parallel_loop3A_288 = arith.constant 0 : i32
        %parallel_loop3A_289 = arith.constant 0 : i32
        %parallel_loop3A_290 = arith.constant 0 : i32
        %parallel_loop3A_291 = tpu.memref_slice %arg7[%parallel_loop3A_287, %parallel_loop3A_288, %parallel_loop3A_289, %parallel_loop3A_290] : memref<2x8x8x128xf32, #tpu.memory_space<vmem>> -> memref<1x8x8x128xf32, #tpu.memory_space<vmem>>
        %parallel_loop3A_292 = tpu.memref_squeeze %parallel_loop3A_291 : memref<1x8x8x128xf32, #tpu.memory_space<vmem>> -> memref<8x8x128xf32, #tpu.memory_space<vmem>>
        tpu.vector_store_idx %parallel_loop3A_292[%parallel_loop3A_283, %parallel_loop3A_286, %parallel_loop3A_148], %parallel_loop3A_216 : memref<8x8x128xf32, #tpu.memory_space<vmem>>[vector<16xi32>, vector<16xi32>, vector<16xi32>], vector<16xf32>,
        %parallel_loop3A_293 = arith.constant 3 : i32
        %parallel_loop3A_294 = vector.broadcast %parallel_loop3A_293 : i32 to vector<16xi32>
        %parallel_loop3A_295 = arith.shrsi %parallel_loop3A_194, %parallel_loop3A_294 : vector<16xi32>
        %parallel_loop3A_296 = vector.broadcast %parallel_loop3A_158 : i32 to vector<16xi32>
        %parallel_loop3A_297 = arith.addi %parallel_loop3A_295, %parallel_loop3A_296 : vector<16xi32>
        %parallel_loop3A_298 = arith.constant 7 : i32
        %parallel_loop3A_299 = vector.broadcast %parallel_loop3A_298 : i32 to vector<16xi32>
        %parallel_loop3A_300 = arith.andi %parallel_loop3A_194, %parallel_loop3A_299 : vector<16xi32>
        %parallel_loop3A_301 = arith.constant 1 : i32
        %parallel_loop3A_302 = arith.constant 0 : i32
        %parallel_loop3A_303 = arith.constant 0 : i32
        %parallel_loop3A_304 = arith.constant 0 : i32
        %parallel_loop3A_305 = tpu.memref_slice %arg7[%parallel_loop3A_301, %parallel_loop3A_302, %parallel_loop3A_303, %parallel_loop3A_304] : memref<2x8x8x128xf32, #tpu.memory_space<vmem>> -> memref<1x8x8x128xf32, #tpu.memory_space<vmem>>
        %parallel_loop3A_306 = tpu.memref_squeeze %parallel_loop3A_305 : memref<1x8x8x128xf32, #tpu.memory_space<vmem>> -> memref<8x8x128xf32, #tpu.memory_space<vmem>>
        tpu.vector_store_idx %parallel_loop3A_306[%parallel_loop3A_297, %parallel_loop3A_300, %parallel_loop3A_148], %parallel_loop3A_218 : memref<8x8x128xf32, #tpu.memory_space<vmem>>[vector<16xi32>, vector<16xi32>, vector<16xi32>], vector<16xf32>,
        %parallel_loop3A_307 = arith.constant 3 : i32
        %parallel_loop3A_308 = vector.broadcast %parallel_loop3A_307 : i32 to vector<16xi32>
        %parallel_loop3A_309 = arith.shrsi %parallel_loop3A_200, %parallel_loop3A_308 : vector<16xi32>
        %parallel_loop3A_310 = vector.broadcast %parallel_loop3A_158 : i32 to vector<16xi32>
        %parallel_loop3A_311 = arith.addi %parallel_loop3A_309, %parallel_loop3A_310 : vector<16xi32>
        %parallel_loop3A_312 = arith.constant 7 : i32
        %parallel_loop3A_313 = vector.broadcast %parallel_loop3A_312 : i32 to vector<16xi32>
        %parallel_loop3A_314 = arith.andi %parallel_loop3A_200, %parallel_loop3A_313 : vector<16xi32>
        %parallel_loop3A_315 = arith.constant 1 : i32
        %parallel_loop3A_316 = arith.constant 0 : i32
        %parallel_loop3A_317 = arith.constant 0 : i32
        %parallel_loop3A_318 = arith.constant 0 : i32
        %parallel_loop3A_319 = tpu.memref_slice %arg7[%parallel_loop3A_315, %parallel_loop3A_316, %parallel_loop3A_317, %parallel_loop3A_318] : memref<2x8x8x128xf32, #tpu.memory_space<vmem>> -> memref<1x8x8x128xf32, #tpu.memory_space<vmem>>
        %parallel_loop3A_320 = tpu.memref_squeeze %parallel_loop3A_319 : memref<1x8x8x128xf32, #tpu.memory_space<vmem>> -> memref<8x8x128xf32, #tpu.memory_space<vmem>>
        tpu.vector_store_idx %parallel_loop3A_320[%parallel_loop3A_311, %parallel_loop3A_314, %parallel_loop3A_148], %parallel_loop3A_220 : memref<8x8x128xf32, #tpu.memory_space<vmem>>[vector<16xi32>, vector<16xi32>, vector<16xi32>], vector<16xf32>,
        %parallel_loop3A_321 = arith.constant 3 : i32
        %parallel_loop3A_322 = vector.broadcast %parallel_loop3A_321 : i32 to vector<16xi32>
        %parallel_loop3A_323 = arith.shrsi %parallel_loop3A_206, %parallel_loop3A_322 : vector<16xi32>
        %parallel_loop3A_324 = vector.broadcast %parallel_loop3A_158 : i32 to vector<16xi32>
        %parallel_loop3A_325 = arith.addi %parallel_loop3A_323, %parallel_loop3A_324 : vector<16xi32>
        %parallel_loop3A_326 = arith.constant 7 : i32
        %parallel_loop3A_327 = vector.broadcast %parallel_loop3A_326 : i32 to vector<16xi32>
        %parallel_loop3A_328 = arith.andi %parallel_loop3A_206, %parallel_loop3A_327 : vector<16xi32>
        %parallel_loop3A_329 = arith.constant 1 : i32
        %parallel_loop3A_330 = arith.constant 0 : i32
        %parallel_loop3A_331 = arith.constant 0 : i32
        %parallel_loop3A_332 = arith.constant 0 : i32
        %parallel_loop3A_333 = tpu.memref_slice %arg7[%parallel_loop3A_329, %parallel_loop3A_330, %parallel_loop3A_331, %parallel_loop3A_332] : memref<2x8x8x128xf32, #tpu.memory_space<vmem>> -> memref<1x8x8x128xf32, #tpu.memory_space<vmem>>
        %parallel_loop3A_334 = tpu.memref_squeeze %parallel_loop3A_333 : memref<1x8x8x128xf32, #tpu.memory_space<vmem>> -> memref<8x8x128xf32, #tpu.memory_space<vmem>>
        tpu.vector_store_idx %parallel_loop3A_334[%parallel_loop3A_325, %parallel_loop3A_328, %parallel_loop3A_148], %parallel_loop3A_222 : memref<8x8x128xf32, #tpu.memory_space<vmem>>[vector<16xi32>, vector<16xi32>, vector<16xi32>], vector<16xf32>,
        %parallel_loop3A_335 = arith.constant 8 : i32
        %parallel_loop3A_336 = vector.broadcast %parallel_loop3A_335 : i32 to vector<16xi32>
        %parallel_loop3A_337 = arith.addi %iota3A, %parallel_loop3A_336 : vector<16xi32>
        %parallel_loop3A_338 = arith.constant 15 : i32
        %parallel_loop3A_339 = vector.broadcast %parallel_loop3A_338 : i32 to vector<16xi32>
        %parallel_loop3A_340 = arith.andi %parallel_loop3A_337, %parallel_loop3A_339 : vector<16xi32>
        %parallel_loop3A_341 = arith.constant 9 : i32
        %parallel_loop3A_342 = vector.broadcast %parallel_loop3A_341 : i32 to vector<16xi32>
        %parallel_loop3A_343 = arith.addi %iota3A, %parallel_loop3A_342 : vector<16xi32>
        %parallel_loop3A_344 = arith.constant 15 : i32
        %parallel_loop3A_345 = vector.broadcast %parallel_loop3A_344 : i32 to vector<16xi32>
        %parallel_loop3A_346 = arith.andi %parallel_loop3A_343, %parallel_loop3A_345 : vector<16xi32>
        %parallel_loop3A_347 = arith.constant 10 : i32
        %parallel_loop3A_348 = vector.broadcast %parallel_loop3A_347 : i32 to vector<16xi32>
        %parallel_loop3A_349 = arith.addi %iota3A, %parallel_loop3A_348 : vector<16xi32>
        %parallel_loop3A_350 = arith.constant 15 : i32
        %parallel_loop3A_351 = vector.broadcast %parallel_loop3A_350 : i32 to vector<16xi32>
        %parallel_loop3A_352 = arith.andi %parallel_loop3A_349, %parallel_loop3A_351 : vector<16xi32>
        %parallel_loop3A_353 = arith.constant 11 : i32
        %parallel_loop3A_354 = vector.broadcast %parallel_loop3A_353 : i32 to vector<16xi32>
        %parallel_loop3A_355 = arith.addi %iota3A, %parallel_loop3A_354 : vector<16xi32>
        %parallel_loop3A_356 = arith.constant 15 : i32
        %parallel_loop3A_357 = vector.broadcast %parallel_loop3A_356 : i32 to vector<16xi32>
        %parallel_loop3A_358 = arith.andi %parallel_loop3A_355, %parallel_loop3A_357 : vector<16xi32>
        %parallel_loop3A_359 = arith.constant 12 : i32
        %parallel_loop3A_360 = vector.broadcast %parallel_loop3A_359 : i32 to vector<16xi32>
        %parallel_loop3A_361 = arith.addi %iota3A, %parallel_loop3A_360 : vector<16xi32>
        %parallel_loop3A_362 = arith.constant 15 : i32
        %parallel_loop3A_363 = vector.broadcast %parallel_loop3A_362 : i32 to vector<16xi32>
        %parallel_loop3A_364 = arith.andi %parallel_loop3A_361, %parallel_loop3A_363 : vector<16xi32>
        %parallel_loop3A_365 = arith.constant 13 : i32
        %parallel_loop3A_366 = vector.broadcast %parallel_loop3A_365 : i32 to vector<16xi32>
        %parallel_loop3A_367 = arith.addi %iota3A, %parallel_loop3A_366 : vector<16xi32>
        %parallel_loop3A_368 = arith.constant 15 : i32
        %parallel_loop3A_369 = vector.broadcast %parallel_loop3A_368 : i32 to vector<16xi32>
        %parallel_loop3A_370 = arith.andi %parallel_loop3A_367, %parallel_loop3A_369 : vector<16xi32>
        %parallel_loop3A_371 = arith.constant 14 : i32
        %parallel_loop3A_372 = vector.broadcast %parallel_loop3A_371 : i32 to vector<16xi32>
        %parallel_loop3A_373 = arith.addi %iota3A, %parallel_loop3A_372 : vector<16xi32>
        %parallel_loop3A_374 = arith.constant 15 : i32
        %parallel_loop3A_375 = vector.broadcast %parallel_loop3A_374 : i32 to vector<16xi32>
        %parallel_loop3A_376 = arith.andi %parallel_loop3A_373, %parallel_loop3A_375 : vector<16xi32>
        %parallel_loop3A_377 = arith.constant 15 : i32
        %parallel_loop3A_378 = vector.broadcast %parallel_loop3A_377 : i32 to vector<16xi32>
        %parallel_loop3A_379 = arith.addi %iota3A, %parallel_loop3A_378 : vector<16xi32>
        %parallel_loop3A_380 = arith.constant 15 : i32
        %parallel_loop3A_381 = vector.broadcast %parallel_loop3A_380 : i32 to vector<16xi32>
        %parallel_loop3A_382 = arith.andi %parallel_loop3A_379, %parallel_loop3A_381 : vector<16xi32>
        %parallel_loop3A_383 = arith.addi %parallel_loop3A_156, %parallel_loop3A_340 : vector<16xi32>
        %parallel_loop3A_384 = tpu.vector_load_idx %arg5[%parallel_loop3A_383] : memref<64000xf32, #tpu.memory_space<vmem>>[vector<16xi32>], vector<16xf32>,
        %parallel_loop3A_385 = arith.addi %parallel_loop3A_156, %parallel_loop3A_346 : vector<16xi32>
        %parallel_loop3A_386 = tpu.vector_load_idx %arg5[%parallel_loop3A_385] : memref<64000xf32, #tpu.memory_space<vmem>>[vector<16xi32>], vector<16xf32>,
        %parallel_loop3A_387 = arith.addi %parallel_loop3A_156, %parallel_loop3A_352 : vector<16xi32>
        %parallel_loop3A_388 = tpu.vector_load_idx %arg5[%parallel_loop3A_387] : memref<64000xf32, #tpu.memory_space<vmem>>[vector<16xi32>], vector<16xf32>,
        %parallel_loop3A_389 = arith.addi %parallel_loop3A_156, %parallel_loop3A_358 : vector<16xi32>
        %parallel_loop3A_390 = tpu.vector_load_idx %arg5[%parallel_loop3A_389] : memref<64000xf32, #tpu.memory_space<vmem>>[vector<16xi32>], vector<16xf32>,
        %parallel_loop3A_391 = arith.addi %parallel_loop3A_156, %parallel_loop3A_364 : vector<16xi32>
        %parallel_loop3A_392 = tpu.vector_load_idx %arg5[%parallel_loop3A_391] : memref<64000xf32, #tpu.memory_space<vmem>>[vector<16xi32>], vector<16xf32>,
        %parallel_loop3A_393 = arith.addi %parallel_loop3A_156, %parallel_loop3A_370 : vector<16xi32>
        %parallel_loop3A_394 = tpu.vector_load_idx %arg5[%parallel_loop3A_393] : memref<64000xf32, #tpu.memory_space<vmem>>[vector<16xi32>], vector<16xf32>,
        %parallel_loop3A_395 = arith.addi %parallel_loop3A_156, %parallel_loop3A_376 : vector<16xi32>
        %parallel_loop3A_396 = tpu.vector_load_idx %arg5[%parallel_loop3A_395] : memref<64000xf32, #tpu.memory_space<vmem>>[vector<16xi32>], vector<16xf32>,
        %parallel_loop3A_397 = arith.addi %parallel_loop3A_156, %parallel_loop3A_382 : vector<16xi32>
        %parallel_loop3A_398 = tpu.vector_load_idx %arg5[%parallel_loop3A_397] : memref<64000xf32, #tpu.memory_space<vmem>>[vector<16xi32>], vector<16xf32>,
        %parallel_loop3A_399 = arith.constant 3 : i32
        %parallel_loop3A_400 = vector.broadcast %parallel_loop3A_399 : i32 to vector<16xi32>
        %parallel_loop3A_401 = arith.shrsi %parallel_loop3A_340, %parallel_loop3A_400 : vector<16xi32>
        %parallel_loop3A_402 = vector.broadcast %parallel_loop3A_158 : i32 to vector<16xi32>
        %parallel_loop3A_403 = arith.addi %parallel_loop3A_401, %parallel_loop3A_402 : vector<16xi32>
        %parallel_loop3A_404 = arith.constant 7 : i32
        %parallel_loop3A_405 = vector.broadcast %parallel_loop3A_404 : i32 to vector<16xi32>
        %parallel_loop3A_406 = arith.andi %parallel_loop3A_340, %parallel_loop3A_405 : vector<16xi32>
        %parallel_loop3A_407 = arith.constant 1 : i32
        %parallel_loop3A_408 = arith.constant 0 : i32
        %parallel_loop3A_409 = arith.constant 0 : i32
        %parallel_loop3A_410 = arith.constant 0 : i32
        %parallel_loop3A_411 = tpu.memref_slice %arg7[%parallel_loop3A_407, %parallel_loop3A_408, %parallel_loop3A_409, %parallel_loop3A_410] : memref<2x8x8x128xf32, #tpu.memory_space<vmem>> -> memref<1x8x8x128xf32, #tpu.memory_space<vmem>>
        %parallel_loop3A_412 = tpu.memref_squeeze %parallel_loop3A_411 : memref<1x8x8x128xf32, #tpu.memory_space<vmem>> -> memref<8x8x128xf32, #tpu.memory_space<vmem>>
        tpu.vector_store_idx %parallel_loop3A_412[%parallel_loop3A_403, %parallel_loop3A_406, %parallel_loop3A_148], %parallel_loop3A_384 : memref<8x8x128xf32, #tpu.memory_space<vmem>>[vector<16xi32>, vector<16xi32>, vector<16xi32>], vector<16xf32>,
        %parallel_loop3A_413 = arith.constant 3 : i32
        %parallel_loop3A_414 = vector.broadcast %parallel_loop3A_413 : i32 to vector<16xi32>
        %parallel_loop3A_415 = arith.shrsi %parallel_loop3A_346, %parallel_loop3A_414 : vector<16xi32>
        %parallel_loop3A_416 = vector.broadcast %parallel_loop3A_158 : i32 to vector<16xi32>
        %parallel_loop3A_417 = arith.addi %parallel_loop3A_415, %parallel_loop3A_416 : vector<16xi32>
        %parallel_loop3A_418 = arith.constant 7 : i32
        %parallel_loop3A_419 = vector.broadcast %parallel_loop3A_418 : i32 to vector<16xi32>
        %parallel_loop3A_420 = arith.andi %parallel_loop3A_346, %parallel_loop3A_419 : vector<16xi32>
        %parallel_loop3A_421 = arith.constant 1 : i32
        %parallel_loop3A_422 = arith.constant 0 : i32
        %parallel_loop3A_423 = arith.constant 0 : i32
        %parallel_loop3A_424 = arith.constant 0 : i32
        %parallel_loop3A_425 = tpu.memref_slice %arg7[%parallel_loop3A_421, %parallel_loop3A_422, %parallel_loop3A_423, %parallel_loop3A_424] : memref<2x8x8x128xf32, #tpu.memory_space<vmem>> -> memref<1x8x8x128xf32, #tpu.memory_space<vmem>>
        %parallel_loop3A_426 = tpu.memref_squeeze %parallel_loop3A_425 : memref<1x8x8x128xf32, #tpu.memory_space<vmem>> -> memref<8x8x128xf32, #tpu.memory_space<vmem>>
        tpu.vector_store_idx %parallel_loop3A_426[%parallel_loop3A_417, %parallel_loop3A_420, %parallel_loop3A_148], %parallel_loop3A_386 : memref<8x8x128xf32, #tpu.memory_space<vmem>>[vector<16xi32>, vector<16xi32>, vector<16xi32>], vector<16xf32>,
        %parallel_loop3A_427 = arith.constant 3 : i32
        %parallel_loop3A_428 = vector.broadcast %parallel_loop3A_427 : i32 to vector<16xi32>
        %parallel_loop3A_429 = arith.shrsi %parallel_loop3A_352, %parallel_loop3A_428 : vector<16xi32>
        %parallel_loop3A_430 = vector.broadcast %parallel_loop3A_158 : i32 to vector<16xi32>
        %parallel_loop3A_431 = arith.addi %parallel_loop3A_429, %parallel_loop3A_430 : vector<16xi32>
        %parallel_loop3A_432 = arith.constant 7 : i32
        %parallel_loop3A_433 = vector.broadcast %parallel_loop3A_432 : i32 to vector<16xi32>
        %parallel_loop3A_434 = arith.andi %parallel_loop3A_352, %parallel_loop3A_433 : vector<16xi32>
        %parallel_loop3A_435 = arith.constant 1 : i32
        %parallel_loop3A_436 = arith.constant 0 : i32
        %parallel_loop3A_437 = arith.constant 0 : i32
        %parallel_loop3A_438 = arith.constant 0 : i32
        %parallel_loop3A_439 = tpu.memref_slice %arg7[%parallel_loop3A_435, %parallel_loop3A_436, %parallel_loop3A_437, %parallel_loop3A_438] : memref<2x8x8x128xf32, #tpu.memory_space<vmem>> -> memref<1x8x8x128xf32, #tpu.memory_space<vmem>>
        %parallel_loop3A_440 = tpu.memref_squeeze %parallel_loop3A_439 : memref<1x8x8x128xf32, #tpu.memory_space<vmem>> -> memref<8x8x128xf32, #tpu.memory_space<vmem>>
        tpu.vector_store_idx %parallel_loop3A_440[%parallel_loop3A_431, %parallel_loop3A_434, %parallel_loop3A_148], %parallel_loop3A_388 : memref<8x8x128xf32, #tpu.memory_space<vmem>>[vector<16xi32>, vector<16xi32>, vector<16xi32>], vector<16xf32>,
        %parallel_loop3A_441 = arith.constant 3 : i32
        %parallel_loop3A_442 = vector.broadcast %parallel_loop3A_441 : i32 to vector<16xi32>
        %parallel_loop3A_443 = arith.shrsi %parallel_loop3A_358, %parallel_loop3A_442 : vector<16xi32>
        %parallel_loop3A_444 = vector.broadcast %parallel_loop3A_158 : i32 to vector<16xi32>
        %parallel_loop3A_445 = arith.addi %parallel_loop3A_443, %parallel_loop3A_444 : vector<16xi32>
        %parallel_loop3A_446 = arith.constant 7 : i32
        %parallel_loop3A_447 = vector.broadcast %parallel_loop3A_446 : i32 to vector<16xi32>
        %parallel_loop3A_448 = arith.andi %parallel_loop3A_358, %parallel_loop3A_447 : vector<16xi32>
        %parallel_loop3A_449 = arith.constant 1 : i32
        %parallel_loop3A_450 = arith.constant 0 : i32
        %parallel_loop3A_451 = arith.constant 0 : i32
        %parallel_loop3A_452 = arith.constant 0 : i32
        %parallel_loop3A_453 = tpu.memref_slice %arg7[%parallel_loop3A_449, %parallel_loop3A_450, %parallel_loop3A_451, %parallel_loop3A_452] : memref<2x8x8x128xf32, #tpu.memory_space<vmem>> -> memref<1x8x8x128xf32, #tpu.memory_space<vmem>>
        %parallel_loop3A_454 = tpu.memref_squeeze %parallel_loop3A_453 : memref<1x8x8x128xf32, #tpu.memory_space<vmem>> -> memref<8x8x128xf32, #tpu.memory_space<vmem>>
        tpu.vector_store_idx %parallel_loop3A_454[%parallel_loop3A_445, %parallel_loop3A_448, %parallel_loop3A_148], %parallel_loop3A_390 : memref<8x8x128xf32, #tpu.memory_space<vmem>>[vector<16xi32>, vector<16xi32>, vector<16xi32>], vector<16xf32>,
        %parallel_loop3A_455 = arith.constant 3 : i32
        %parallel_loop3A_456 = vector.broadcast %parallel_loop3A_455 : i32 to vector<16xi32>
        %parallel_loop3A_457 = arith.shrsi %parallel_loop3A_364, %parallel_loop3A_456 : vector<16xi32>
        %parallel_loop3A_458 = vector.broadcast %parallel_loop3A_158 : i32 to vector<16xi32>
        %parallel_loop3A_459 = arith.addi %parallel_loop3A_457, %parallel_loop3A_458 : vector<16xi32>
        %parallel_loop3A_460 = arith.constant 7 : i32
        %parallel_loop3A_461 = vector.broadcast %parallel_loop3A_460 : i32 to vector<16xi32>
        %parallel_loop3A_462 = arith.andi %parallel_loop3A_364, %parallel_loop3A_461 : vector<16xi32>
        %parallel_loop3A_463 = arith.constant 1 : i32
        %parallel_loop3A_464 = arith.constant 0 : i32
        %parallel_loop3A_465 = arith.constant 0 : i32
        %parallel_loop3A_466 = arith.constant 0 : i32
        %parallel_loop3A_467 = tpu.memref_slice %arg7[%parallel_loop3A_463, %parallel_loop3A_464, %parallel_loop3A_465, %parallel_loop3A_466] : memref<2x8x8x128xf32, #tpu.memory_space<vmem>> -> memref<1x8x8x128xf32, #tpu.memory_space<vmem>>
        %parallel_loop3A_468 = tpu.memref_squeeze %parallel_loop3A_467 : memref<1x8x8x128xf32, #tpu.memory_space<vmem>> -> memref<8x8x128xf32, #tpu.memory_space<vmem>>
        tpu.vector_store_idx %parallel_loop3A_468[%parallel_loop3A_459, %parallel_loop3A_462, %parallel_loop3A_148], %parallel_loop3A_392 : memref<8x8x128xf32, #tpu.memory_space<vmem>>[vector<16xi32>, vector<16xi32>, vector<16xi32>], vector<16xf32>,
        %parallel_loop3A_469 = arith.constant 3 : i32
        %parallel_loop3A_470 = vector.broadcast %parallel_loop3A_469 : i32 to vector<16xi32>
        %parallel_loop3A_471 = arith.shrsi %parallel_loop3A_370, %parallel_loop3A_470 : vector<16xi32>
        %parallel_loop3A_472 = vector.broadcast %parallel_loop3A_158 : i32 to vector<16xi32>
        %parallel_loop3A_473 = arith.addi %parallel_loop3A_471, %parallel_loop3A_472 : vector<16xi32>
        %parallel_loop3A_474 = arith.constant 7 : i32
        %parallel_loop3A_475 = vector.broadcast %parallel_loop3A_474 : i32 to vector<16xi32>
        %parallel_loop3A_476 = arith.andi %parallel_loop3A_370, %parallel_loop3A_475 : vector<16xi32>
        %parallel_loop3A_477 = arith.constant 1 : i32
        %parallel_loop3A_478 = arith.constant 0 : i32
        %parallel_loop3A_479 = arith.constant 0 : i32
        %parallel_loop3A_480 = arith.constant 0 : i32
        %parallel_loop3A_481 = tpu.memref_slice %arg7[%parallel_loop3A_477, %parallel_loop3A_478, %parallel_loop3A_479, %parallel_loop3A_480] : memref<2x8x8x128xf32, #tpu.memory_space<vmem>> -> memref<1x8x8x128xf32, #tpu.memory_space<vmem>>
        %parallel_loop3A_482 = tpu.memref_squeeze %parallel_loop3A_481 : memref<1x8x8x128xf32, #tpu.memory_space<vmem>> -> memref<8x8x128xf32, #tpu.memory_space<vmem>>
        tpu.vector_store_idx %parallel_loop3A_482[%parallel_loop3A_473, %parallel_loop3A_476, %parallel_loop3A_148], %parallel_loop3A_394 : memref<8x8x128xf32, #tpu.memory_space<vmem>>[vector<16xi32>, vector<16xi32>, vector<16xi32>], vector<16xf32>,
        %parallel_loop3A_483 = arith.constant 3 : i32
        %parallel_loop3A_484 = vector.broadcast %parallel_loop3A_483 : i32 to vector<16xi32>
        %parallel_loop3A_485 = arith.shrsi %parallel_loop3A_376, %parallel_loop3A_484 : vector<16xi32>
        %parallel_loop3A_486 = vector.broadcast %parallel_loop3A_158 : i32 to vector<16xi32>
        %parallel_loop3A_487 = arith.addi %parallel_loop3A_485, %parallel_loop3A_486 : vector<16xi32>
        %parallel_loop3A_488 = arith.constant 7 : i32
        %parallel_loop3A_489 = vector.broadcast %parallel_loop3A_488 : i32 to vector<16xi32>
        %parallel_loop3A_490 = arith.andi %parallel_loop3A_376, %parallel_loop3A_489 : vector<16xi32>
        %parallel_loop3A_491 = arith.constant 1 : i32
        %parallel_loop3A_492 = arith.constant 0 : i32
        %parallel_loop3A_493 = arith.constant 0 : i32
        %parallel_loop3A_494 = arith.constant 0 : i32
        %parallel_loop3A_495 = tpu.memref_slice %arg7[%parallel_loop3A_491, %parallel_loop3A_492, %parallel_loop3A_493, %parallel_loop3A_494] : memref<2x8x8x128xf32, #tpu.memory_space<vmem>> -> memref<1x8x8x128xf32, #tpu.memory_space<vmem>>
        %parallel_loop3A_496 = tpu.memref_squeeze %parallel_loop3A_495 : memref<1x8x8x128xf32, #tpu.memory_space<vmem>> -> memref<8x8x128xf32, #tpu.memory_space<vmem>>
        tpu.vector_store_idx %parallel_loop3A_496[%parallel_loop3A_487, %parallel_loop3A_490, %parallel_loop3A_148], %parallel_loop3A_396 : memref<8x8x128xf32, #tpu.memory_space<vmem>>[vector<16xi32>, vector<16xi32>, vector<16xi32>], vector<16xf32>,
        %parallel_loop3A_497 = arith.constant 3 : i32
        %parallel_loop3A_498 = vector.broadcast %parallel_loop3A_497 : i32 to vector<16xi32>
        %parallel_loop3A_499 = arith.shrsi %parallel_loop3A_382, %parallel_loop3A_498 : vector<16xi32>
        %parallel_loop3A_500 = vector.broadcast %parallel_loop3A_158 : i32 to vector<16xi32>
        %parallel_loop3A_501 = arith.addi %parallel_loop3A_499, %parallel_loop3A_500 : vector<16xi32>
        %parallel_loop3A_502 = arith.constant 7 : i32
        %parallel_loop3A_503 = vector.broadcast %parallel_loop3A_502 : i32 to vector<16xi32>
        %parallel_loop3A_504 = arith.andi %parallel_loop3A_382, %parallel_loop3A_503 : vector<16xi32>
        %parallel_loop3A_505 = arith.constant 1 : i32
        %parallel_loop3A_506 = arith.constant 0 : i32
        %parallel_loop3A_507 = arith.constant 0 : i32
        %parallel_loop3A_508 = arith.constant 0 : i32
        %parallel_loop3A_509 = tpu.memref_slice %arg7[%parallel_loop3A_505, %parallel_loop3A_506, %parallel_loop3A_507, %parallel_loop3A_508] : memref<2x8x8x128xf32, #tpu.memory_space<vmem>> -> memref<1x8x8x128xf32, #tpu.memory_space<vmem>>
        %parallel_loop3A_510 = tpu.memref_squeeze %parallel_loop3A_509 : memref<1x8x8x128xf32, #tpu.memory_space<vmem>> -> memref<8x8x128xf32, #tpu.memory_space<vmem>>
        tpu.vector_store_idx %parallel_loop3A_510[%parallel_loop3A_501, %parallel_loop3A_504, %parallel_loop3A_148], %parallel_loop3A_398 : memref<8x8x128xf32, #tpu.memory_space<vmem>>[vector<16xi32>, vector<16xi32>, vector<16xi32>], vector<16xf32>,
      } {sc.loop_unroll_factor = 1 : i64, sc.parallel_access}
    } {sc.loop_unroll_factor = 1 : i64, sc.parallel_access}
    %add3A_62 = arith.constant 1 : i32
    %add3A_63 = arith.addi %mul3A_32, %add3A_62 : i32
    %dma_start3A_64 = arith.constant 1 : i32
    %dma_start3A_65 = arith.constant 0 : i32
    %dma_start3A_66 = arith.constant 0 : i32
    %dma_start3A_67 = arith.constant 0 : i32
    %dma_start3A_68 = tpu.memref_slice %arg7[%dma_start3A_64, %dma_start3A_65, %dma_start3A_66, %dma_start3A_67] : memref<2x8x8x128xf32, #tpu.memory_space<vmem>> -> memref<1x8x8x128xf32, #tpu.memory_space<vmem>>
    %dma_start3A_69 = tpu.memref_squeeze %dma_start3A_68 : memref<1x8x8x128xf32, #tpu.memory_space<vmem>> -> memref<8x8x128xf32, #tpu.memory_space<vmem>>
    %dma_start3A_70 = arith.constant 0 : i32
    %dma_start3A_71 = arith.constant 0 : i32
    %dma_start3A_72 = arith.constant 0 : i32
    %dma_start3A_73 = tpu.memref_slice %arg4[%add3A_63, %dma_start3A_70, %select_n3A_9, %dma_start3A_71, %dma_start3A_72] : memref<200x8x8x8x128xf32, #tpu.memory_space<hbm>> -> memref<1x8x1x8x128xf32, #tpu.memory_space<hbm>>
    %dma_start3A_74 = tpu.memref_squeeze %dma_start3A_73 : memref<1x8x1x8x128xf32, #tpu.memory_space<hbm>> -> memref<8x8x128xf32, #tpu.memory_space<hbm>>
    %dma_start3A_75 = arith.constant 0 : i32
    %dma_start3A_76 = arith.constant 0 : i32
    %dma_start3A_77 = arith.constant 0 : i32
    %dma_start3A_78 = tpu.memref_slice %arg4[%add3A_63, %dma_start3A_75, %select_n3A_9, %dma_start3A_76, %dma_start3A_77] : memref<200x8x8x8x128xf32, #tpu.memory_space<hbm>> -> memref<1x8x1x8x128xf32, #tpu.memory_space<hbm>>
    %dma_start3A_79 = tpu.memref_squeeze %dma_start3A_78 : memref<1x8x1x8x128xf32, #tpu.memory_space<hbm>> -> memref<8x8x128xf32, #tpu.memory_space<hbm>>
    %dma_start3A_80 = arith.constant 0 : i32
    %dma_start3A_81 = arith.constant 0 : i32
    %dma_start3A_82 = arith.constant 0 : i32
    %dma_start3A_83 = tpu.memref_slice %arg7[%dma_start3A_64, %dma_start3A_80, %dma_start3A_81, %dma_start3A_82] : memref<2x8x8x128xf32, #tpu.memory_space<vmem>> -> memref<1x8x8x128xf32, #tpu.memory_space<vmem>>
    %dma_start3A_84 = tpu.memref_squeeze %dma_start3A_83 : memref<1x8x8x128xf32, #tpu.memory_space<vmem>> -> memref<8x8x128xf32, #tpu.memory_space<vmem>>
    tpu.enqueue_dma source(%dma_start3A_84 : memref<8x8x128xf32, #tpu.memory_space<vmem>>) target(%dma_start3A_79 : memref<8x8x128xf32, #tpu.memory_space<hbm>>) target_semaphore(%arg9 : memref<!tpu.dma_semaphore, #tpu.memory_space<semaphore_mem>>)
    %scan3A = arith.constant 0 : i32
    %scan3A_85 = arith.constant 1 : i32
    %scan3A_86 = arith.constant 24 : i32
    %scan3A_87 = arith.addi %scan3A_85, %scan3A_86 : i32
    %scan3A_88 = arith.constant 1 : i32
    scf.for %scan3A_135 = %scan3A_85 to %scan3A_87 step %scan3A_88  : i32 {
      %mul3A_136 = arith.constant 2 : i32
      %mul3A_137 = arith.muli %mul3A_136, %scan3A_135 : i32
      %add3A_138 = arith.constant 0 : i32
      %add3A_139 = arith.addi %mul3A_137, %add3A_138 : i32
      %sub3A_140 = arith.constant 2 : i32
      %sub3A_141 = arith.subi %add3A_139, %sub3A_140 : i32
      %add3A_142 = arith.addi %mul3A_32, %sub3A_141 : i32
      %dma_wait3A_143 = arith.constant 0 : i32
      %dma_wait3A_144 = arith.constant 0 : i32
      %dma_wait3A_145 = arith.constant 0 : i32
      %dma_wait3A_146 = arith.constant 0 : i32
      %dma_wait3A_147 = tpu.memref_slice %arg7[%dma_wait3A_143, %dma_wait3A_144, %dma_wait3A_145, %dma_wait3A_146] : memref<2x8x8x128xf32, #tpu.memory_space<vmem>> -> memref<1x8x8x128xf32, #tpu.memory_space<vmem>>
      %dma_wait3A_148 = tpu.memref_squeeze %dma_wait3A_147 : memref<1x8x8x128xf32, #tpu.memory_space<vmem>> -> memref<8x8x128xf32, #tpu.memory_space<vmem>>
      %dma_wait3A_149 = arith.constant 0 : i32
      %dma_wait3A_150 = arith.constant 0 : i32
      %dma_wait3A_151 = arith.constant 0 : i32
      %dma_wait3A_152 = tpu.memref_slice %arg4[%add3A_142, %dma_wait3A_149, %select_n3A_9, %dma_wait3A_150, %dma_wait3A_151] : memref<200x8x8x8x128xf32, #tpu.memory_space<hbm>> -> memref<1x8x1x8x128xf32, #tpu.memory_space<hbm>>
      %dma_wait3A_153 = tpu.memref_squeeze %dma_wait3A_152 : memref<1x8x1x8x128xf32, #tpu.memory_space<hbm>> -> memref<8x8x128xf32, #tpu.memory_space<hbm>>
      %dma_wait3A_154 = arith.constant 0 : i32
      %dma_wait3A_155 = arith.constant 0 : i32
      %dma_wait3A_156 = arith.constant 0 : i32
      %dma_wait3A_157 = tpu.memref_slice %arg4[%add3A_142, %dma_wait3A_154, %select_n3A_9, %dma_wait3A_155, %dma_wait3A_156] : memref<200x8x8x8x128xf32, #tpu.memory_space<hbm>> -> memref<1x8x1x8x128xf32, #tpu.memory_space<hbm>>
      %dma_wait3A_158 = tpu.memref_squeeze %dma_wait3A_157 : memref<1x8x1x8x128xf32, #tpu.memory_space<hbm>> -> memref<8x8x128xf32, #tpu.memory_space<hbm>>
      %dma_wait3A_159 = arith.constant 0 : i32
      %dma_wait3A_160 = arith.constant 0 : i32
      %dma_wait3A_161 = arith.constant 0 : i32
      %dma_wait3A_162 = tpu.memref_slice %arg7[%dma_wait3A_143, %dma_wait3A_159, %dma_wait3A_160, %dma_wait3A_161] : memref<2x8x8x128xf32, #tpu.memory_space<vmem>> -> memref<1x8x8x128xf32, #tpu.memory_space<vmem>>
      %dma_wait3A_163 = tpu.memref_squeeze %dma_wait3A_162 : memref<1x8x8x128xf32, #tpu.memory_space<vmem>> -> memref<8x8x128xf32, #tpu.memory_space<vmem>>
      tpu.wait_dma2 semaphore(%arg8 : memref<!tpu.dma_semaphore, #tpu.memory_space<semaphore_mem>>) src(%dma_wait3A_163 : memref<8x8x128xf32, #tpu.memory_space<vmem>>) dst(%dma_wait3A_158 : memref<8x8x128xf32, #tpu.memory_space<hbm>>)
      %parallel_loop3A_164 = arith.constant 0 : i32
      %parallel_loop3A_165 = arith.constant 8 : i32
      %parallel_loop3A_166 = arith.constant 1 : i32
      scf.for %parallel_loop3A_242 = %parallel_loop3A_164 to %parallel_loop3A_165 step %parallel_loop3A_166  : i32 {
        %parallel_loop3A_243 = arith.constant 16 : i32
        %parallel_loop3A_244 = arith.muli %parallel_loop3A_242, %parallel_loop3A_243 : i32
        %parallel_loop3A_245 = arith.index_cast %add3A_139 : i32 to index
        %parallel_loop3A_246 = arith.index_cast %parallel_loop3A_244 : i32 to index
        %parallel_loop3A_247 = tpu.vector_load %arg6[%parallel_loop3A_245, %parallel_loop3A_246] {strides = array<i32>} : memref<50x128xi32, #tpu.memory_space<vmem>>, vector<16xi32>,
        %parallel_loop3A_248 = arith.constant 64 : i32
        %parallel_loop3A_249 = vector.broadcast %parallel_loop3A_248 : i32 to vector<16xi32>
        %parallel_loop3A_250 = arith.muli %parallel_loop3A_247, %parallel_loop3A_249 : vector<16xi32>
        %parallel_loop3A_251 = arith.constant 16 : i32
        %parallel_loop3A_252 = arith.muli %parallel_loop3A_242, %parallel_loop3A_251 : i32
        %parallel_loop3A_253 = vector.broadcast %parallel_loop3A_252 : i32 to vector<16xi32>
        %parallel_loop3A_254 = arith.addi %iota3A, %parallel_loop3A_253 : vector<16xi32>
        %parallel_loop3A_255 = arith.constant 0 : i32
        %parallel_loop3A_256 = arith.constant 4 : i32
        %parallel_loop3A_257 = arith.constant 1 : i32
        scf.for %parallel_loop3A_258 = %parallel_loop3A_255 to %parallel_loop3A_256 step %parallel_loop3A_257  : i32 {
          %parallel_loop3A_259 = arith.constant 16 : i32
          %parallel_loop3A_260 = arith.muli %parallel_loop3A_258, %parallel_loop3A_259 : i32
          %parallel_loop3A_261 = vector.broadcast %parallel_loop3A_260 : i32 to vector<16xi32>
          %parallel_loop3A_262 = arith.addi %parallel_loop3A_250, %parallel_loop3A_261 : vector<16xi32>
          %parallel_loop3A_263 = arith.constant 2 : i32
          %parallel_loop3A_264 = arith.muli %parallel_loop3A_263, %parallel_loop3A_258 : i32
          %parallel_loop3A_265 = arith.constant 0 : i32
          %parallel_loop3A_266 = vector.broadcast %parallel_loop3A_265 : i32 to vector<16xi32>
          %parallel_loop3A_267 = arith.addi %iota3A, %parallel_loop3A_266 : vector<16xi32>
          %parallel_loop3A_268 = arith.constant 15 : i32
          %parallel_loop3A_269 = vector.broadcast %parallel_loop3A_268 : i32 to vector<16xi32>
          %parallel_loop3A_270 = arith.andi %parallel_loop3A_267, %parallel_loop3A_269 : vector<16xi32>
          %parallel_loop3A_271 = arith.constant 1 : i32
          %parallel_loop3A_272 = vector.broadcast %parallel_loop3A_271 : i32 to vector<16xi32>
          %parallel_loop3A_273 = arith.addi %iota3A, %parallel_loop3A_272 : vector<16xi32>
          %parallel_loop3A_274 = arith.constant 15 : i32
          %parallel_loop3A_275 = vector.broadcast %parallel_loop3A_274 : i32 to vector<16xi32>
          %parallel_loop3A_276 = arith.andi %parallel_loop3A_273, %parallel_loop3A_275 : vector<16xi32>
          %parallel_loop3A_277 = arith.constant 2 : i32
          %parallel_loop3A_278 = vector.broadcast %parallel_loop3A_277 : i32 to vector<16xi32>
          %parallel_loop3A_279 = arith.addi %iota3A, %parallel_loop3A_278 : vector<16xi32>
          %parallel_loop3A_280 = arith.constant 15 : i32
          %parallel_loop3A_281 = vector.broadcast %parallel_loop3A_280 : i32 to vector<16xi32>
          %parallel_loop3A_282 = arith.andi %parallel_loop3A_279, %parallel_loop3A_281 : vector<16xi32>
          %parallel_loop3A_283 = arith.constant 3 : i32
          %parallel_loop3A_284 = vector.broadcast %parallel_loop3A_283 : i32 to vector<16xi32>
          %parallel_loop3A_285 = arith.addi %iota3A, %parallel_loop3A_284 : vector<16xi32>
          %parallel_loop3A_286 = arith.constant 15 : i32
          %parallel_loop3A_287 = vector.broadcast %parallel_loop3A_286 : i32 to vector<16xi32>
          %parallel_loop3A_288 = arith.andi %parallel_loop3A_285, %parallel_loop3A_287 : vector<16xi32>
          %parallel_loop3A_289 = arith.constant 4 : i32
          %parallel_loop3A_290 = vector.broadcast %parallel_loop3A_289 : i32 to vector<16xi32>
          %parallel_loop3A_291 = arith.addi %iota3A, %parallel_loop3A_290 : vector<16xi32>
          %parallel_loop3A_292 = arith.constant 15 : i32
          %parallel_loop3A_293 = vector.broadcast %parallel_loop3A_292 : i32 to vector<16xi32>
          %parallel_loop3A_294 = arith.andi %parallel_loop3A_291, %parallel_loop3A_293 : vector<16xi32>
          %parallel_loop3A_295 = arith.constant 5 : i32
          %parallel_loop3A_296 = vector.broadcast %parallel_loop3A_295 : i32 to vector<16xi32>
          %parallel_loop3A_297 = arith.addi %iota3A, %parallel_loop3A_296 : vector<16xi32>
          %parallel_loop3A_298 = arith.constant 15 : i32
          %parallel_loop3A_299 = vector.broadcast %parallel_loop3A_298 : i32 to vector<16xi32>
          %parallel_loop3A_300 = arith.andi %parallel_loop3A_297, %parallel_loop3A_299 : vector<16xi32>
          %parallel_loop3A_301 = arith.constant 6 : i32
          %parallel_loop3A_302 = vector.broadcast %parallel_loop3A_301 : i32 to vector<16xi32>
          %parallel_loop3A_303 = arith.addi %iota3A, %parallel_loop3A_302 : vector<16xi32>
          %parallel_loop3A_304 = arith.constant 15 : i32
          %parallel_loop3A_305 = vector.broadcast %parallel_loop3A_304 : i32 to vector<16xi32>
          %parallel_loop3A_306 = arith.andi %parallel_loop3A_303, %parallel_loop3A_305 : vector<16xi32>
          %parallel_loop3A_307 = arith.constant 7 : i32
          %parallel_loop3A_308 = vector.broadcast %parallel_loop3A_307 : i32 to vector<16xi32>
          %parallel_loop3A_309 = arith.addi %iota3A, %parallel_loop3A_308 : vector<16xi32>
          %parallel_loop3A_310 = arith.constant 15 : i32
          %parallel_loop3A_311 = vector.broadcast %parallel_loop3A_310 : i32 to vector<16xi32>
          %parallel_loop3A_312 = arith.andi %parallel_loop3A_309, %parallel_loop3A_311 : vector<16xi32>
          %parallel_loop3A_313 = arith.addi %parallel_loop3A_262, %parallel_loop3A_270 : vector<16xi32>
          %parallel_loop3A_314 = tpu.vector_load_idx %arg5[%parallel_loop3A_313] : memref<64000xf32, #tpu.memory_space<vmem>>[vector<16xi32>], vector<16xf32>,
          %parallel_loop3A_315 = arith.addi %parallel_loop3A_262, %parallel_loop3A_276 : vector<16xi32>
          %parallel_loop3A_316 = tpu.vector_load_idx %arg5[%parallel_loop3A_315] : memref<64000xf32, #tpu.memory_space<vmem>>[vector<16xi32>], vector<16xf32>,
          %parallel_loop3A_317 = arith.addi %parallel_loop3A_262, %parallel_loop3A_282 : vector<16xi32>
          %parallel_loop3A_318 = tpu.vector_load_idx %arg5[%parallel_loop3A_317] : memref<64000xf32, #tpu.memory_space<vmem>>[vector<16xi32>], vector<16xf32>,
          %parallel_loop3A_319 = arith.addi %parallel_loop3A_262, %parallel_loop3A_288 : vector<16xi32>
          %parallel_loop3A_320 = tpu.vector_load_idx %arg5[%parallel_loop3A_319] : memref<64000xf32, #tpu.memory_space<vmem>>[vector<16xi32>], vector<16xf32>,
          %parallel_loop3A_321 = arith.addi %parallel_loop3A_262, %parallel_loop3A_294 : vector<16xi32>
          %parallel_loop3A_322 = tpu.vector_load_idx %arg5[%parallel_loop3A_321] : memref<64000xf32, #tpu.memory_space<vmem>>[vector<16xi32>], vector<16xf32>,
          %parallel_loop3A_323 = arith.addi %parallel_loop3A_262, %parallel_loop3A_300 : vector<16xi32>
          %parallel_loop3A_324 = tpu.vector_load_idx %arg5[%parallel_loop3A_323] : memref<64000xf32, #tpu.memory_space<vmem>>[vector<16xi32>], vector<16xf32>,
          %parallel_loop3A_325 = arith.addi %parallel_loop3A_262, %parallel_loop3A_306 : vector<16xi32>
          %parallel_loop3A_326 = tpu.vector_load_idx %arg5[%parallel_loop3A_325] : memref<64000xf32, #tpu.memory_space<vmem>>[vector<16xi32>], vector<16xf32>,
          %parallel_loop3A_327 = arith.addi %parallel_loop3A_262, %parallel_loop3A_312 : vector<16xi32>
          %parallel_loop3A_328 = tpu.vector_load_idx %arg5[%parallel_loop3A_327] : memref<64000xf32, #tpu.memory_space<vmem>>[vector<16xi32>], vector<16xf32>,
          %parallel_loop3A_329 = arith.constant 3 : i32
          %parallel_loop3A_330 = vector.broadcast %parallel_loop3A_329 : i32 to vector<16xi32>
          %parallel_loop3A_331 = arith.shrsi %parallel_loop3A_270, %parallel_loop3A_330 : vector<16xi32>
          %parallel_loop3A_332 = vector.broadcast %parallel_loop3A_264 : i32 to vector<16xi32>
          %parallel_loop3A_333 = arith.addi %parallel_loop3A_331, %parallel_loop3A_332 : vector<16xi32>
          %parallel_loop3A_334 = arith.constant 7 : i32
          %parallel_loop3A_335 = vector.broadcast %parallel_loop3A_334 : i32 to vector<16xi32>
          %parallel_loop3A_336 = arith.andi %parallel_loop3A_270, %parallel_loop3A_335 : vector<16xi32>
          %parallel_loop3A_337 = arith.constant 0 : i32
          %parallel_loop3A_338 = arith.constant 0 : i32
          %parallel_loop3A_339 = arith.constant 0 : i32
          %parallel_loop3A_340 = arith.constant 0 : i32
          %parallel_loop3A_341 = tpu.memref_slice %arg7[%parallel_loop3A_337, %parallel_loop3A_338, %parallel_loop3A_339, %parallel_loop3A_340] : memref<2x8x8x128xf32, #tpu.memory_space<vmem>> -> memref<1x8x8x128xf32, #tpu.memory_space<vmem>>
          %parallel_loop3A_342 = tpu.memref_squeeze %parallel_loop3A_341 : memref<1x8x8x128xf32, #tpu.memory_space<vmem>> -> memref<8x8x128xf32, #tpu.memory_space<vmem>>
          tpu.vector_store_idx %parallel_loop3A_342[%parallel_loop3A_333, %parallel_loop3A_336, %parallel_loop3A_254], %parallel_loop3A_314 : memref<8x8x128xf32, #tpu.memory_space<vmem>>[vector<16xi32>, vector<16xi32>, vector<16xi32>], vector<16xf32>,
          %parallel_loop3A_343 = arith.constant 3 : i32
          %parallel_loop3A_344 = vector.broadcast %parallel_loop3A_343 : i32 to vector<16xi32>
          %parallel_loop3A_345 = arith.shrsi %parallel_loop3A_276, %parallel_loop3A_344 : vector<16xi32>
          %parallel_loop3A_346 = vector.broadcast %parallel_loop3A_264 : i32 to vector<16xi32>
          %parallel_loop3A_347 = arith.addi %parallel_loop3A_345, %parallel_loop3A_346 : vector<16xi32>
          %parallel_loop3A_348 = arith.constant 7 : i32
          %parallel_loop3A_349 = vector.broadcast %parallel_loop3A_348 : i32 to vector<16xi32>
          %parallel_loop3A_350 = arith.andi %parallel_loop3A_276, %parallel_loop3A_349 : vector<16xi32>
          %parallel_loop3A_351 = arith.constant 0 : i32
          %parallel_loop3A_352 = arith.constant 0 : i32
          %parallel_loop3A_353 = arith.constant 0 : i32
          %parallel_loop3A_354 = arith.constant 0 : i32
          %parallel_loop3A_355 = tpu.memref_slice %arg7[%parallel_loop3A_351, %parallel_loop3A_352, %parallel_loop3A_353, %parallel_loop3A_354] : memref<2x8x8x128xf32, #tpu.memory_space<vmem>> -> memref<1x8x8x128xf32, #tpu.memory_space<vmem>>
          %parallel_loop3A_356 = tpu.memref_squeeze %parallel_loop3A_355 : memref<1x8x8x128xf32, #tpu.memory_space<vmem>> -> memref<8x8x128xf32, #tpu.memory_space<vmem>>
          tpu.vector_store_idx %parallel_loop3A_356[%parallel_loop3A_347, %parallel_loop3A_350, %parallel_loop3A_254], %parallel_loop3A_316 : memref<8x8x128xf32, #tpu.memory_space<vmem>>[vector<16xi32>, vector<16xi32>, vector<16xi32>], vector<16xf32>,
          %parallel_loop3A_357 = arith.constant 3 : i32
          %parallel_loop3A_358 = vector.broadcast %parallel_loop3A_357 : i32 to vector<16xi32>
          %parallel_loop3A_359 = arith.shrsi %parallel_loop3A_282, %parallel_loop3A_358 : vector<16xi32>
          %parallel_loop3A_360 = vector.broadcast %parallel_loop3A_264 : i32 to vector<16xi32>
          %parallel_loop3A_361 = arith.addi %parallel_loop3A_359, %parallel_loop3A_360 : vector<16xi32>
          %parallel_loop3A_362 = arith.constant 7 : i32
          %parallel_loop3A_363 = vector.broadcast %parallel_loop3A_362 : i32 to vector<16xi32>
          %parallel_loop3A_364 = arith.andi %parallel_loop3A_282, %parallel_loop3A_363 : vector<16xi32>
          %parallel_loop3A_365 = arith.constant 0 : i32
          %parallel_loop3A_366 = arith.constant 0 : i32
          %parallel_loop3A_367 = arith.constant 0 : i32
          %parallel_loop3A_368 = arith.constant 0 : i32
          %parallel_loop3A_369 = tpu.memref_slice %arg7[%parallel_loop3A_365, %parallel_loop3A_366, %parallel_loop3A_367, %parallel_loop3A_368] : memref<2x8x8x128xf32, #tpu.memory_space<vmem>> -> memref<1x8x8x128xf32, #tpu.memory_space<vmem>>
          %parallel_loop3A_370 = tpu.memref_squeeze %parallel_loop3A_369 : memref<1x8x8x128xf32, #tpu.memory_space<vmem>> -> memref<8x8x128xf32, #tpu.memory_space<vmem>>
          tpu.vector_store_idx %parallel_loop3A_370[%parallel_loop3A_361, %parallel_loop3A_364, %parallel_loop3A_254], %parallel_loop3A_318 : memref<8x8x128xf32, #tpu.memory_space<vmem>>[vector<16xi32>, vector<16xi32>, vector<16xi32>], vector<16xf32>,
          %parallel_loop3A_371 = arith.constant 3 : i32
          %parallel_loop3A_372 = vector.broadcast %parallel_loop3A_371 : i32 to vector<16xi32>
          %parallel_loop3A_373 = arith.shrsi %parallel_loop3A_288, %parallel_loop3A_372 : vector<16xi32>
          %parallel_loop3A_374 = vector.broadcast %parallel_loop3A_264 : i32 to vector<16xi32>
          %parallel_loop3A_375 = arith.addi %parallel_loop3A_373, %parallel_loop3A_374 : vector<16xi32>
          %parallel_loop3A_376 = arith.constant 7 : i32
          %parallel_loop3A_377 = vector.broadcast %parallel_loop3A_376 : i32 to vector<16xi32>
          %parallel_loop3A_378 = arith.andi %parallel_loop3A_288, %parallel_loop3A_377 : vector<16xi32>
          %parallel_loop3A_379 = arith.constant 0 : i32
          %parallel_loop3A_380 = arith.constant 0 : i32
          %parallel_loop3A_381 = arith.constant 0 : i32
          %parallel_loop3A_382 = arith.constant 0 : i32
          %parallel_loop3A_383 = tpu.memref_slice %arg7[%parallel_loop3A_379, %parallel_loop3A_380, %parallel_loop3A_381, %parallel_loop3A_382] : memref<2x8x8x128xf32, #tpu.memory_space<vmem>> -> memref<1x8x8x128xf32, #tpu.memory_space<vmem>>
          %parallel_loop3A_384 = tpu.memref_squeeze %parallel_loop3A_383 : memref<1x8x8x128xf32, #tpu.memory_space<vmem>> -> memref<8x8x128xf32, #tpu.memory_space<vmem>>
          tpu.vector_store_idx %parallel_loop3A_384[%parallel_loop3A_375, %parallel_loop3A_378, %parallel_loop3A_254], %parallel_loop3A_320 : memref<8x8x128xf32, #tpu.memory_space<vmem>>[vector<16xi32>, vector<16xi32>, vector<16xi32>], vector<16xf32>,
          %parallel_loop3A_385 = arith.constant 3 : i32
          %parallel_loop3A_386 = vector.broadcast %parallel_loop3A_385 : i32 to vector<16xi32>
          %parallel_loop3A_387 = arith.shrsi %parallel_loop3A_294, %parallel_loop3A_386 : vector<16xi32>
          %parallel_loop3A_388 = vector.broadcast %parallel_loop3A_264 : i32 to vector<16xi32>
          %parallel_loop3A_389 = arith.addi %parallel_loop3A_387, %parallel_loop3A_388 : vector<16xi32>
          %parallel_loop3A_390 = arith.constant 7 : i32
          %parallel_loop3A_391 = vector.broadcast %parallel_loop3A_390 : i32 to vector<16xi32>
          %parallel_loop3A_392 = arith.andi %parallel_loop3A_294, %parallel_loop3A_391 : vector<16xi32>
          %parallel_loop3A_393 = arith.constant 0 : i32
          %parallel_loop3A_394 = arith.constant 0 : i32
          %parallel_loop3A_395 = arith.constant 0 : i32
          %parallel_loop3A_396 = arith.constant 0 : i32
          %parallel_loop3A_397 = tpu.memref_slice %arg7[%parallel_loop3A_393, %parallel_loop3A_394, %parallel_loop3A_395, %parallel_loop3A_396] : memref<2x8x8x128xf32, #tpu.memory_space<vmem>> -> memref<1x8x8x128xf32, #tpu.memory_space<vmem>>
          %parallel_loop3A_398 = tpu.memref_squeeze %parallel_loop3A_397 : memref<1x8x8x128xf32, #tpu.memory_space<vmem>> -> memref<8x8x128xf32, #tpu.memory_space<vmem>>
          tpu.vector_store_idx %parallel_loop3A_398[%parallel_loop3A_389, %parallel_loop3A_392, %parallel_loop3A_254], %parallel_loop3A_322 : memref<8x8x128xf32, #tpu.memory_space<vmem>>[vector<16xi32>, vector<16xi32>, vector<16xi32>], vector<16xf32>,
          %parallel_loop3A_399 = arith.constant 3 : i32
          %parallel_loop3A_400 = vector.broadcast %parallel_loop3A_399 : i32 to vector<16xi32>
          %parallel_loop3A_401 = arith.shrsi %parallel_loop3A_300, %parallel_loop3A_400 : vector<16xi32>
          %parallel_loop3A_402 = vector.broadcast %parallel_loop3A_264 : i32 to vector<16xi32>
          %parallel_loop3A_403 = arith.addi %parallel_loop3A_401, %parallel_loop3A_402 : vector<16xi32>
          %parallel_loop3A_404 = arith.constant 7 : i32
          %parallel_loop3A_405 = vector.broadcast %parallel_loop3A_404 : i32 to vector<16xi32>
          %parallel_loop3A_406 = arith.andi %parallel_loop3A_300, %parallel_loop3A_405 : vector<16xi32>
          %parallel_loop3A_407 = arith.constant 0 : i32
          %parallel_loop3A_408 = arith.constant 0 : i32
          %parallel_loop3A_409 = arith.constant 0 : i32
          %parallel_loop3A_410 = arith.constant 0 : i32
          %parallel_loop3A_411 = tpu.memref_slice %arg7[%parallel_loop3A_407, %parallel_loop3A_408, %parallel_loop3A_409, %parallel_loop3A_410] : memref<2x8x8x128xf32, #tpu.memory_space<vmem>> -> memref<1x8x8x128xf32, #tpu.memory_space<vmem>>
          %parallel_loop3A_412 = tpu.memref_squeeze %parallel_loop3A_411 : memref<1x8x8x128xf32, #tpu.memory_space<vmem>> -> memref<8x8x128xf32, #tpu.memory_space<vmem>>
          tpu.vector_store_idx %parallel_loop3A_412[%parallel_loop3A_403, %parallel_loop3A_406, %parallel_loop3A_254], %parallel_loop3A_324 : memref<8x8x128xf32, #tpu.memory_space<vmem>>[vector<16xi32>, vector<16xi32>, vector<16xi32>], vector<16xf32>,
          %parallel_loop3A_413 = arith.constant 3 : i32
          %parallel_loop3A_414 = vector.broadcast %parallel_loop3A_413 : i32 to vector<16xi32>
          %parallel_loop3A_415 = arith.shrsi %parallel_loop3A_306, %parallel_loop3A_414 : vector<16xi32>
          %parallel_loop3A_416 = vector.broadcast %parallel_loop3A_264 : i32 to vector<16xi32>
          %parallel_loop3A_417 = arith.addi %parallel_loop3A_415, %parallel_loop3A_416 : vector<16xi32>
          %parallel_loop3A_418 = arith.constant 7 : i32
          %parallel_loop3A_419 = vector.broadcast %parallel_loop3A_418 : i32 to vector<16xi32>
          %parallel_loop3A_420 = arith.andi %parallel_loop3A_306, %parallel_loop3A_419 : vector<16xi32>
          %parallel_loop3A_421 = arith.constant 0 : i32
          %parallel_loop3A_422 = arith.constant 0 : i32
          %parallel_loop3A_423 = arith.constant 0 : i32
          %parallel_loop3A_424 = arith.constant 0 : i32
          %parallel_loop3A_425 = tpu.memref_slice %arg7[%parallel_loop3A_421, %parallel_loop3A_422, %parallel_loop3A_423, %parallel_loop3A_424] : memref<2x8x8x128xf32, #tpu.memory_space<vmem>> -> memref<1x8x8x128xf32, #tpu.memory_space<vmem>>
          %parallel_loop3A_426 = tpu.memref_squeeze %parallel_loop3A_425 : memref<1x8x8x128xf32, #tpu.memory_space<vmem>> -> memref<8x8x128xf32, #tpu.memory_space<vmem>>
          tpu.vector_store_idx %parallel_loop3A_426[%parallel_loop3A_417, %parallel_loop3A_420, %parallel_loop3A_254], %parallel_loop3A_326 : memref<8x8x128xf32, #tpu.memory_space<vmem>>[vector<16xi32>, vector<16xi32>, vector<16xi32>], vector<16xf32>,
          %parallel_loop3A_427 = arith.constant 3 : i32
          %parallel_loop3A_428 = vector.broadcast %parallel_loop3A_427 : i32 to vector<16xi32>
          %parallel_loop3A_429 = arith.shrsi %parallel_loop3A_312, %parallel_loop3A_428 : vector<16xi32>
          %parallel_loop3A_430 = vector.broadcast %parallel_loop3A_264 : i32 to vector<16xi32>
          %parallel_loop3A_431 = arith.addi %parallel_loop3A_429, %parallel_loop3A_430 : vector<16xi32>
          %parallel_loop3A_432 = arith.constant 7 : i32
          %parallel_loop3A_433 = vector.broadcast %parallel_loop3A_432 : i32 to vector<16xi32>
          %parallel_loop3A_434 = arith.andi %parallel_loop3A_312, %parallel_loop3A_433 : vector<16xi32>
          %parallel_loop3A_435 = arith.constant 0 : i32
          %parallel_loop3A_436 = arith.constant 0 : i32
          %parallel_loop3A_437 = arith.constant 0 : i32
          %parallel_loop3A_438 = arith.constant 0 : i32
          %parallel_loop3A_439 = tpu.memref_slice %arg7[%parallel_loop3A_435, %parallel_loop3A_436, %parallel_loop3A_437, %parallel_loop3A_438] : memref<2x8x8x128xf32, #tpu.memory_space<vmem>> -> memref<1x8x8x128xf32, #tpu.memory_space<vmem>>
          %parallel_loop3A_440 = tpu.memref_squeeze %parallel_loop3A_439 : memref<1x8x8x128xf32, #tpu.memory_space<vmem>> -> memref<8x8x128xf32, #tpu.memory_space<vmem>>
          tpu.vector_store_idx %parallel_loop3A_440[%parallel_loop3A_431, %parallel_loop3A_434, %parallel_loop3A_254], %parallel_loop3A_328 : memref<8x8x128xf32, #tpu.memory_space<vmem>>[vector<16xi32>, vector<16xi32>, vector<16xi32>], vector<16xf32>,
          %parallel_loop3A_441 = arith.constant 8 : i32
          %parallel_loop3A_442 = vector.broadcast %parallel_loop3A_441 : i32 to vector<16xi32>
          %parallel_loop3A_443 = arith.addi %iota3A, %parallel_loop3A_442 : vector<16xi32>
          %parallel_loop3A_444 = arith.constant 15 : i32
          %parallel_loop3A_445 = vector.broadcast %parallel_loop3A_444 : i32 to vector<16xi32>
          %parallel_loop3A_446 = arith.andi %parallel_loop3A_443, %parallel_loop3A_445 : vector<16xi32>
          %parallel_loop3A_447 = arith.constant 9 : i32
          %parallel_loop3A_448 = vector.broadcast %parallel_loop3A_447 : i32 to vector<16xi32>
          %parallel_loop3A_449 = arith.addi %iota3A, %parallel_loop3A_448 : vector<16xi32>
          %parallel_loop3A_450 = arith.constant 15 : i32
          %parallel_loop3A_451 = vector.broadcast %parallel_loop3A_450 : i32 to vector<16xi32>
          %parallel_loop3A_452 = arith.andi %parallel_loop3A_449, %parallel_loop3A_451 : vector<16xi32>
          %parallel_loop3A_453 = arith.constant 10 : i32
          %parallel_loop3A_454 = vector.broadcast %parallel_loop3A_453 : i32 to vector<16xi32>
          %parallel_loop3A_455 = arith.addi %iota3A, %parallel_loop3A_454 : vector<16xi32>
          %parallel_loop3A_456 = arith.constant 15 : i32
          %parallel_loop3A_457 = vector.broadcast %parallel_loop3A_456 : i32 to vector<16xi32>
          %parallel_loop3A_458 = arith.andi %parallel_loop3A_455, %parallel_loop3A_457 : vector<16xi32>
          %parallel_loop3A_459 = arith.constant 11 : i32
          %parallel_loop3A_460 = vector.broadcast %parallel_loop3A_459 : i32 to vector<16xi32>
          %parallel_loop3A_461 = arith.addi %iota3A, %parallel_loop3A_460 : vector<16xi32>
          %parallel_loop3A_462 = arith.constant 15 : i32
          %parallel_loop3A_463 = vector.broadcast %parallel_loop3A_462 : i32 to vector<16xi32>
          %parallel_loop3A_464 = arith.andi %parallel_loop3A_461, %parallel_loop3A_463 : vector<16xi32>
          %parallel_loop3A_465 = arith.constant 12 : i32
          %parallel_loop3A_466 = vector.broadcast %parallel_loop3A_465 : i32 to vector<16xi32>
          %parallel_loop3A_467 = arith.addi %iota3A, %parallel_loop3A_466 : vector<16xi32>
          %parallel_loop3A_468 = arith.constant 15 : i32
          %parallel_loop3A_469 = vector.broadcast %parallel_loop3A_468 : i32 to vector<16xi32>
          %parallel_loop3A_470 = arith.andi %parallel_loop3A_467, %parallel_loop3A_469 : vector<16xi32>
          %parallel_loop3A_471 = arith.constant 13 : i32
          %parallel_loop3A_472 = vector.broadcast %parallel_loop3A_471 : i32 to vector<16xi32>
          %parallel_loop3A_473 = arith.addi %iota3A, %parallel_loop3A_472 : vector<16xi32>
          %parallel_loop3A_474 = arith.constant 15 : i32
          %parallel_loop3A_475 = vector.broadcast %parallel_loop3A_474 : i32 to vector<16xi32>
          %parallel_loop3A_476 = arith.andi %parallel_loop3A_473, %parallel_loop3A_475 : vector<16xi32>
          %parallel_loop3A_477 = arith.constant 14 : i32
          %parallel_loop3A_478 = vector.broadcast %parallel_loop3A_477 : i32 to vector<16xi32>
          %parallel_loop3A_479 = arith.addi %iota3A, %parallel_loop3A_478 : vector<16xi32>
          %parallel_loop3A_480 = arith.constant 15 : i32
          %parallel_loop3A_481 = vector.broadcast %parallel_loop3A_480 : i32 to vector<16xi32>
          %parallel_loop3A_482 = arith.andi %parallel_loop3A_479, %parallel_loop3A_481 : vector<16xi32>
          %parallel_loop3A_483 = arith.constant 15 : i32
          %parallel_loop3A_484 = vector.broadcast %parallel_loop3A_483 : i32 to vector<16xi32>
          %parallel_loop3A_485 = arith.addi %iota3A, %parallel_loop3A_484 : vector<16xi32>
          %parallel_loop3A_486 = arith.constant 15 : i32
          %parallel_loop3A_487 = vector.broadcast %parallel_loop3A_486 : i32 to vector<16xi32>
          %parallel_loop3A_488 = arith.andi %parallel_loop3A_485, %parallel_loop3A_487 : vector<16xi32>
          %parallel_loop3A_489 = arith.addi %parallel_loop3A_262, %parallel_loop3A_446 : vector<16xi32>
          %parallel_loop3A_490 = tpu.vector_load_idx %arg5[%parallel_loop3A_489] : memref<64000xf32, #tpu.memory_space<vmem>>[vector<16xi32>], vector<16xf32>,
          %parallel_loop3A_491 = arith.addi %parallel_loop3A_262, %parallel_loop3A_452 : vector<16xi32>
          %parallel_loop3A_492 = tpu.vector_load_idx %arg5[%parallel_loop3A_491] : memref<64000xf32, #tpu.memory_space<vmem>>[vector<16xi32>], vector<16xf32>,
          %parallel_loop3A_493 = arith.addi %parallel_loop3A_262, %parallel_loop3A_458 : vector<16xi32>
          %parallel_loop3A_494 = tpu.vector_load_idx %arg5[%parallel_loop3A_493] : memref<64000xf32, #tpu.memory_space<vmem>>[vector<16xi32>], vector<16xf32>,
          %parallel_loop3A_495 = arith.addi %parallel_loop3A_262, %parallel_loop3A_464 : vector<16xi32>
          %parallel_loop3A_496 = tpu.vector_load_idx %arg5[%parallel_loop3A_495] : memref<64000xf32, #tpu.memory_space<vmem>>[vector<16xi32>], vector<16xf32>,
          %parallel_loop3A_497 = arith.addi %parallel_loop3A_262, %parallel_loop3A_470 : vector<16xi32>
          %parallel_loop3A_498 = tpu.vector_load_idx %arg5[%parallel_loop3A_497] : memref<64000xf32, #tpu.memory_space<vmem>>[vector<16xi32>], vector<16xf32>,
          %parallel_loop3A_499 = arith.addi %parallel_loop3A_262, %parallel_loop3A_476 : vector<16xi32>
          %parallel_loop3A_500 = tpu.vector_load_idx %arg5[%parallel_loop3A_499] : memref<64000xf32, #tpu.memory_space<vmem>>[vector<16xi32>], vector<16xf32>,
          %parallel_loop3A_501 = arith.addi %parallel_loop3A_262, %parallel_loop3A_482 : vector<16xi32>
          %parallel_loop3A_502 = tpu.vector_load_idx %arg5[%parallel_loop3A_501] : memref<64000xf32, #tpu.memory_space<vmem>>[vector<16xi32>], vector<16xf32>,
          %parallel_loop3A_503 = arith.addi %parallel_loop3A_262, %parallel_loop3A_488 : vector<16xi32>
          %parallel_loop3A_504 = tpu.vector_load_idx %arg5[%parallel_loop3A_503] : memref<64000xf32, #tpu.memory_space<vmem>>[vector<16xi32>], vector<16xf32>,
          %parallel_loop3A_505 = arith.constant 3 : i32
          %parallel_loop3A_506 = vector.broadcast %parallel_loop3A_505 : i32 to vector<16xi32>
          %parallel_loop3A_507 = arith.shrsi %parallel_loop3A_446, %parallel_loop3A_506 : vector<16xi32>
          %parallel_loop3A_508 = vector.broadcast %parallel_loop3A_264 : i32 to vector<16xi32>
          %parallel_loop3A_509 = arith.addi %parallel_loop3A_507, %parallel_loop3A_508 : vector<16xi32>
          %parallel_loop3A_510 = arith.constant 7 : i32
          %parallel_loop3A_511 = vector.broadcast %parallel_loop3A_510 : i32 to vector<16xi32>
          %parallel_loop3A_512 = arith.andi %parallel_loop3A_446, %parallel_loop3A_511 : vector<16xi32>
          %parallel_loop3A_513 = arith.constant 0 : i32
          %parallel_loop3A_514 = arith.constant 0 : i32
          %parallel_loop3A_515 = arith.constant 0 : i32
          %parallel_loop3A_516 = arith.constant 0 : i32
          %parallel_loop3A_517 = tpu.memref_slice %arg7[%parallel_loop3A_513, %parallel_loop3A_514, %parallel_loop3A_515, %parallel_loop3A_516] : memref<2x8x8x128xf32, #tpu.memory_space<vmem>> -> memref<1x8x8x128xf32, #tpu.memory_space<vmem>>
          %parallel_loop3A_518 = tpu.memref_squeeze %parallel_loop3A_517 : memref<1x8x8x128xf32, #tpu.memory_space<vmem>> -> memref<8x8x128xf32, #tpu.memory_space<vmem>>
          tpu.vector_store_idx %parallel_loop3A_518[%parallel_loop3A_509, %parallel_loop3A_512, %parallel_loop3A_254], %parallel_loop3A_490 : memref<8x8x128xf32, #tpu.memory_space<vmem>>[vector<16xi32>, vector<16xi32>, vector<16xi32>], vector<16xf32>,
          %parallel_loop3A_519 = arith.constant 3 : i32
          %parallel_loop3A_520 = vector.broadcast %parallel_loop3A_519 : i32 to vector<16xi32>
          %parallel_loop3A_521 = arith.shrsi %parallel_loop3A_452, %parallel_loop3A_520 : vector<16xi32>
          %parallel_loop3A_522 = vector.broadcast %parallel_loop3A_264 : i32 to vector<16xi32>
          %parallel_loop3A_523 = arith.addi %parallel_loop3A_521, %parallel_loop3A_522 : vector<16xi32>
          %parallel_loop3A_524 = arith.constant 7 : i32
          %parallel_loop3A_525 = vector.broadcast %parallel_loop3A_524 : i32 to vector<16xi32>
          %parallel_loop3A_526 = arith.andi %parallel_loop3A_452, %parallel_loop3A_525 : vector<16xi32>
          %parallel_loop3A_527 = arith.constant 0 : i32
          %parallel_loop3A_528 = arith.constant 0 : i32
          %parallel_loop3A_529 = arith.constant 0 : i32
          %parallel_loop3A_530 = arith.constant 0 : i32
          %parallel_loop3A_531 = tpu.memref_slice %arg7[%parallel_loop3A_527, %parallel_loop3A_528, %parallel_loop3A_529, %parallel_loop3A_530] : memref<2x8x8x128xf32, #tpu.memory_space<vmem>> -> memref<1x8x8x128xf32, #tpu.memory_space<vmem>>
          %parallel_loop3A_532 = tpu.memref_squeeze %parallel_loop3A_531 : memref<1x8x8x128xf32, #tpu.memory_space<vmem>> -> memref<8x8x128xf32, #tpu.memory_space<vmem>>
          tpu.vector_store_idx %parallel_loop3A_532[%parallel_loop3A_523, %parallel_loop3A_526, %parallel_loop3A_254], %parallel_loop3A_492 : memref<8x8x128xf32, #tpu.memory_space<vmem>>[vector<16xi32>, vector<16xi32>, vector<16xi32>], vector<16xf32>,
          %parallel_loop3A_533 = arith.constant 3 : i32
          %parallel_loop3A_534 = vector.broadcast %parallel_loop3A_533 : i32 to vector<16xi32>
          %parallel_loop3A_535 = arith.shrsi %parallel_loop3A_458, %parallel_loop3A_534 : vector<16xi32>
          %parallel_loop3A_536 = vector.broadcast %parallel_loop3A_264 : i32 to vector<16xi32>
          %parallel_loop3A_537 = arith.addi %parallel_loop3A_535, %parallel_loop3A_536 : vector<16xi32>
          %parallel_loop3A_538 = arith.constant 7 : i32
          %parallel_loop3A_539 = vector.broadcast %parallel_loop3A_538 : i32 to vector<16xi32>
          %parallel_loop3A_540 = arith.andi %parallel_loop3A_458, %parallel_loop3A_539 : vector<16xi32>
          %parallel_loop3A_541 = arith.constant 0 : i32
          %parallel_loop3A_542 = arith.constant 0 : i32
          %parallel_loop3A_543 = arith.constant 0 : i32
          %parallel_loop3A_544 = arith.constant 0 : i32
          %parallel_loop3A_545 = tpu.memref_slice %arg7[%parallel_loop3A_541, %parallel_loop3A_542, %parallel_loop3A_543, %parallel_loop3A_544] : memref<2x8x8x128xf32, #tpu.memory_space<vmem>> -> memref<1x8x8x128xf32, #tpu.memory_space<vmem>>
          %parallel_loop3A_546 = tpu.memref_squeeze %parallel_loop3A_545 : memref<1x8x8x128xf32, #tpu.memory_space<vmem>> -> memref<8x8x128xf32, #tpu.memory_space<vmem>>
          tpu.vector_store_idx %parallel_loop3A_546[%parallel_loop3A_537, %parallel_loop3A_540, %parallel_loop3A_254], %parallel_loop3A_494 : memref<8x8x128xf32, #tpu.memory_space<vmem>>[vector<16xi32>, vector<16xi32>, vector<16xi32>], vector<16xf32>,
          %parallel_loop3A_547 = arith.constant 3 : i32
          %parallel_loop3A_548 = vector.broadcast %parallel_loop3A_547 : i32 to vector<16xi32>
          %parallel_loop3A_549 = arith.shrsi %parallel_loop3A_464, %parallel_loop3A_548 : vector<16xi32>
          %parallel_loop3A_550 = vector.broadcast %parallel_loop3A_264 : i32 to vector<16xi32>
          %parallel_loop3A_551 = arith.addi %parallel_loop3A_549, %parallel_loop3A_550 : vector<16xi32>
          %parallel_loop3A_552 = arith.constant 7 : i32
          %parallel_loop3A_553 = vector.broadcast %parallel_loop3A_552 : i32 to vector<16xi32>
          %parallel_loop3A_554 = arith.andi %parallel_loop3A_464, %parallel_loop3A_553 : vector<16xi32>
          %parallel_loop3A_555 = arith.constant 0 : i32
          %parallel_loop3A_556 = arith.constant 0 : i32
          %parallel_loop3A_557 = arith.constant 0 : i32
          %parallel_loop3A_558 = arith.constant 0 : i32
          %parallel_loop3A_559 = tpu.memref_slice %arg7[%parallel_loop3A_555, %parallel_loop3A_556, %parallel_loop3A_557, %parallel_loop3A_558] : memref<2x8x8x128xf32, #tpu.memory_space<vmem>> -> memref<1x8x8x128xf32, #tpu.memory_space<vmem>>
          %parallel_loop3A_560 = tpu.memref_squeeze %parallel_loop3A_559 : memref<1x8x8x128xf32, #tpu.memory_space<vmem>> -> memref<8x8x128xf32, #tpu.memory_space<vmem>>
          tpu.vector_store_idx %parallel_loop3A_560[%parallel_loop3A_551, %parallel_loop3A_554, %parallel_loop3A_254], %parallel_loop3A_496 : memref<8x8x128xf32, #tpu.memory_space<vmem>>[vector<16xi32>, vector<16xi32>, vector<16xi32>], vector<16xf32>,
          %parallel_loop3A_561 = arith.constant 3 : i32
          %parallel_loop3A_562 = vector.broadcast %parallel_loop3A_561 : i32 to vector<16xi32>
          %parallel_loop3A_563 = arith.shrsi %parallel_loop3A_470, %parallel_loop3A_562 : vector<16xi32>
          %parallel_loop3A_564 = vector.broadcast %parallel_loop3A_264 : i32 to vector<16xi32>
          %parallel_loop3A_565 = arith.addi %parallel_loop3A_563, %parallel_loop3A_564 : vector<16xi32>
          %parallel_loop3A_566 = arith.constant 7 : i32
          %parallel_loop3A_567 = vector.broadcast %parallel_loop3A_566 : i32 to vector<16xi32>
          %parallel_loop3A_568 = arith.andi %parallel_loop3A_470, %parallel_loop3A_567 : vector<16xi32>
          %parallel_loop3A_569 = arith.constant 0 : i32
          %parallel_loop3A_570 = arith.constant 0 : i32
          %parallel_loop3A_571 = arith.constant 0 : i32
          %parallel_loop3A_572 = arith.constant 0 : i32
          %parallel_loop3A_573 = tpu.memref_slice %arg7[%parallel_loop3A_569, %parallel_loop3A_570, %parallel_loop3A_571, %parallel_loop3A_572] : memref<2x8x8x128xf32, #tpu.memory_space<vmem>> -> memref<1x8x8x128xf32, #tpu.memory_space<vmem>>
          %parallel_loop3A_574 = tpu.memref_squeeze %parallel_loop3A_573 : memref<1x8x8x128xf32, #tpu.memory_space<vmem>> -> memref<8x8x128xf32, #tpu.memory_space<vmem>>
          tpu.vector_store_idx %parallel_loop3A_574[%parallel_loop3A_565, %parallel_loop3A_568, %parallel_loop3A_254], %parallel_loop3A_498 : memref<8x8x128xf32, #tpu.memory_space<vmem>>[vector<16xi32>, vector<16xi32>, vector<16xi32>], vector<16xf32>,
          %parallel_loop3A_575 = arith.constant 3 : i32
          %parallel_loop3A_576 = vector.broadcast %parallel_loop3A_575 : i32 to vector<16xi32>
          %parallel_loop3A_577 = arith.shrsi %parallel_loop3A_476, %parallel_loop3A_576 : vector<16xi32>
          %parallel_loop3A_578 = vector.broadcast %parallel_loop3A_264 : i32 to vector<16xi32>
          %parallel_loop3A_579 = arith.addi %parallel_loop3A_577, %parallel_loop3A_578 : vector<16xi32>
          %parallel_loop3A_580 = arith.constant 7 : i32
          %parallel_loop3A_581 = vector.broadcast %parallel_loop3A_580 : i32 to vector<16xi32>
          %parallel_loop3A_582 = arith.andi %parallel_loop3A_476, %parallel_loop3A_581 : vector<16xi32>
          %parallel_loop3A_583 = arith.constant 0 : i32
          %parallel_loop3A_584 = arith.constant 0 : i32
          %parallel_loop3A_585 = arith.constant 0 : i32
          %parallel_loop3A_586 = arith.constant 0 : i32
          %parallel_loop3A_587 = tpu.memref_slice %arg7[%parallel_loop3A_583, %parallel_loop3A_584, %parallel_loop3A_585, %parallel_loop3A_586] : memref<2x8x8x128xf32, #tpu.memory_space<vmem>> -> memref<1x8x8x128xf32, #tpu.memory_space<vmem>>
          %parallel_loop3A_588 = tpu.memref_squeeze %parallel_loop3A_587 : memref<1x8x8x128xf32, #tpu.memory_space<vmem>> -> memref<8x8x128xf32, #tpu.memory_space<vmem>>
          tpu.vector_store_idx %parallel_loop3A_588[%parallel_loop3A_579, %parallel_loop3A_582, %parallel_loop3A_254], %parallel_loop3A_500 : memref<8x8x128xf32, #tpu.memory_space<vmem>>[vector<16xi32>, vector<16xi32>, vector<16xi32>], vector<16xf32>,
          %parallel_loop3A_589 = arith.constant 3 : i32
          %parallel_loop3A_590 = vector.broadcast %parallel_loop3A_589 : i32 to vector<16xi32>
          %parallel_loop3A_591 = arith.shrsi %parallel_loop3A_482, %parallel_loop3A_590 : vector<16xi32>
          %parallel_loop3A_592 = vector.broadcast %parallel_loop3A_264 : i32 to vector<16xi32>
          %parallel_loop3A_593 = arith.addi %parallel_loop3A_591, %parallel_loop3A_592 : vector<16xi32>
          %parallel_loop3A_594 = arith.constant 7 : i32
          %parallel_loop3A_595 = vector.broadcast %parallel_loop3A_594 : i32 to vector<16xi32>
          %parallel_loop3A_596 = arith.andi %parallel_loop3A_482, %parallel_loop3A_595 : vector<16xi32>
          %parallel_loop3A_597 = arith.constant 0 : i32
          %parallel_loop3A_598 = arith.constant 0 : i32
          %parallel_loop3A_599 = arith.constant 0 : i32
          %parallel_loop3A_600 = arith.constant 0 : i32
          %parallel_loop3A_601 = tpu.memref_slice %arg7[%parallel_loop3A_597, %parallel_loop3A_598, %parallel_loop3A_599, %parallel_loop3A_600] : memref<2x8x8x128xf32, #tpu.memory_space<vmem>> -> memref<1x8x8x128xf32, #tpu.memory_space<vmem>>
          %parallel_loop3A_602 = tpu.memref_squeeze %parallel_loop3A_601 : memref<1x8x8x128xf32, #tpu.memory_space<vmem>> -> memref<8x8x128xf32, #tpu.memory_space<vmem>>
          tpu.vector_store_idx %parallel_loop3A_602[%parallel_loop3A_593, %parallel_loop3A_596, %parallel_loop3A_254], %parallel_loop3A_502 : memref<8x8x128xf32, #tpu.memory_space<vmem>>[vector<16xi32>, vector<16xi32>, vector<16xi32>], vector<16xf32>,
          %parallel_loop3A_603 = arith.constant 3 : i32
          %parallel_loop3A_604 = vector.broadcast %parallel_loop3A_603 : i32 to vector<16xi32>
          %parallel_loop3A_605 = arith.shrsi %parallel_loop3A_488, %parallel_loop3A_604 : vector<16xi32>
          %parallel_loop3A_606 = vector.broadcast %parallel_loop3A_264 : i32 to vector<16xi32>
          %parallel_loop3A_607 = arith.addi %parallel_loop3A_605, %parallel_loop3A_606 : vector<16xi32>
          %parallel_loop3A_608 = arith.constant 7 : i32
          %parallel_loop3A_609 = vector.broadcast %parallel_loop3A_608 : i32 to vector<16xi32>
          %parallel_loop3A_610 = arith.andi %parallel_loop3A_488, %parallel_loop3A_609 : vector<16xi32>
          %parallel_loop3A_611 = arith.constant 0 : i32
          %parallel_loop3A_612 = arith.constant 0 : i32
          %parallel_loop3A_613 = arith.constant 0 : i32
          %parallel_loop3A_614 = arith.constant 0 : i32
          %parallel_loop3A_615 = tpu.memref_slice %arg7[%parallel_loop3A_611, %parallel_loop3A_612, %parallel_loop3A_613, %parallel_loop3A_614] : memref<2x8x8x128xf32, #tpu.memory_space<vmem>> -> memref<1x8x8x128xf32, #tpu.memory_space<vmem>>
          %parallel_loop3A_616 = tpu.memref_squeeze %parallel_loop3A_615 : memref<1x8x8x128xf32, #tpu.memory_space<vmem>> -> memref<8x8x128xf32, #tpu.memory_space<vmem>>
          tpu.vector_store_idx %parallel_loop3A_616[%parallel_loop3A_607, %parallel_loop3A_610, %parallel_loop3A_254], %parallel_loop3A_504 : memref<8x8x128xf32, #tpu.memory_space<vmem>>[vector<16xi32>, vector<16xi32>, vector<16xi32>], vector<16xf32>,
        } {sc.loop_unroll_factor = 1 : i64, sc.parallel_access}
      } {sc.loop_unroll_factor = 1 : i64, sc.parallel_access}
      %add3A_167 = arith.addi %mul3A_32, %add3A_139 : i32
      %dma_start3A_168 = arith.constant 0 : i32
      %dma_start3A_169 = arith.constant 0 : i32
      %dma_start3A_170 = arith.constant 0 : i32
      %dma_start3A_171 = arith.constant 0 : i32
      %dma_start3A_172 = tpu.memref_slice %arg7[%dma_start3A_168, %dma_start3A_169, %dma_start3A_170, %dma_start3A_171] : memref<2x8x8x128xf32, #tpu.memory_space<vmem>> -> memref<1x8x8x128xf32, #tpu.memory_space<vmem>>
      %dma_start3A_173 = tpu.memref_squeeze %dma_start3A_172 : memref<1x8x8x128xf32, #tpu.memory_space<vmem>> -> memref<8x8x128xf32, #tpu.memory_space<vmem>>
      %dma_start3A_174 = arith.constant 0 : i32
      %dma_start3A_175 = arith.constant 0 : i32
      %dma_start3A_176 = arith.constant 0 : i32
      %dma_start3A_177 = tpu.memref_slice %arg4[%add3A_167, %dma_start3A_174, %select_n3A_9, %dma_start3A_175, %dma_start3A_176] : memref<200x8x8x8x128xf32, #tpu.memory_space<hbm>> -> memref<1x8x1x8x128xf32, #tpu.memory_space<hbm>>
      %dma_start3A_178 = tpu.memref_squeeze %dma_start3A_177 : memref<1x8x1x8x128xf32, #tpu.memory_space<hbm>> -> memref<8x8x128xf32, #tpu.memory_space<hbm>>
      %dma_start3A_179 = arith.constant 0 : i32
      %dma_start3A_180 = arith.constant 0 : i32
      %dma_start3A_181 = arith.constant 0 : i32
      %dma_start3A_182 = tpu.memref_slice %arg4[%add3A_167, %dma_start3A_179, %select_n3A_9, %dma_start3A_180, %dma_start3A_181] : memref<200x8x8x8x128xf32, #tpu.memory_space<hbm>> -> memref<1x8x1x8x128xf32, #tpu.memory_space<hbm>>
      %dma_start3A_183 = tpu.memref_squeeze %dma_start3A_182 : memref<1x8x1x8x128xf32, #tpu.memory_space<hbm>> -> memref<8x8x128xf32, #tpu.memory_space<hbm>>
      %dma_start3A_184 = arith.constant 0 : i32
      %dma_start3A_185 = arith.constant 0 : i32
      %dma_start3A_186 = arith.constant 0 : i32
      %dma_start3A_187 = tpu.memref_slice %arg7[%dma_start3A_168, %dma_start3A_184, %dma_start3A_185, %dma_start3A_186] : memref<2x8x8x128xf32, #tpu.memory_space<vmem>> -> memref<1x8x8x128xf32, #tpu.memory_space<vmem>>
      %dma_start3A_188 = tpu.memref_squeeze %dma_start3A_187 : memref<1x8x8x128xf32, #tpu.memory_space<vmem>> -> memref<8x8x128xf32, #tpu.memory_space<vmem>>
      tpu.enqueue_dma source(%dma_start3A_188 : memref<8x8x128xf32, #tpu.memory_space<vmem>>) target(%dma_start3A_183 : memref<8x8x128xf32, #tpu.memory_space<hbm>>) target_semaphore(%arg8 : memref<!tpu.dma_semaphore, #tpu.memory_space<semaphore_mem>>)
      %mul3A_189 = arith.constant 2 : i32
      %mul3A_190 = arith.muli %mul3A_189, %scan3A_135 : i32
      %add3A_191 = arith.constant 1 : i32
      %add3A_192 = arith.addi %mul3A_190, %add3A_191 : i32
      %sub3A_193 = arith.constant 2 : i32
      %sub3A_194 = arith.subi %add3A_192, %sub3A_193 : i32
      %add3A_195 = arith.addi %mul3A_32, %sub3A_194 : i32
      %dma_wait3A_196 = arith.constant 1 : i32
      %dma_wait3A_197 = arith.constant 0 : i32
      %dma_wait3A_198 = arith.constant 0 : i32
      %dma_wait3A_199 = arith.constant 0 : i32
      %dma_wait3A_200 = tpu.memref_slice %arg7[%dma_wait3A_196, %dma_wait3A_197, %dma_wait3A_198, %dma_wait3A_199] : memref<2x8x8x128xf32, #tpu.memory_space<vmem>> -> memref<1x8x8x128xf32, #tpu.memory_space<vmem>>
      %dma_wait3A_201 = tpu.memref_squeeze %dma_wait3A_200 : memref<1x8x8x128xf32, #tpu.memory_space<vmem>> -> memref<8x8x128xf32, #tpu.memory_space<vmem>>
      %dma_wait3A_202 = arith.constant 0 : i32
      %dma_wait3A_203 = arith.constant 0 : i32
      %dma_wait3A_204 = arith.constant 0 : i32
      %dma_wait3A_205 = tpu.memref_slice %arg4[%add3A_195, %dma_wait3A_202, %select_n3A_9, %dma_wait3A_203, %dma_wait3A_204] : memref<200x8x8x8x128xf32, #tpu.memory_space<hbm>> -> memref<1x8x1x8x128xf32, #tpu.memory_space<hbm>>
      %dma_wait3A_206 = tpu.memref_squeeze %dma_wait3A_205 : memref<1x8x1x8x128xf32, #tpu.memory_space<hbm>> -> memref<8x8x128xf32, #tpu.memory_space<hbm>>
      %dma_wait3A_207 = arith.constant 0 : i32
      %dma_wait3A_208 = arith.constant 0 : i32
      %dma_wait3A_209 = arith.constant 0 : i32
      %dma_wait3A_210 = tpu.memref_slice %arg4[%add3A_195, %dma_wait3A_207, %select_n3A_9, %dma_wait3A_208, %dma_wait3A_209] : memref<200x8x8x8x128xf32, #tpu.memory_space<hbm>> -> memref<1x8x1x8x128xf32, #tpu.memory_space<hbm>>
      %dma_wait3A_211 = tpu.memref_squeeze %dma_wait3A_210 : memref<1x8x1x8x128xf32, #tpu.memory_space<hbm>> -> memref<8x8x128xf32, #tpu.memory_space<hbm>>
      %dma_wait3A_212 = arith.constant 0 : i32
      %dma_wait3A_213 = arith.constant 0 : i32
      %dma_wait3A_214 = arith.constant 0 : i32
      %dma_wait3A_215 = tpu.memref_slice %arg7[%dma_wait3A_196, %dma_wait3A_212, %dma_wait3A_213, %dma_wait3A_214] : memref<2x8x8x128xf32, #tpu.memory_space<vmem>> -> memref<1x8x8x128xf32, #tpu.memory_space<vmem>>
      %dma_wait3A_216 = tpu.memref_squeeze %dma_wait3A_215 : memref<1x8x8x128xf32, #tpu.memory_space<vmem>> -> memref<8x8x128xf32, #tpu.memory_space<vmem>>
      tpu.wait_dma2 semaphore(%arg9 : memref<!tpu.dma_semaphore, #tpu.memory_space<semaphore_mem>>) src(%dma_wait3A_216 : memref<8x8x128xf32, #tpu.memory_space<vmem>>) dst(%dma_wait3A_211 : memref<8x8x128xf32, #tpu.memory_space<hbm>>)
      %parallel_loop3A_217 = arith.constant 0 : i32
      %parallel_loop3A_218 = arith.constant 8 : i32
      %parallel_loop3A_219 = arith.constant 1 : i32
      scf.for %parallel_loop3A_242 = %parallel_loop3A_217 to %parallel_loop3A_218 step %parallel_loop3A_219  : i32 {
        %parallel_loop3A_243 = arith.constant 16 : i32
        %parallel_loop3A_244 = arith.muli %parallel_loop3A_242, %parallel_loop3A_243 : i32
        %parallel_loop3A_245 = arith.index_cast %add3A_192 : i32 to index
        %parallel_loop3A_246 = arith.index_cast %parallel_loop3A_244 : i32 to index
        %parallel_loop3A_247 = tpu.vector_load %arg6[%parallel_loop3A_245, %parallel_loop3A_246] {strides = array<i32>} : memref<50x128xi32, #tpu.memory_space<vmem>>, vector<16xi32>,
        %parallel_loop3A_248 = arith.constant 64 : i32
        %parallel_loop3A_249 = vector.broadcast %parallel_loop3A_248 : i32 to vector<16xi32>
        %parallel_loop3A_250 = arith.muli %parallel_loop3A_247, %parallel_loop3A_249 : vector<16xi32>
        %parallel_loop3A_251 = arith.constant 16 : i32
        %parallel_loop3A_252 = arith.muli %parallel_loop3A_242, %parallel_loop3A_251 : i32
        %parallel_loop3A_253 = vector.broadcast %parallel_loop3A_252 : i32 to vector<16xi32>
        %parallel_loop3A_254 = arith.addi %iota3A, %parallel_loop3A_253 : vector<16xi32>
        %parallel_loop3A_255 = arith.constant 0 : i32
        %parallel_loop3A_256 = arith.constant 4 : i32
        %parallel_loop3A_257 = arith.constant 1 : i32
        scf.for %parallel_loop3A_258 = %parallel_loop3A_255 to %parallel_loop3A_256 step %parallel_loop3A_257  : i32 {
          %parallel_loop3A_259 = arith.constant 16 : i32
          %parallel_loop3A_260 = arith.muli %parallel_loop3A_258, %parallel_loop3A_259 : i32
          %parallel_loop3A_261 = vector.broadcast %parallel_loop3A_260 : i32 to vector<16xi32>
          %parallel_loop3A_262 = arith.addi %parallel_loop3A_250, %parallel_loop3A_261 : vector<16xi32>
          %parallel_loop3A_263 = arith.constant 2 : i32
          %parallel_loop3A_264 = arith.muli %parallel_loop3A_263, %parallel_loop3A_258 : i32
          %parallel_loop3A_265 = arith.constant 0 : i32
          %parallel_loop3A_266 = vector.broadcast %parallel_loop3A_265 : i32 to vector<16xi32>
          %parallel_loop3A_267 = arith.addi %iota3A, %parallel_loop3A_266 : vector<16xi32>
          %parallel_loop3A_268 = arith.constant 15 : i32
          %parallel_loop3A_269 = vector.broadcast %parallel_loop3A_268 : i32 to vector<16xi32>
          %parallel_loop3A_270 = arith.andi %parallel_loop3A_267, %parallel_loop3A_269 : vector<16xi32>
          %parallel_loop3A_271 = arith.constant 1 : i32
          %parallel_loop3A_272 = vector.broadcast %parallel_loop3A_271 : i32 to vector<16xi32>
          %parallel_loop3A_273 = arith.addi %iota3A, %parallel_loop3A_272 : vector<16xi32>
          %parallel_loop3A_274 = arith.constant 15 : i32
          %parallel_loop3A_275 = vector.broadcast %parallel_loop3A_274 : i32 to vector<16xi32>
          %parallel_loop3A_276 = arith.andi %parallel_loop3A_273, %parallel_loop3A_275 : vector<16xi32>
          %parallel_loop3A_277 = arith.constant 2 : i32
          %parallel_loop3A_278 = vector.broadcast %parallel_loop3A_277 : i32 to vector<16xi32>
          %parallel_loop3A_279 = arith.addi %iota3A, %parallel_loop3A_278 : vector<16xi32>
          %parallel_loop3A_280 = arith.constant 15 : i32
          %parallel_loop3A_281 = vector.broadcast %parallel_loop3A_280 : i32 to vector<16xi32>
          %parallel_loop3A_282 = arith.andi %parallel_loop3A_279, %parallel_loop3A_281 : vector<16xi32>
          %parallel_loop3A_283 = arith.constant 3 : i32
          %parallel_loop3A_284 = vector.broadcast %parallel_loop3A_283 : i32 to vector<16xi32>
          %parallel_loop3A_285 = arith.addi %iota3A, %parallel_loop3A_284 : vector<16xi32>
          %parallel_loop3A_286 = arith.constant 15 : i32
          %parallel_loop3A_287 = vector.broadcast %parallel_loop3A_286 : i32 to vector<16xi32>
          %parallel_loop3A_288 = arith.andi %parallel_loop3A_285, %parallel_loop3A_287 : vector<16xi32>
          %parallel_loop3A_289 = arith.constant 4 : i32
          %parallel_loop3A_290 = vector.broadcast %parallel_loop3A_289 : i32 to vector<16xi32>
          %parallel_loop3A_291 = arith.addi %iota3A, %parallel_loop3A_290 : vector<16xi32>
          %parallel_loop3A_292 = arith.constant 15 : i32
          %parallel_loop3A_293 = vector.broadcast %parallel_loop3A_292 : i32 to vector<16xi32>
          %parallel_loop3A_294 = arith.andi %parallel_loop3A_291, %parallel_loop3A_293 : vector<16xi32>
          %parallel_loop3A_295 = arith.constant 5 : i32
          %parallel_loop3A_296 = vector.broadcast %parallel_loop3A_295 : i32 to vector<16xi32>
          %parallel_loop3A_297 = arith.addi %iota3A, %parallel_loop3A_296 : vector<16xi32>
          %parallel_loop3A_298 = arith.constant 15 : i32
          %parallel_loop3A_299 = vector.broadcast %parallel_loop3A_298 : i32 to vector<16xi32>
          %parallel_loop3A_300 = arith.andi %parallel_loop3A_297, %parallel_loop3A_299 : vector<16xi32>
          %parallel_loop3A_301 = arith.constant 6 : i32
          %parallel_loop3A_302 = vector.broadcast %parallel_loop3A_301 : i32 to vector<16xi32>
          %parallel_loop3A_303 = arith.addi %iota3A, %parallel_loop3A_302 : vector<16xi32>
          %parallel_loop3A_304 = arith.constant 15 : i32
          %parallel_loop3A_305 = vector.broadcast %parallel_loop3A_304 : i32 to vector<16xi32>
          %parallel_loop3A_306 = arith.andi %parallel_loop3A_303, %parallel_loop3A_305 : vector<16xi32>
          %parallel_loop3A_307 = arith.constant 7 : i32
          %parallel_loop3A_308 = vector.broadcast %parallel_loop3A_307 : i32 to vector<16xi32>
          %parallel_loop3A_309 = arith.addi %iota3A, %parallel_loop3A_308 : vector<16xi32>
          %parallel_loop3A_310 = arith.constant 15 : i32
          %parallel_loop3A_311 = vector.broadcast %parallel_loop3A_310 : i32 to vector<16xi32>
          %parallel_loop3A_312 = arith.andi %parallel_loop3A_309, %parallel_loop3A_311 : vector<16xi32>
          %parallel_loop3A_313 = arith.addi %parallel_loop3A_262, %parallel_loop3A_270 : vector<16xi32>
          %parallel_loop3A_314 = tpu.vector_load_idx %arg5[%parallel_loop3A_313] : memref<64000xf32, #tpu.memory_space<vmem>>[vector<16xi32>], vector<16xf32>,
          %parallel_loop3A_315 = arith.addi %parallel_loop3A_262, %parallel_loop3A_276 : vector<16xi32>
          %parallel_loop3A_316 = tpu.vector_load_idx %arg5[%parallel_loop3A_315] : memref<64000xf32, #tpu.memory_space<vmem>>[vector<16xi32>], vector<16xf32>,
          %parallel_loop3A_317 = arith.addi %parallel_loop3A_262, %parallel_loop3A_282 : vector<16xi32>
          %parallel_loop3A_318 = tpu.vector_load_idx %arg5[%parallel_loop3A_317] : memref<64000xf32, #tpu.memory_space<vmem>>[vector<16xi32>], vector<16xf32>,
          %parallel_loop3A_319 = arith.addi %parallel_loop3A_262, %parallel_loop3A_288 : vector<16xi32>
          %parallel_loop3A_320 = tpu.vector_load_idx %arg5[%parallel_loop3A_319] : memref<64000xf32, #tpu.memory_space<vmem>>[vector<16xi32>], vector<16xf32>,
          %parallel_loop3A_321 = arith.addi %parallel_loop3A_262, %parallel_loop3A_294 : vector<16xi32>
          %parallel_loop3A_322 = tpu.vector_load_idx %arg5[%parallel_loop3A_321] : memref<64000xf32, #tpu.memory_space<vmem>>[vector<16xi32>], vector<16xf32>,
          %parallel_loop3A_323 = arith.addi %parallel_loop3A_262, %parallel_loop3A_300 : vector<16xi32>
          %parallel_loop3A_324 = tpu.vector_load_idx %arg5[%parallel_loop3A_323] : memref<64000xf32, #tpu.memory_space<vmem>>[vector<16xi32>], vector<16xf32>,
          %parallel_loop3A_325 = arith.addi %parallel_loop3A_262, %parallel_loop3A_306 : vector<16xi32>
          %parallel_loop3A_326 = tpu.vector_load_idx %arg5[%parallel_loop3A_325] : memref<64000xf32, #tpu.memory_space<vmem>>[vector<16xi32>], vector<16xf32>,
          %parallel_loop3A_327 = arith.addi %parallel_loop3A_262, %parallel_loop3A_312 : vector<16xi32>
          %parallel_loop3A_328 = tpu.vector_load_idx %arg5[%parallel_loop3A_327] : memref<64000xf32, #tpu.memory_space<vmem>>[vector<16xi32>], vector<16xf32>,
          %parallel_loop3A_329 = arith.constant 3 : i32
          %parallel_loop3A_330 = vector.broadcast %parallel_loop3A_329 : i32 to vector<16xi32>
          %parallel_loop3A_331 = arith.shrsi %parallel_loop3A_270, %parallel_loop3A_330 : vector<16xi32>
          %parallel_loop3A_332 = vector.broadcast %parallel_loop3A_264 : i32 to vector<16xi32>
          %parallel_loop3A_333 = arith.addi %parallel_loop3A_331, %parallel_loop3A_332 : vector<16xi32>
          %parallel_loop3A_334 = arith.constant 7 : i32
          %parallel_loop3A_335 = vector.broadcast %parallel_loop3A_334 : i32 to vector<16xi32>
          %parallel_loop3A_336 = arith.andi %parallel_loop3A_270, %parallel_loop3A_335 : vector<16xi32>
          %parallel_loop3A_337 = arith.constant 1 : i32
          %parallel_loop3A_338 = arith.constant 0 : i32
          %parallel_loop3A_339 = arith.constant 0 : i32
          %parallel_loop3A_340 = arith.constant 0 : i32
          %parallel_loop3A_341 = tpu.memref_slice %arg7[%parallel_loop3A_337, %parallel_loop3A_338, %parallel_loop3A_339, %parallel_loop3A_340] : memref<2x8x8x128xf32, #tpu.memory_space<vmem>> -> memref<1x8x8x128xf32, #tpu.memory_space<vmem>>
          %parallel_loop3A_342 = tpu.memref_squeeze %parallel_loop3A_341 : memref<1x8x8x128xf32, #tpu.memory_space<vmem>> -> memref<8x8x128xf32, #tpu.memory_space<vmem>>
          tpu.vector_store_idx %parallel_loop3A_342[%parallel_loop3A_333, %parallel_loop3A_336, %parallel_loop3A_254], %parallel_loop3A_314 : memref<8x8x128xf32, #tpu.memory_space<vmem>>[vector<16xi32>, vector<16xi32>, vector<16xi32>], vector<16xf32>,
          %parallel_loop3A_343 = arith.constant 3 : i32
          %parallel_loop3A_344 = vector.broadcast %parallel_loop3A_343 : i32 to vector<16xi32>
          %parallel_loop3A_345 = arith.shrsi %parallel_loop3A_276, %parallel_loop3A_344 : vector<16xi32>
          %parallel_loop3A_346 = vector.broadcast %parallel_loop3A_264 : i32 to vector<16xi32>
          %parallel_loop3A_347 = arith.addi %parallel_loop3A_345, %parallel_loop3A_346 : vector<16xi32>
          %parallel_loop3A_348 = arith.constant 7 : i32
          %parallel_loop3A_349 = vector.broadcast %parallel_loop3A_348 : i32 to vector<16xi32>
          %parallel_loop3A_350 = arith.andi %parallel_loop3A_276, %parallel_loop3A_349 : vector<16xi32>
          %parallel_loop3A_351 = arith.constant 1 : i32
          %parallel_loop3A_352 = arith.constant 0 : i32
          %parallel_loop3A_353 = arith.constant 0 : i32
          %parallel_loop3A_354 = arith.constant 0 : i32
          %parallel_loop3A_355 = tpu.memref_slice %arg7[%parallel_loop3A_351, %parallel_loop3A_352, %parallel_loop3A_353, %parallel_loop3A_354] : memref<2x8x8x128xf32, #tpu.memory_space<vmem>> -> memref<1x8x8x128xf32, #tpu.memory_space<vmem>>
          %parallel_loop3A_356 = tpu.memref_squeeze %parallel_loop3A_355 : memref<1x8x8x128xf32, #tpu.memory_space<vmem>> -> memref<8x8x128xf32, #tpu.memory_space<vmem>>
          tpu.vector_store_idx %parallel_loop3A_356[%parallel_loop3A_347, %parallel_loop3A_350, %parallel_loop3A_254], %parallel_loop3A_316 : memref<8x8x128xf32, #tpu.memory_space<vmem>>[vector<16xi32>, vector<16xi32>, vector<16xi32>], vector<16xf32>,
          %parallel_loop3A_357 = arith.constant 3 : i32
          %parallel_loop3A_358 = vector.broadcast %parallel_loop3A_357 : i32 to vector<16xi32>
          %parallel_loop3A_359 = arith.shrsi %parallel_loop3A_282, %parallel_loop3A_358 : vector<16xi32>
          %parallel_loop3A_360 = vector.broadcast %parallel_loop3A_264 : i32 to vector<16xi32>
          %parallel_loop3A_361 = arith.addi %parallel_loop3A_359, %parallel_loop3A_360 : vector<16xi32>
          %parallel_loop3A_362 = arith.constant 7 : i32
          %parallel_loop3A_363 = vector.broadcast %parallel_loop3A_362 : i32 to vector<16xi32>
          %parallel_loop3A_364 = arith.andi %parallel_loop3A_282, %parallel_loop3A_363 : vector<16xi32>
          %parallel_loop3A_365 = arith.constant 1 : i32
          %parallel_loop3A_366 = arith.constant 0 : i32
          %parallel_loop3A_367 = arith.constant 0 : i32
          %parallel_loop3A_368 = arith.constant 0 : i32
          %parallel_loop3A_369 = tpu.memref_slice %arg7[%parallel_loop3A_365, %parallel_loop3A_366, %parallel_loop3A_367, %parallel_loop3A_368] : memref<2x8x8x128xf32, #tpu.memory_space<vmem>> -> memref<1x8x8x128xf32, #tpu.memory_space<vmem>>
          %parallel_loop3A_370 = tpu.memref_squeeze %parallel_loop3A_369 : memref<1x8x8x128xf32, #tpu.memory_space<vmem>> -> memref<8x8x128xf32, #tpu.memory_space<vmem>>
          tpu.vector_store_idx %parallel_loop3A_370[%parallel_loop3A_361, %parallel_loop3A_364, %parallel_loop3A_254], %parallel_loop3A_318 : memref<8x8x128xf32, #tpu.memory_space<vmem>>[vector<16xi32>, vector<16xi32>, vector<16xi32>], vector<16xf32>,
          %parallel_loop3A_371 = arith.constant 3 : i32
          %parallel_loop3A_372 = vector.broadcast %parallel_loop3A_371 : i32 to vector<16xi32>
          %parallel_loop3A_373 = arith.shrsi %parallel_loop3A_288, %parallel_loop3A_372 : vector<16xi32>
          %parallel_loop3A_374 = vector.broadcast %parallel_loop3A_264 : i32 to vector<16xi32>
          %parallel_loop3A_375 = arith.addi %parallel_loop3A_373, %parallel_loop3A_374 : vector<16xi32>
          %parallel_loop3A_376 = arith.constant 7 : i32
          %parallel_loop3A_377 = vector.broadcast %parallel_loop3A_376 : i32 to vector<16xi32>
          %parallel_loop3A_378 = arith.andi %parallel_loop3A_288, %parallel_loop3A_377 : vector<16xi32>
          %parallel_loop3A_379 = arith.constant 1 : i32
          %parallel_loop3A_380 = arith.constant 0 : i32
          %parallel_loop3A_381 = arith.constant 0 : i32
          %parallel_loop3A_382 = arith.constant 0 : i32
          %parallel_loop3A_383 = tpu.memref_slice %arg7[%parallel_loop3A_379, %parallel_loop3A_380, %parallel_loop3A_381, %parallel_loop3A_382] : memref<2x8x8x128xf32, #tpu.memory_space<vmem>> -> memref<1x8x8x128xf32, #tpu.memory_space<vmem>>
          %parallel_loop3A_384 = tpu.memref_squeeze %parallel_loop3A_383 : memref<1x8x8x128xf32, #tpu.memory_space<vmem>> -> memref<8x8x128xf32, #tpu.memory_space<vmem>>
          tpu.vector_store_idx %parallel_loop3A_384[%parallel_loop3A_375, %parallel_loop3A_378, %parallel_loop3A_254], %parallel_loop3A_320 : memref<8x8x128xf32, #tpu.memory_space<vmem>>[vector<16xi32>, vector<16xi32>, vector<16xi32>], vector<16xf32>,
          %parallel_loop3A_385 = arith.constant 3 : i32
          %parallel_loop3A_386 = vector.broadcast %parallel_loop3A_385 : i32 to vector<16xi32>
          %parallel_loop3A_387 = arith.shrsi %parallel_loop3A_294, %parallel_loop3A_386 : vector<16xi32>
          %parallel_loop3A_388 = vector.broadcast %parallel_loop3A_264 : i32 to vector<16xi32>
          %parallel_loop3A_389 = arith.addi %parallel_loop3A_387, %parallel_loop3A_388 : vector<16xi32>
          %parallel_loop3A_390 = arith.constant 7 : i32
          %parallel_loop3A_391 = vector.broadcast %parallel_loop3A_390 : i32 to vector<16xi32>
          %parallel_loop3A_392 = arith.andi %parallel_loop3A_294, %parallel_loop3A_391 : vector<16xi32>
          %parallel_loop3A_393 = arith.constant 1 : i32
          %parallel_loop3A_394 = arith.constant 0 : i32
          %parallel_loop3A_395 = arith.constant 0 : i32
          %parallel_loop3A_396 = arith.constant 0 : i32
          %parallel_loop3A_397 = tpu.memref_slice %arg7[%parallel_loop3A_393, %parallel_loop3A_394, %parallel_loop3A_395, %parallel_loop3A_396] : memref<2x8x8x128xf32, #tpu.memory_space<vmem>> -> memref<1x8x8x128xf32, #tpu.memory_space<vmem>>
          %parallel_loop3A_398 = tpu.memref_squeeze %parallel_loop3A_397 : memref<1x8x8x128xf32, #tpu.memory_space<vmem>> -> memref<8x8x128xf32, #tpu.memory_space<vmem>>
          tpu.vector_store_idx %parallel_loop3A_398[%parallel_loop3A_389, %parallel_loop3A_392, %parallel_loop3A_254], %parallel_loop3A_322 : memref<8x8x128xf32, #tpu.memory_space<vmem>>[vector<16xi32>, vector<16xi32>, vector<16xi32>], vector<16xf32>,
          %parallel_loop3A_399 = arith.constant 3 : i32
          %parallel_loop3A_400 = vector.broadcast %parallel_loop3A_399 : i32 to vector<16xi32>
          %parallel_loop3A_401 = arith.shrsi %parallel_loop3A_300, %parallel_loop3A_400 : vector<16xi32>
          %parallel_loop3A_402 = vector.broadcast %parallel_loop3A_264 : i32 to vector<16xi32>
          %parallel_loop3A_403 = arith.addi %parallel_loop3A_401, %parallel_loop3A_402 : vector<16xi32>
          %parallel_loop3A_404 = arith.constant 7 : i32
          %parallel_loop3A_405 = vector.broadcast %parallel_loop3A_404 : i32 to vector<16xi32>
          %parallel_loop3A_406 = arith.andi %parallel_loop3A_300, %parallel_loop3A_405 : vector<16xi32>
          %parallel_loop3A_407 = arith.constant 1 : i32
          %parallel_loop3A_408 = arith.constant 0 : i32
          %parallel_loop3A_409 = arith.constant 0 : i32
          %parallel_loop3A_410 = arith.constant 0 : i32
          %parallel_loop3A_411 = tpu.memref_slice %arg7[%parallel_loop3A_407, %parallel_loop3A_408, %parallel_loop3A_409, %parallel_loop3A_410] : memref<2x8x8x128xf32, #tpu.memory_space<vmem>> -> memref<1x8x8x128xf32, #tpu.memory_space<vmem>>
          %parallel_loop3A_412 = tpu.memref_squeeze %parallel_loop3A_411 : memref<1x8x8x128xf32, #tpu.memory_space<vmem>> -> memref<8x8x128xf32, #tpu.memory_space<vmem>>
          tpu.vector_store_idx %parallel_loop3A_412[%parallel_loop3A_403, %parallel_loop3A_406, %parallel_loop3A_254], %parallel_loop3A_324 : memref<8x8x128xf32, #tpu.memory_space<vmem>>[vector<16xi32>, vector<16xi32>, vector<16xi32>], vector<16xf32>,
          %parallel_loop3A_413 = arith.constant 3 : i32
          %parallel_loop3A_414 = vector.broadcast %parallel_loop3A_413 : i32 to vector<16xi32>
          %parallel_loop3A_415 = arith.shrsi %parallel_loop3A_306, %parallel_loop3A_414 : vector<16xi32>
          %parallel_loop3A_416 = vector.broadcast %parallel_loop3A_264 : i32 to vector<16xi32>
          %parallel_loop3A_417 = arith.addi %parallel_loop3A_415, %parallel_loop3A_416 : vector<16xi32>
          %parallel_loop3A_418 = arith.constant 7 : i32
          %parallel_loop3A_419 = vector.broadcast %parallel_loop3A_418 : i32 to vector<16xi32>
          %parallel_loop3A_420 = arith.andi %parallel_loop3A_306, %parallel_loop3A_419 : vector<16xi32>
          %parallel_loop3A_421 = arith.constant 1 : i32
          %parallel_loop3A_422 = arith.constant 0 : i32
          %parallel_loop3A_423 = arith.constant 0 : i32
          %parallel_loop3A_424 = arith.constant 0 : i32
          %parallel_loop3A_425 = tpu.memref_slice %arg7[%parallel_loop3A_421, %parallel_loop3A_422, %parallel_loop3A_423, %parallel_loop3A_424] : memref<2x8x8x128xf32, #tpu.memory_space<vmem>> -> memref<1x8x8x128xf32, #tpu.memory_space<vmem>>
          %parallel_loop3A_426 = tpu.memref_squeeze %parallel_loop3A_425 : memref<1x8x8x128xf32, #tpu.memory_space<vmem>> -> memref<8x8x128xf32, #tpu.memory_space<vmem>>
          tpu.vector_store_idx %parallel_loop3A_426[%parallel_loop3A_417, %parallel_loop3A_420, %parallel_loop3A_254], %parallel_loop3A_326 : memref<8x8x128xf32, #tpu.memory_space<vmem>>[vector<16xi32>, vector<16xi32>, vector<16xi32>], vector<16xf32>,
          %parallel_loop3A_427 = arith.constant 3 : i32
          %parallel_loop3A_428 = vector.broadcast %parallel_loop3A_427 : i32 to vector<16xi32>
          %parallel_loop3A_429 = arith.shrsi %parallel_loop3A_312, %parallel_loop3A_428 : vector<16xi32>
          %parallel_loop3A_430 = vector.broadcast %parallel_loop3A_264 : i32 to vector<16xi32>
          %parallel_loop3A_431 = arith.addi %parallel_loop3A_429, %parallel_loop3A_430 : vector<16xi32>
          %parallel_loop3A_432 = arith.constant 7 : i32
          %parallel_loop3A_433 = vector.broadcast %parallel_loop3A_432 : i32 to vector<16xi32>
          %parallel_loop3A_434 = arith.andi %parallel_loop3A_312, %parallel_loop3A_433 : vector<16xi32>
          %parallel_loop3A_435 = arith.constant 1 : i32
          %parallel_loop3A_436 = arith.constant 0 : i32
          %parallel_loop3A_437 = arith.constant 0 : i32
          %parallel_loop3A_438 = arith.constant 0 : i32
          %parallel_loop3A_439 = tpu.memref_slice %arg7[%parallel_loop3A_435, %parallel_loop3A_436, %parallel_loop3A_437, %parallel_loop3A_438] : memref<2x8x8x128xf32, #tpu.memory_space<vmem>> -> memref<1x8x8x128xf32, #tpu.memory_space<vmem>>
          %parallel_loop3A_440 = tpu.memref_squeeze %parallel_loop3A_439 : memref<1x8x8x128xf32, #tpu.memory_space<vmem>> -> memref<8x8x128xf32, #tpu.memory_space<vmem>>
          tpu.vector_store_idx %parallel_loop3A_440[%parallel_loop3A_431, %parallel_loop3A_434, %parallel_loop3A_254], %parallel_loop3A_328 : memref<8x8x128xf32, #tpu.memory_space<vmem>>[vector<16xi32>, vector<16xi32>, vector<16xi32>], vector<16xf32>,
          %parallel_loop3A_441 = arith.constant 8 : i32
          %parallel_loop3A_442 = vector.broadcast %parallel_loop3A_441 : i32 to vector<16xi32>
          %parallel_loop3A_443 = arith.addi %iota3A, %parallel_loop3A_442 : vector<16xi32>
          %parallel_loop3A_444 = arith.constant 15 : i32
          %parallel_loop3A_445 = vector.broadcast %parallel_loop3A_444 : i32 to vector<16xi32>
          %parallel_loop3A_446 = arith.andi %parallel_loop3A_443, %parallel_loop3A_445 : vector<16xi32>
          %parallel_loop3A_447 = arith.constant 9 : i32
          %parallel_loop3A_448 = vector.broadcast %parallel_loop3A_447 : i32 to vector<16xi32>
          %parallel_loop3A_449 = arith.addi %iota3A, %parallel_loop3A_448 : vector<16xi32>
          %parallel_loop3A_450 = arith.constant 15 : i32
          %parallel_loop3A_451 = vector.broadcast %parallel_loop3A_450 : i32 to vector<16xi32>
          %parallel_loop3A_452 = arith.andi %parallel_loop3A_449, %parallel_loop3A_451 : vector<16xi32>
          %parallel_loop3A_453 = arith.constant 10 : i32
          %parallel_loop3A_454 = vector.broadcast %parallel_loop3A_453 : i32 to vector<16xi32>
          %parallel_loop3A_455 = arith.addi %iota3A, %parallel_loop3A_454 : vector<16xi32>
          %parallel_loop3A_456 = arith.constant 15 : i32
          %parallel_loop3A_457 = vector.broadcast %parallel_loop3A_456 : i32 to vector<16xi32>
          %parallel_loop3A_458 = arith.andi %parallel_loop3A_455, %parallel_loop3A_457 : vector<16xi32>
          %parallel_loop3A_459 = arith.constant 11 : i32
          %parallel_loop3A_460 = vector.broadcast %parallel_loop3A_459 : i32 to vector<16xi32>
          %parallel_loop3A_461 = arith.addi %iota3A, %parallel_loop3A_460 : vector<16xi32>
          %parallel_loop3A_462 = arith.constant 15 : i32
          %parallel_loop3A_463 = vector.broadcast %parallel_loop3A_462 : i32 to vector<16xi32>
          %parallel_loop3A_464 = arith.andi %parallel_loop3A_461, %parallel_loop3A_463 : vector<16xi32>
          %parallel_loop3A_465 = arith.constant 12 : i32
          %parallel_loop3A_466 = vector.broadcast %parallel_loop3A_465 : i32 to vector<16xi32>
          %parallel_loop3A_467 = arith.addi %iota3A, %parallel_loop3A_466 : vector<16xi32>
          %parallel_loop3A_468 = arith.constant 15 : i32
          %parallel_loop3A_469 = vector.broadcast %parallel_loop3A_468 : i32 to vector<16xi32>
          %parallel_loop3A_470 = arith.andi %parallel_loop3A_467, %parallel_loop3A_469 : vector<16xi32>
          %parallel_loop3A_471 = arith.constant 13 : i32
          %parallel_loop3A_472 = vector.broadcast %parallel_loop3A_471 : i32 to vector<16xi32>
          %parallel_loop3A_473 = arith.addi %iota3A, %parallel_loop3A_472 : vector<16xi32>
          %parallel_loop3A_474 = arith.constant 15 : i32
          %parallel_loop3A_475 = vector.broadcast %parallel_loop3A_474 : i32 to vector<16xi32>
          %parallel_loop3A_476 = arith.andi %parallel_loop3A_473, %parallel_loop3A_475 : vector<16xi32>
          %parallel_loop3A_477 = arith.constant 14 : i32
          %parallel_loop3A_478 = vector.broadcast %parallel_loop3A_477 : i32 to vector<16xi32>
          %parallel_loop3A_479 = arith.addi %iota3A, %parallel_loop3A_478 : vector<16xi32>
          %parallel_loop3A_480 = arith.constant 15 : i32
          %parallel_loop3A_481 = vector.broadcast %parallel_loop3A_480 : i32 to vector<16xi32>
          %parallel_loop3A_482 = arith.andi %parallel_loop3A_479, %parallel_loop3A_481 : vector<16xi32>
          %parallel_loop3A_483 = arith.constant 15 : i32
          %parallel_loop3A_484 = vector.broadcast %parallel_loop3A_483 : i32 to vector<16xi32>
          %parallel_loop3A_485 = arith.addi %iota3A, %parallel_loop3A_484 : vector<16xi32>
          %parallel_loop3A_486 = arith.constant 15 : i32
          %parallel_loop3A_487 = vector.broadcast %parallel_loop3A_486 : i32 to vector<16xi32>
          %parallel_loop3A_488 = arith.andi %parallel_loop3A_485, %parallel_loop3A_487 : vector<16xi32>
          %parallel_loop3A_489 = arith.addi %parallel_loop3A_262, %parallel_loop3A_446 : vector<16xi32>
          %parallel_loop3A_490 = tpu.vector_load_idx %arg5[%parallel_loop3A_489] : memref<64000xf32, #tpu.memory_space<vmem>>[vector<16xi32>], vector<16xf32>,
          %parallel_loop3A_491 = arith.addi %parallel_loop3A_262, %parallel_loop3A_452 : vector<16xi32>
          %parallel_loop3A_492 = tpu.vector_load_idx %arg5[%parallel_loop3A_491] : memref<64000xf32, #tpu.memory_space<vmem>>[vector<16xi32>], vector<16xf32>,
          %parallel_loop3A_493 = arith.addi %parallel_loop3A_262, %parallel_loop3A_458 : vector<16xi32>
          %parallel_loop3A_494 = tpu.vector_load_idx %arg5[%parallel_loop3A_493] : memref<64000xf32, #tpu.memory_space<vmem>>[vector<16xi32>], vector<16xf32>,
          %parallel_loop3A_495 = arith.addi %parallel_loop3A_262, %parallel_loop3A_464 : vector<16xi32>
          %parallel_loop3A_496 = tpu.vector_load_idx %arg5[%parallel_loop3A_495] : memref<64000xf32, #tpu.memory_space<vmem>>[vector<16xi32>], vector<16xf32>,
          %parallel_loop3A_497 = arith.addi %parallel_loop3A_262, %parallel_loop3A_470 : vector<16xi32>
          %parallel_loop3A_498 = tpu.vector_load_idx %arg5[%parallel_loop3A_497] : memref<64000xf32, #tpu.memory_space<vmem>>[vector<16xi32>], vector<16xf32>,
          %parallel_loop3A_499 = arith.addi %parallel_loop3A_262, %parallel_loop3A_476 : vector<16xi32>
          %parallel_loop3A_500 = tpu.vector_load_idx %arg5[%parallel_loop3A_499] : memref<64000xf32, #tpu.memory_space<vmem>>[vector<16xi32>], vector<16xf32>,
          %parallel_loop3A_501 = arith.addi %parallel_loop3A_262, %parallel_loop3A_482 : vector<16xi32>
          %parallel_loop3A_502 = tpu.vector_load_idx %arg5[%parallel_loop3A_501] : memref<64000xf32, #tpu.memory_space<vmem>>[vector<16xi32>], vector<16xf32>,
          %parallel_loop3A_503 = arith.addi %parallel_loop3A_262, %parallel_loop3A_488 : vector<16xi32>
          %parallel_loop3A_504 = tpu.vector_load_idx %arg5[%parallel_loop3A_503] : memref<64000xf32, #tpu.memory_space<vmem>>[vector<16xi32>], vector<16xf32>,
          %parallel_loop3A_505 = arith.constant 3 : i32
          %parallel_loop3A_506 = vector.broadcast %parallel_loop3A_505 : i32 to vector<16xi32>
          %parallel_loop3A_507 = arith.shrsi %parallel_loop3A_446, %parallel_loop3A_506 : vector<16xi32>
          %parallel_loop3A_508 = vector.broadcast %parallel_loop3A_264 : i32 to vector<16xi32>
          %parallel_loop3A_509 = arith.addi %parallel_loop3A_507, %parallel_loop3A_508 : vector<16xi32>
          %parallel_loop3A_510 = arith.constant 7 : i32
          %parallel_loop3A_511 = vector.broadcast %parallel_loop3A_510 : i32 to vector<16xi32>
          %parallel_loop3A_512 = arith.andi %parallel_loop3A_446, %parallel_loop3A_511 : vector<16xi32>
          %parallel_loop3A_513 = arith.constant 1 : i32
          %parallel_loop3A_514 = arith.constant 0 : i32
          %parallel_loop3A_515 = arith.constant 0 : i32
          %parallel_loop3A_516 = arith.constant 0 : i32
          %parallel_loop3A_517 = tpu.memref_slice %arg7[%parallel_loop3A_513, %parallel_loop3A_514, %parallel_loop3A_515, %parallel_loop3A_516] : memref<2x8x8x128xf32, #tpu.memory_space<vmem>> -> memref<1x8x8x128xf32, #tpu.memory_space<vmem>>
          %parallel_loop3A_518 = tpu.memref_squeeze %parallel_loop3A_517 : memref<1x8x8x128xf32, #tpu.memory_space<vmem>> -> memref<8x8x128xf32, #tpu.memory_space<vmem>>
          tpu.vector_store_idx %parallel_loop3A_518[%parallel_loop3A_509, %parallel_loop3A_512, %parallel_loop3A_254], %parallel_loop3A_490 : memref<8x8x128xf32, #tpu.memory_space<vmem>>[vector<16xi32>, vector<16xi32>, vector<16xi32>], vector<16xf32>,
          %parallel_loop3A_519 = arith.constant 3 : i32
          %parallel_loop3A_520 = vector.broadcast %parallel_loop3A_519 : i32 to vector<16xi32>
          %parallel_loop3A_521 = arith.shrsi %parallel_loop3A_452, %parallel_loop3A_520 : vector<16xi32>
          %parallel_loop3A_522 = vector.broadcast %parallel_loop3A_264 : i32 to vector<16xi32>
          %parallel_loop3A_523 = arith.addi %parallel_loop3A_521, %parallel_loop3A_522 : vector<16xi32>
          %parallel_loop3A_524 = arith.constant 7 : i32
          %parallel_loop3A_525 = vector.broadcast %parallel_loop3A_524 : i32 to vector<16xi32>
          %parallel_loop3A_526 = arith.andi %parallel_loop3A_452, %parallel_loop3A_525 : vector<16xi32>
          %parallel_loop3A_527 = arith.constant 1 : i32
          %parallel_loop3A_528 = arith.constant 0 : i32
          %parallel_loop3A_529 = arith.constant 0 : i32
          %parallel_loop3A_530 = arith.constant 0 : i32
          %parallel_loop3A_531 = tpu.memref_slice %arg7[%parallel_loop3A_527, %parallel_loop3A_528, %parallel_loop3A_529, %parallel_loop3A_530] : memref<2x8x8x128xf32, #tpu.memory_space<vmem>> -> memref<1x8x8x128xf32, #tpu.memory_space<vmem>>
          %parallel_loop3A_532 = tpu.memref_squeeze %parallel_loop3A_531 : memref<1x8x8x128xf32, #tpu.memory_space<vmem>> -> memref<8x8x128xf32, #tpu.memory_space<vmem>>
          tpu.vector_store_idx %parallel_loop3A_532[%parallel_loop3A_523, %parallel_loop3A_526, %parallel_loop3A_254], %parallel_loop3A_492 : memref<8x8x128xf32, #tpu.memory_space<vmem>>[vector<16xi32>, vector<16xi32>, vector<16xi32>], vector<16xf32>,
          %parallel_loop3A_533 = arith.constant 3 : i32
          %parallel_loop3A_534 = vector.broadcast %parallel_loop3A_533 : i32 to vector<16xi32>
          %parallel_loop3A_535 = arith.shrsi %parallel_loop3A_458, %parallel_loop3A_534 : vector<16xi32>
          %parallel_loop3A_536 = vector.broadcast %parallel_loop3A_264 : i32 to vector<16xi32>
          %parallel_loop3A_537 = arith.addi %parallel_loop3A_535, %parallel_loop3A_536 : vector<16xi32>
          %parallel_loop3A_538 = arith.constant 7 : i32
          %parallel_loop3A_539 = vector.broadcast %parallel_loop3A_538 : i32 to vector<16xi32>
          %parallel_loop3A_540 = arith.andi %parallel_loop3A_458, %parallel_loop3A_539 : vector<16xi32>
          %parallel_loop3A_541 = arith.constant 1 : i32
          %parallel_loop3A_542 = arith.constant 0 : i32
          %parallel_loop3A_543 = arith.constant 0 : i32
          %parallel_loop3A_544 = arith.constant 0 : i32
          %parallel_loop3A_545 = tpu.memref_slice %arg7[%parallel_loop3A_541, %parallel_loop3A_542, %parallel_loop3A_543, %parallel_loop3A_544] : memref<2x8x8x128xf32, #tpu.memory_space<vmem>> -> memref<1x8x8x128xf32, #tpu.memory_space<vmem>>
          %parallel_loop3A_546 = tpu.memref_squeeze %parallel_loop3A_545 : memref<1x8x8x128xf32, #tpu.memory_space<vmem>> -> memref<8x8x128xf32, #tpu.memory_space<vmem>>
          tpu.vector_store_idx %parallel_loop3A_546[%parallel_loop3A_537, %parallel_loop3A_540, %parallel_loop3A_254], %parallel_loop3A_494 : memref<8x8x128xf32, #tpu.memory_space<vmem>>[vector<16xi32>, vector<16xi32>, vector<16xi32>], vector<16xf32>,
          %parallel_loop3A_547 = arith.constant 3 : i32
          %parallel_loop3A_548 = vector.broadcast %parallel_loop3A_547 : i32 to vector<16xi32>
          %parallel_loop3A_549 = arith.shrsi %parallel_loop3A_464, %parallel_loop3A_548 : vector<16xi32>
          %parallel_loop3A_550 = vector.broadcast %parallel_loop3A_264 : i32 to vector<16xi32>
          %parallel_loop3A_551 = arith.addi %parallel_loop3A_549, %parallel_loop3A_550 : vector<16xi32>
          %parallel_loop3A_552 = arith.constant 7 : i32
          %parallel_loop3A_553 = vector.broadcast %parallel_loop3A_552 : i32 to vector<16xi32>
          %parallel_loop3A_554 = arith.andi %parallel_loop3A_464, %parallel_loop3A_553 : vector<16xi32>
          %parallel_loop3A_555 = arith.constant 1 : i32
          %parallel_loop3A_556 = arith.constant 0 : i32
          %parallel_loop3A_557 = arith.constant 0 : i32
          %parallel_loop3A_558 = arith.constant 0 : i32
          %parallel_loop3A_559 = tpu.memref_slice %arg7[%parallel_loop3A_555, %parallel_loop3A_556, %parallel_loop3A_557, %parallel_loop3A_558] : memref<2x8x8x128xf32, #tpu.memory_space<vmem>> -> memref<1x8x8x128xf32, #tpu.memory_space<vmem>>
          %parallel_loop3A_560 = tpu.memref_squeeze %parallel_loop3A_559 : memref<1x8x8x128xf32, #tpu.memory_space<vmem>> -> memref<8x8x128xf32, #tpu.memory_space<vmem>>
          tpu.vector_store_idx %parallel_loop3A_560[%parallel_loop3A_551, %parallel_loop3A_554, %parallel_loop3A_254], %parallel_loop3A_496 : memref<8x8x128xf32, #tpu.memory_space<vmem>>[vector<16xi32>, vector<16xi32>, vector<16xi32>], vector<16xf32>,
          %parallel_loop3A_561 = arith.constant 3 : i32
          %parallel_loop3A_562 = vector.broadcast %parallel_loop3A_561 : i32 to vector<16xi32>
          %parallel_loop3A_563 = arith.shrsi %parallel_loop3A_470, %parallel_loop3A_562 : vector<16xi32>
          %parallel_loop3A_564 = vector.broadcast %parallel_loop3A_264 : i32 to vector<16xi32>
          %parallel_loop3A_565 = arith.addi %parallel_loop3A_563, %parallel_loop3A_564 : vector<16xi32>
          %parallel_loop3A_566 = arith.constant 7 : i32
          %parallel_loop3A_567 = vector.broadcast %parallel_loop3A_566 : i32 to vector<16xi32>
          %parallel_loop3A_568 = arith.andi %parallel_loop3A_470, %parallel_loop3A_567 : vector<16xi32>
          %parallel_loop3A_569 = arith.constant 1 : i32
          %parallel_loop3A_570 = arith.constant 0 : i32
          %parallel_loop3A_571 = arith.constant 0 : i32
          %parallel_loop3A_572 = arith.constant 0 : i32
          %parallel_loop3A_573 = tpu.memref_slice %arg7[%parallel_loop3A_569, %parallel_loop3A_570, %parallel_loop3A_571, %parallel_loop3A_572] : memref<2x8x8x128xf32, #tpu.memory_space<vmem>> -> memref<1x8x8x128xf32, #tpu.memory_space<vmem>>
          %parallel_loop3A_574 = tpu.memref_squeeze %parallel_loop3A_573 : memref<1x8x8x128xf32, #tpu.memory_space<vmem>> -> memref<8x8x128xf32, #tpu.memory_space<vmem>>
          tpu.vector_store_idx %parallel_loop3A_574[%parallel_loop3A_565, %parallel_loop3A_568, %parallel_loop3A_254], %parallel_loop3A_498 : memref<8x8x128xf32, #tpu.memory_space<vmem>>[vector<16xi32>, vector<16xi32>, vector<16xi32>], vector<16xf32>,
          %parallel_loop3A_575 = arith.constant 3 : i32
          %parallel_loop3A_576 = vector.broadcast %parallel_loop3A_575 : i32 to vector<16xi32>
          %parallel_loop3A_577 = arith.shrsi %parallel_loop3A_476, %parallel_loop3A_576 : vector<16xi32>
          %parallel_loop3A_578 = vector.broadcast %parallel_loop3A_264 : i32 to vector<16xi32>
          %parallel_loop3A_579 = arith.addi %parallel_loop3A_577, %parallel_loop3A_578 : vector<16xi32>
          %parallel_loop3A_580 = arith.constant 7 : i32
          %parallel_loop3A_581 = vector.broadcast %parallel_loop3A_580 : i32 to vector<16xi32>
          %parallel_loop3A_582 = arith.andi %parallel_loop3A_476, %parallel_loop3A_581 : vector<16xi32>
          %parallel_loop3A_583 = arith.constant 1 : i32
          %parallel_loop3A_584 = arith.constant 0 : i32
          %parallel_loop3A_585 = arith.constant 0 : i32
          %parallel_loop3A_586 = arith.constant 0 : i32
          %parallel_loop3A_587 = tpu.memref_slice %arg7[%parallel_loop3A_583, %parallel_loop3A_584, %parallel_loop3A_585, %parallel_loop3A_586] : memref<2x8x8x128xf32, #tpu.memory_space<vmem>> -> memref<1x8x8x128xf32, #tpu.memory_space<vmem>>
          %parallel_loop3A_588 = tpu.memref_squeeze %parallel_loop3A_587 : memref<1x8x8x128xf32, #tpu.memory_space<vmem>> -> memref<8x8x128xf32, #tpu.memory_space<vmem>>
          tpu.vector_store_idx %parallel_loop3A_588[%parallel_loop3A_579, %parallel_loop3A_582, %parallel_loop3A_254], %parallel_loop3A_500 : memref<8x8x128xf32, #tpu.memory_space<vmem>>[vector<16xi32>, vector<16xi32>, vector<16xi32>], vector<16xf32>,
          %parallel_loop3A_589 = arith.constant 3 : i32
          %parallel_loop3A_590 = vector.broadcast %parallel_loop3A_589 : i32 to vector<16xi32>
          %parallel_loop3A_591 = arith.shrsi %parallel_loop3A_482, %parallel_loop3A_590 : vector<16xi32>
          %parallel_loop3A_592 = vector.broadcast %parallel_loop3A_264 : i32 to vector<16xi32>
          %parallel_loop3A_593 = arith.addi %parallel_loop3A_591, %parallel_loop3A_592 : vector<16xi32>
          %parallel_loop3A_594 = arith.constant 7 : i32
          %parallel_loop3A_595 = vector.broadcast %parallel_loop3A_594 : i32 to vector<16xi32>
          %parallel_loop3A_596 = arith.andi %parallel_loop3A_482, %parallel_loop3A_595 : vector<16xi32>
          %parallel_loop3A_597 = arith.constant 1 : i32
          %parallel_loop3A_598 = arith.constant 0 : i32
          %parallel_loop3A_599 = arith.constant 0 : i32
          %parallel_loop3A_600 = arith.constant 0 : i32
          %parallel_loop3A_601 = tpu.memref_slice %arg7[%parallel_loop3A_597, %parallel_loop3A_598, %parallel_loop3A_599, %parallel_loop3A_600] : memref<2x8x8x128xf32, #tpu.memory_space<vmem>> -> memref<1x8x8x128xf32, #tpu.memory_space<vmem>>
          %parallel_loop3A_602 = tpu.memref_squeeze %parallel_loop3A_601 : memref<1x8x8x128xf32, #tpu.memory_space<vmem>> -> memref<8x8x128xf32, #tpu.memory_space<vmem>>
          tpu.vector_store_idx %parallel_loop3A_602[%parallel_loop3A_593, %parallel_loop3A_596, %parallel_loop3A_254], %parallel_loop3A_502 : memref<8x8x128xf32, #tpu.memory_space<vmem>>[vector<16xi32>, vector<16xi32>, vector<16xi32>], vector<16xf32>,
          %parallel_loop3A_603 = arith.constant 3 : i32
          %parallel_loop3A_604 = vector.broadcast %parallel_loop3A_603 : i32 to vector<16xi32>
          %parallel_loop3A_605 = arith.shrsi %parallel_loop3A_488, %parallel_loop3A_604 : vector<16xi32>
          %parallel_loop3A_606 = vector.broadcast %parallel_loop3A_264 : i32 to vector<16xi32>
          %parallel_loop3A_607 = arith.addi %parallel_loop3A_605, %parallel_loop3A_606 : vector<16xi32>
          %parallel_loop3A_608 = arith.constant 7 : i32
          %parallel_loop3A_609 = vector.broadcast %parallel_loop3A_608 : i32 to vector<16xi32>
          %parallel_loop3A_610 = arith.andi %parallel_loop3A_488, %parallel_loop3A_609 : vector<16xi32>
          %parallel_loop3A_611 = arith.constant 1 : i32
          %parallel_loop3A_612 = arith.constant 0 : i32
          %parallel_loop3A_613 = arith.constant 0 : i32
          %parallel_loop3A_614 = arith.constant 0 : i32
          %parallel_loop3A_615 = tpu.memref_slice %arg7[%parallel_loop3A_611, %parallel_loop3A_612, %parallel_loop3A_613, %parallel_loop3A_614] : memref<2x8x8x128xf32, #tpu.memory_space<vmem>> -> memref<1x8x8x128xf32, #tpu.memory_space<vmem>>
          %parallel_loop3A_616 = tpu.memref_squeeze %parallel_loop3A_615 : memref<1x8x8x128xf32, #tpu.memory_space<vmem>> -> memref<8x8x128xf32, #tpu.memory_space<vmem>>
          tpu.vector_store_idx %parallel_loop3A_616[%parallel_loop3A_607, %parallel_loop3A_610, %parallel_loop3A_254], %parallel_loop3A_504 : memref<8x8x128xf32, #tpu.memory_space<vmem>>[vector<16xi32>, vector<16xi32>, vector<16xi32>], vector<16xf32>,
        } {sc.loop_unroll_factor = 1 : i64, sc.parallel_access}
      } {sc.loop_unroll_factor = 1 : i64, sc.parallel_access}
      %add3A_220 = arith.addi %mul3A_32, %add3A_192 : i32
      %dma_start3A_221 = arith.constant 1 : i32
      %dma_start3A_222 = arith.constant 0 : i32
      %dma_start3A_223 = arith.constant 0 : i32
      %dma_start3A_224 = arith.constant 0 : i32
      %dma_start3A_225 = tpu.memref_slice %arg7[%dma_start3A_221, %dma_start3A_222, %dma_start3A_223, %dma_start3A_224] : memref<2x8x8x128xf32, #tpu.memory_space<vmem>> -> memref<1x8x8x128xf32, #tpu.memory_space<vmem>>
      %dma_start3A_226 = tpu.memref_squeeze %dma_start3A_225 : memref<1x8x8x128xf32, #tpu.memory_space<vmem>> -> memref<8x8x128xf32, #tpu.memory_space<vmem>>
      %dma_start3A_227 = arith.constant 0 : i32
      %dma_start3A_228 = arith.constant 0 : i32
      %dma_start3A_229 = arith.constant 0 : i32
      %dma_start3A_230 = tpu.memref_slice %arg4[%add3A_220, %dma_start3A_227, %select_n3A_9, %dma_start3A_228, %dma_start3A_229] : memref<200x8x8x8x128xf32, #tpu.memory_space<hbm>> -> memref<1x8x1x8x128xf32, #tpu.memory_space<hbm>>
      %dma_start3A_231 = tpu.memref_squeeze %dma_start3A_230 : memref<1x8x1x8x128xf32, #tpu.memory_space<hbm>> -> memref<8x8x128xf32, #tpu.memory_space<hbm>>
      %dma_start3A_232 = arith.constant 0 : i32
      %dma_start3A_233 = arith.constant 0 : i32
      %dma_start3A_234 = arith.constant 0 : i32
      %dma_start3A_235 = tpu.memref_slice %arg4[%add3A_220, %dma_start3A_232, %select_n3A_9, %dma_start3A_233, %dma_start3A_234] : memref<200x8x8x8x128xf32, #tpu.memory_space<hbm>> -> memref<1x8x1x8x128xf32, #tpu.memory_space<hbm>>
      %dma_start3A_236 = tpu.memref_squeeze %dma_start3A_235 : memref<1x8x1x8x128xf32, #tpu.memory_space<hbm>> -> memref<8x8x128xf32, #tpu.memory_space<hbm>>
      %dma_start3A_237 = arith.constant 0 : i32
      %dma_start3A_238 = arith.constant 0 : i32
      %dma_start3A_239 = arith.constant 0 : i32
      %dma_start3A_240 = tpu.memref_slice %arg7[%dma_start3A_221, %dma_start3A_237, %dma_start3A_238, %dma_start3A_239] : memref<2x8x8x128xf32, #tpu.memory_space<vmem>> -> memref<1x8x8x128xf32, #tpu.memory_space<vmem>>
      %dma_start3A_241 = tpu.memref_squeeze %dma_start3A_240 : memref<1x8x8x128xf32, #tpu.memory_space<vmem>> -> memref<8x8x128xf32, #tpu.memory_space<vmem>>
      tpu.enqueue_dma source(%dma_start3A_241 : memref<8x8x128xf32, #tpu.memory_space<vmem>>) target(%dma_start3A_236 : memref<8x8x128xf32, #tpu.memory_space<hbm>>) target_semaphore(%arg9 : memref<!tpu.dma_semaphore, #tpu.memory_space<semaphore_mem>>)
    }
    %scan3A_89 = arith.constant 24 : i32
    %add3A_90 = arith.constant 48 : i32
    %add3A_91 = arith.addi %mul3A_32, %add3A_90 : i32
    %dma_wait3A = arith.constant 0 : i32
    %dma_wait3A_92 = arith.constant 0 : i32
    %dma_wait3A_93 = arith.constant 0 : i32
    %dma_wait3A_94 = arith.constant 0 : i32
    %dma_wait3A_95 = tpu.memref_slice %arg7[%dma_wait3A, %dma_wait3A_92, %dma_wait3A_93, %dma_wait3A_94] : memref<2x8x8x128xf32, #tpu.memory_space<vmem>> -> memref<1x8x8x128xf32, #tpu.memory_space<vmem>>
    %dma_wait3A_96 = tpu.memref_squeeze %dma_wait3A_95 : memref<1x8x8x128xf32, #tpu.memory_space<vmem>> -> memref<8x8x128xf32, #tpu.memory_space<vmem>>
    %dma_wait3A_97 = arith.constant 0 : i32
    %dma_wait3A_98 = arith.constant 0 : i32
    %dma_wait3A_99 = arith.constant 0 : i32
    %dma_wait3A_100 = tpu.memref_slice %arg4[%add3A_91, %dma_wait3A_97, %select_n3A_9, %dma_wait3A_98, %dma_wait3A_99] : memref<200x8x8x8x128xf32, #tpu.memory_space<hbm>> -> memref<1x8x1x8x128xf32, #tpu.memory_space<hbm>>
    %dma_wait3A_101 = tpu.memref_squeeze %dma_wait3A_100 : memref<1x8x1x8x128xf32, #tpu.memory_space<hbm>> -> memref<8x8x128xf32, #tpu.memory_space<hbm>>
    %dma_wait3A_102 = arith.constant 0 : i32
    %dma_wait3A_103 = arith.constant 0 : i32
    %dma_wait3A_104 = arith.constant 0 : i32
    %dma_wait3A_105 = tpu.memref_slice %arg4[%add3A_91, %dma_wait3A_102, %select_n3A_9, %dma_wait3A_103, %dma_wait3A_104] : memref<200x8x8x8x128xf32, #tpu.memory_space<hbm>> -> memref<1x8x1x8x128xf32, #tpu.memory_space<hbm>>
    %dma_wait3A_106 = tpu.memref_squeeze %dma_wait3A_105 : memref<1x8x1x8x128xf32, #tpu.memory_space<hbm>> -> memref<8x8x128xf32, #tpu.memory_space<hbm>>
    %dma_wait3A_107 = arith.constant 0 : i32
    %dma_wait3A_108 = arith.constant 0 : i32
    %dma_wait3A_109 = arith.constant 0 : i32
    %dma_wait3A_110 = tpu.memref_slice %arg7[%dma_wait3A, %dma_wait3A_107, %dma_wait3A_108, %dma_wait3A_109] : memref<2x8x8x128xf32, #tpu.memory_space<vmem>> -> memref<1x8x8x128xf32, #tpu.memory_space<vmem>>
    %dma_wait3A_111 = tpu.memref_squeeze %dma_wait3A_110 : memref<1x8x8x128xf32, #tpu.memory_space<vmem>> -> memref<8x8x128xf32, #tpu.memory_space<vmem>>
    tpu.wait_dma2 semaphore(%arg8 : memref<!tpu.dma_semaphore, #tpu.memory_space<semaphore_mem>>) src(%dma_wait3A_111 : memref<8x8x128xf32, #tpu.memory_space<vmem>>) dst(%dma_wait3A_106 : memref<8x8x128xf32, #tpu.memory_space<hbm>>)
    %add3A_112 = arith.constant 49 : i32
    %add3A_113 = arith.addi %mul3A_32, %add3A_112 : i32
    %dma_wait3A_114 = arith.constant 1 : i32
    %dma_wait3A_115 = arith.constant 0 : i32
    %dma_wait3A_116 = arith.constant 0 : i32
    %dma_wait3A_117 = arith.constant 0 : i32
    %dma_wait3A_118 = tpu.memref_slice %arg7[%dma_wait3A_114, %dma_wait3A_115, %dma_wait3A_116, %dma_wait3A_117] : memref<2x8x8x128xf32, #tpu.memory_space<vmem>> -> memref<1x8x8x128xf32, #tpu.memory_space<vmem>>
    %dma_wait3A_119 = tpu.memref_squeeze %dma_wait3A_118 : memref<1x8x8x128xf32, #tpu.memory_space<vmem>> -> memref<8x8x128xf32, #tpu.memory_space<vmem>>
    %dma_wait3A_120 = arith.constant 0 : i32
    %dma_wait3A_121 = arith.constant 0 : i32
    %dma_wait3A_122 = arith.constant 0 : i32
    %dma_wait3A_123 = tpu.memref_slice %arg4[%add3A_113, %dma_wait3A_120, %select_n3A_9, %dma_wait3A_121, %dma_wait3A_122] : memref<200x8x8x8x128xf32, #tpu.memory_space<hbm>> -> memref<1x8x1x8x128xf32, #tpu.memory_space<hbm>>
    %dma_wait3A_124 = tpu.memref_squeeze %dma_wait3A_123 : memref<1x8x1x8x128xf32, #tpu.memory_space<hbm>> -> memref<8x8x128xf32, #tpu.memory_space<hbm>>
    %dma_wait3A_125 = arith.constant 0 : i32
    %dma_wait3A_126 = arith.constant 0 : i32
    %dma_wait3A_127 = arith.constant 0 : i32
    %dma_wait3A_128 = tpu.memref_slice %arg4[%add3A_113, %dma_wait3A_125, %select_n3A_9, %dma_wait3A_126, %dma_wait3A_127] : memref<200x8x8x8x128xf32, #tpu.memory_space<hbm>> -> memref<1x8x1x8x128xf32, #tpu.memory_space<hbm>>
    %dma_wait3A_129 = tpu.memref_squeeze %dma_wait3A_128 : memref<1x8x1x8x128xf32, #tpu.memory_space<hbm>> -> memref<8x8x128xf32, #tpu.memory_space<hbm>>
    %dma_wait3A_130 = arith.constant 0 : i32
    %dma_wait3A_131 = arith.constant 0 : i32
    %dma_wait3A_132 = arith.constant 0 : i32
    %dma_wait3A_133 = tpu.memref_slice %arg7[%dma_wait3A_114, %dma_wait3A_130, %dma_wait3A_131, %dma_wait3A_132] : memref<2x8x8x128xf32, #tpu.memory_space<vmem>> -> memref<1x8x8x128xf32, #tpu.memory_space<vmem>>
    %dma_wait3A_134 = tpu.memref_squeeze %dma_wait3A_133 : memref<1x8x8x128xf32, #tpu.memory_space<vmem>> -> memref<8x8x128xf32, #tpu.memory_space<vmem>>
    tpu.wait_dma2 semaphore(%arg9 : memref<!tpu.dma_semaphore, #tpu.memory_space<semaphore_mem>>) src(%dma_wait3A_134 : memref<8x8x128xf32, #tpu.memory_space<vmem>>) dst(%dma_wait3A_129 : memref<8x8x128xf32, #tpu.memory_space<hbm>>)
    return
  }
}

</mosaic_0001>

<sc_bundles>
// kernel: kernel.3.cloned.1.call-start
scs
__scs_entry_jumppad:
0x0: {  	(pc) =	sbr.rel $0x88, $3  }
0x1: {  	(tag) =	ssettag $0x0;
	lr =	simm.s32 $0x1  }
0x2: {  	[smem:$0x3F9F] =	sst lr;
	_ =	strace $0xD0000000  }
0x3: {  	_ = 	snop  }
0x4: {  	_ = 	snop  }
0x5: {  	_ = 	snop  }
0x6: {  	_ = 	snop  }
0x7: {  	_ = 	snop  }
__scs_overlays_trampoline_lowered:
0x8: {  	[smem:$0x3FAE] =	sst s0  }
0x9: {  	[smem:$0x3FAF] =	sst s1  }
0xa: {  	[smem:$0x3FB0] =	sst s2  }
0xb: {  	[smem:$0x3FB1] =	sst s3  }
0xc: {  	[smem:$0x3FB2] =	sst s4  }
0xd: {  	[smem:$0x3FB3] =	sst s5  }
0xe: {  	[smem:$0x3FB4] =	sst s6  }
0xf: {  	[smem:$0x3FB5] =	sst s7  }
0x10: {  	[smem:$0x3FB6] =	sst s8  }
0x11: {  	[smem:$0x3FB7] =	sst s9;
	s0 =	simm.s32 @!p0 $0x0  }
0x12: {  	s1 =	sld [smem:$0x3F9D];
	s0 =	simm.s32 @p0 $0x1  }
0x13: {  	[smem:$0x3FB8] =	sst s0;
	s0 =	simm.s32 @!p1 $0x0  }
0x14: {  	s2 =	sld [smem:$0x3F9C];
	s0 =	simm.s32 @p1 $0x1  }
0x15: {  	[smem:$0x3FB9] =	sst s0;
	s0 =	simm.s32 @!p2 $0x0  }
0x16: {  	s3 =	sld [smem:$0x3FDB];
	s0 =	simm.s32 @p2 $0x1  }
0x17: {  	s4 =	simm.s32 $0x1BF5;
	[smem:$0x3FBB] =	sst s0  }
0x18: {  	s0 =	sld [smem:$0x3F9E];
	_ =	swait.ge [sflag:s4], $0x0  }
0x19: {  	s7 =	sld [smem:$0x3F9F]  }
0x1a: {  	s8 =	sadd.s32 $0xFFFFE003, lr  }
0x1b: {  	s9 =	sadd.s32 $0xFFFFFEF7, lr;
	s5 =	simm.s32 $0xFFFFFFFF;
	p2 =	slt.u32 s8, $0xFFFFF086  }
0x1c: {  	p1 =	slt.u32 s9, $0xF7A;
	s5 =	simm.s32 @!p2 $0x0  }
0x1d: {  	s5 =	simm.s32 @p1 $0x1;
	p0 =	seq.s32 s7, s2  }
0x1e: {  	s7 =	smul.u32 @!p0 $0xF7A, s2;
	p2 =	seq.s32 @!p0 s5, $0x0  }
0x1f: {  	s9 =	smul.u32 $0xF7A, s1;
	s8 =	simm.s32 @!p0 $0x1BF5;
	p2 =	por !p2, p0  }
0x20: {  	[sflag:s8] =	ssyncset.s32 @!p0 $0xFFFFF086;
	s6 =	sadd.s32 @!p0 s3, s7;
	s7 =	simm.s32 @!p0 $0x108  }
0x21: {  	s3 =	sadd.s32 s3, s9;
	s6 =	sadd.s32 @!p0 $0x88, s6;
	s7 =	simm.s32 @p2 $0x1082  }
0x22: {  	[simem:s7], [sflag:s8] =	dma.local @!p0 [hbm:s6], $0xF7A  }
0x23: {  	s9 =	sor.u32 $0xD0000000, s2;
	s6 =	simm.s32 $0x108;
	_ =	swait.ge @!p0 [sflag:s8], $0x0  }
0x24: {  	s3 =	sadd.s32 $0x88, s3;
	s6 =	simm.s32 @!p1 $0x1082;
	[sflag:s4] =	ssyncset.s32 $0xFFFFF086  }
0x25: {  	[simem:s6], [sflag:s4] =	dma.local [hbm:s3], $0xF7A  }
0x26: {  	[smem:$0x3F9F] =	sst s1;
	(tag) =	ssettag s2;
	_ =	strace s9  }
0x27: {  	s1 =	sld [smem:$0x3FAF]  }
0x28: {  	s2 =	sld [smem:$0x3FB0]  }
0x29: {  	s4 =	sld [smem:$0x3FB2]  }
0x2a: {  	p0 =	seq.s32 s5, $0x0;
	s5 =	sld [smem:$0x3FB3]  }
0x2b: {  	s6 =	sld [smem:$0x3FB4]  }
0x2c: {  	s7 =	sld [smem:$0x3FB5]  }
0x2d: {  	s3 =	simm.s32 $0x108;
	s8 =	sld [smem:$0x3FB6]  }
0x2e: {  	s3 =	simm.s32 @!p0 $0x1082;
	s9 =	sld [smem:$0x3FB7]  }
0x2f: {  	lr =	sadd.s32 s0, s3;
	s0 =	sld [smem:$0x3FAE]  }
0x30: {  	s3 =	sld [smem:$0x3FB1]  }
0x31: {  	[smem:$0x3FBA] =	sst s10  }
0x32: {  	s10 =	sld [smem:$0x3FB8];
	_ =	sdelay $0x3  }
0x33: {  	p0 =	seq.s32 s10, $0x1;
	s10 =	sld [smem:$0x3FBA];
	_ =	sdelay $0x3  }
0x34: {  	[smem:$0x3FBA] =	sst s10  }
0x35: {  	s10 =	sld [smem:$0x3FB9];
	_ =	sdelay $0x3  }
0x36: {  	p1 =	seq.s32 s10, $0x1;
	s10 =	sld [smem:$0x3FBA];
	_ =	sdelay $0x3  }
0x37: {  	[smem:$0x3FBA] =	sst s10  }
0x38: {  	s10 =	sld [smem:$0x3FBB]  }
0x39: {  	_ = 	snop;
	(pc) =	sbr.ind lr, $3  }
0x3a: {  	_ = 	snop  }
0x3b: {  	_ = 	snop  }
0x3c: {  	p2 =	seq.s32 s10, $0x1;
	s10 =	sld [smem:$0x3FBA]  }
0x3d: {  	_ =	shalt  }
0x3e: {  	_ =	shalt  }
0x3f: {  	_ =	shalt  }
0x40: {  	_ =	shalt  }
0x41: {  	_ =	shalt  }
0x42: {  	_ =	shalt  }
0x43: {  	_ =	shalt  }
0x44: {  	_ =	shalt  }
0x45: {  	_ =	shalt  }
0x46: {  	_ =	shalt  }
0x47: {  	_ =	shalt  }
0x48: {  	_ =	shalt  }
0x49: {  	_ =	shalt  }
0x4a: {  	_ =	shalt  }
0x4b: {  	_ =	shalt  }
0x4c: {  	_ =	shalt  }
0x4d: {  	_ =	shalt  }
0x4e: {  	_ =	shalt  }
0x4f: {  	_ =	shalt  }
0x50: {  	_ =	shalt  }
0x51: {  	_ =	shalt  }
0x52: {  	_ =	shalt  }
0x53: {  	_ =	shalt  }
0x54: {  	_ =	shalt  }
0x55: {  	_ =	shalt  }
0x56: {  	_ =	shalt  }
0x57: {  	_ =	shalt  }
0x58: {  	_ =	shalt  }
0x59: {  	_ =	shalt  }
0x5a: {  	_ =	shalt  }
0x5b: {  	_ =	shalt  }
0x5c: {  	_ =	shalt  }
0x5d: {  	_ =	shalt  }
0x5e: {  	_ =	shalt  }
0x5f: {  	_ =	shalt  }
0x60: {  	_ =	shalt  }
0x61: {  	_ =	shalt  }
0x62: {  	_ =	shalt  }
0x63: {  	_ =	shalt  }
0x64: {  	_ =	shalt  }
0x65: {  	_ =	shalt  }
0x66: {  	_ =	shalt  }
0x67: {  	_ =	shalt  }
0x68: {  	_ =	shalt  }
0x69: {  	_ =	shalt  }
0x6a: {  	_ =	shalt  }
0x6b: {  	_ =	shalt  }
0x6c: {  	_ =	shalt  }
0x6d: {  	_ =	shalt  }
0x6e: {  	_ =	shalt  }
0x6f: {  	_ =	shalt  }
0x70: {  	_ =	shalt  }
0x71: {  	_ =	shalt  }
0x72: {  	_ =	shalt  }
0x73: {  	_ =	shalt  }
0x74: {  	_ =	shalt  }
0x75: {  	_ =	shalt  }
0x76: {  	_ =	shalt  }
0x77: {  	_ =	shalt  }
0x78: {  	_ =	shalt  }
0x79: {  	_ =	shalt  }
0x7a: {  	_ =	shalt  }
0x7b: {  	_ =	shalt  }
0x7c: {  	_ =	shalt  }
0x7d: {  	_ =	shalt  }
0x7e: {  	_ =	shalt  }
0x7f: {  	_ =	shalt  }
0x80: {  	_ =	shalt  }
0x81: {  	_ =	shalt  }
0x82: {  	_ =	shalt  }
0x83: {  	_ =	shalt  }
0x84: {  	_ =	shalt  }
0x85: {  	_ =	shalt  }
0x86: {  	_ =	shalt  }
0x87: {  	_ =	shalt  }
.Lfunc_end0:
.L_simem_size_0:
called_computation_lowered:
.L_overlay_start_0:
0x88: {  	s2 =	sld [smem:$0x3FD9]  }
0x89: {  	s3 =	sld [smem:$0x3FFE];
	_ =	sdelay $0x1  }
0x8a: {  	s1 =	srdreg.scid  }
0x8b: {  	s0 =	sand.u32 $0x1, s1  }
0x8c: {  	s17 =	sshll.u32 s0, $0xA;
	s2 =	sadd.s32 s3, s2  }
0x8d: {  	s2 =	sadd.s32 s2, s17  }
0x8e: {  	[smem:$0x3FC6] =	sst s2  }
0x8f: {  	_ = 	snop  }
0x90: {  	s2 =	sld [smem:$0x3FD0];
	(tm) =	ssettm $0x1  }
0x91: {  	s18 =	sld [smem:$0x3FFB];
	_ =	sdelay $0x3  }
0x92: {  	_ =	strace s18  }
0x93: {  	s3 =	sld [smem:$0x3FFC];
	_ =	sdelay $0x3  }
0x94: {  	_ =	strace s3  }
0x95: {  	s3 =	sld [smem:$0x3FFD];
	_ =	sdelay $0x3  }
0x96: {  	_ =	strace s3  }
0x97: {  	_ =	strace $0x8FFFFFFF  }
0x98: {  	s19 =	sld [smem:$0x3FDB];
	_ =	sdelay $0x1  }
0x99: {  	s4 =	simm.s32 $_scs_section_size  }
0x9a: {  	s5 =	simm.s32 $_size__tile_overlayer_lowered;
	s6 =	simm.s32 $_tile_overlayer_lowered  }
0x9b: {  	s22 =	simm.s32 $0x1BFF;
	s21 =	sshll.u32 s6, $0x1;
	s3 =	sadd.s32 s4, s19  }
0x9c: {  	s7 =	simm.s32 $0x0;
	s20 =	sshll.u32 s5, $0x1;
	s5 =	sadd.s32 s21, s3  }
0x9d: {  	[timem:s7], [sflag:s22] =	dma.local [hbm:s5], s20  }
0x9e: {  	_ =	swait.ge [sflag:s22], s20  }
0x9f: {  	s4 =	ssub.s32 $0x0, s20;
	[sflag:s22] =	ssyncset.done $0x0  }
0xa0: {  	[sflag:s22] =	ssyncadd.s32 s4;
	_ =	sdelay $0x1  }
0xa1: {  	s23 =	simm.s32 $0x1B8B  }
0xa2: {  	_ =	swait.ge [sflag:s23], $0x1  }
0xa3: {  	[sflag:s23] =	ssyncset.done $0x0  }
0xa4: {  	s25 =	simm.s32 $0x1B8E;
	s24 =	sld [smem:$0x3FFE];
	[sflag:s23] =	ssyncadd.s32 $0xFFFFFFFF  }
0xa5: {  	s26 =	simm.s32 $execute0_lowered;
	[smem:$0x3FD2] =	sst s25  }
0xa6: {  	s5 =	sshll.u32 s26, $0x1;
	_ =	strace $0x80000046;
	[dreg:$0x1] =	wrdreg $0xFFFFFFFF  }
0xa7: {  	s28 =	simm.s32 $_size_execute0_lowered;
	s3 =	sadd.s32 s3, s5;
	[dreg:$0x0] =	wrdreg $0x0  }
0xa8: {  	s5 =	sshll.u32 s28, $0x1;
	[dreg:$0x2] =	wrdreg s3  }
0xa9: {  	[dreg:$0x3] =	wrdreg s5  }
0xaa: {  	[dreg:$0x4] =	wrdreg $0xC0  }
0xab: {  	_ =	task [dreg:s7], $0x5FFFF  }
0xac: {  	[dreg:$0x1] =	wrdreg $0xFFFFFFFF  }
0xad: {  	[dreg:$0x0] =	wrdreg $0x60  }
0xae: {  	[dreg:$0x2] =	wrdreg s24  }
0xaf: {  	[dreg:$0x3] =	wrdreg s2  }
0xb0: {  	[dreg:$0x4] =	wrdreg $0x9  }
0xb1: {  	_ =	task.clear_ibuf [dreg:s7], $0x5FFFF;
	_ =	strace $0x90000046  }
0xb2: {  	s29 =	simm.s32 $0x9;
	_ =	strace $0x80000048  }
0xb3: {  	_ =	swait.ge [sflag:s29], $0x1  }
0xb4: {  	[sflag:s29] =	ssyncadd.s32 $0xFFFFFFFF  }
0xb5: {  	_ =	strace $0x90000048  }
0xb6: {  	_ =	sfence  }
0xb7: {  	s30 =	sld [smem:$0x0];
	_ =	sdelay $0x2  }
0xb8: {  	s31 =	sshll.u32 s1, $0xD;
	s1 =	sshrl.u32 s1, $0x2  }
0xb9: {  	s3 =	sand.u32 $0x4000, s31;
	s1 =	sadd.s32 s1, s30  }
0xba: {  	s0 =	sor.u32 s3, s0;
	s1 =	sshll.u32 s1, $0x11  }
0xbb: {  	s0 =	sor.u32 s1, s0  }
0xbc: {  	s0 =	sadd.s32 $0x8F2B, s0  }
0xbd: {  	[sflag:s0] =	ssyncadd.remote.s32 $0x1  }
0xbe: {  	_ =	sfence.sel $0xFFFF  }
0xbf: {  	[dreg:$0x0] =	wrdreg $0xFFFFFFFF;
	(pc) =	sbr.abs _section_cstart, $3  }
0xc0: {  	[dreg:$0x1] =	wrdreg $0xFFFFFFFF  }
0xc1: {  	_ =	task.clear_ibuf [dreg:s7], $0x2FFFF;
	_ =	strace $0x9FFFFFFF  }
0xc2: {  	(tm) =	ssettm $0x7FFFFFFF  }
0xc3: {  	_ =	shalt  }
tec
execute0_lowered:
.L_overlay_start_1:
0x0: {  	(tag) =	ssettag $0x1  }
0x1: {  	v0 =	vimm.s32 $0x38F;
	vm12 =	vcmask $0x300;
	vm11 =	vcmask $0x704  }
0x2: {  	vm0 =	vcmask $0xB08;
	v1 =	vimm.s32 $0xF;
	vm1 =	vcmask $0xF0C  }
0x3: {  	vm2 =	vcmask $0x1310;
	vm3 =	vcmask $0x1714;
	vm4 =	vcmask $0x1B18  }
0x4: {  	vm5 =	vcmask $0x1F1C;
	vm6 =	vcmask $0x2320;
	vm7 =	vcmask $0x2724  }
0x5: {  	vm8 =	vcmask $0x2B28;
	vm9 =	vcmask $0x2F2C;
	vm13 =	vcmask $0x3330  }
0x6: {  	vm14 =	vcmask $0x3734;
	vm10 =	vcmask $0x3B38;
	v2 =	vimm.s32 $0x8F  }
0x7: {  	v3 =	vimm.s32 $0x10F;
	v4 =	vimm.s32 $0x18F;
	v5 =	vimm.s32 $0x20F  }
0x8: {  	v6 =	vimm.s32 $0x28F;
	v7 =	vimm.s32 $0x30F;
	v8 =	vimm.s32 $0xFEDCBA9  }
0x9: {  	v9 =	vimm.s32 $0x87654321;
	v10 =	vimm.s32 $0x210FEDCB;
	v12 =	vimm.s32 $0xA9876543  }
0xa: {  	v15 =	vimm.s32 $0x6543210F;
	v16 =	vimm.s32 $0xEDCBA987;
	v22 =	vimm.s32 $0x400  }
0xb: {  	vm15 =	vcmask $0x3B1C;
	v23 =	vimm.s32 $0xFEDCBA98;
	v29 =	vimm.s32 $0x0  }
0xc: {  	v25 =	vimm.s32 $0x76543210;
	v0 =	vsel vm12, $0x0, v0;
	v1 =	vsel vm12, $0x80, v1  }
0xd: {  	v2 =	vsel vm12, $0x100, v2;
	v3 =	vsel vm12, $0x180, v3;
	v4 =	vsel vm12, $0x200, v4  }
0xe: {  	v5 =	vsel vm12, $0x280, v5;
	v6 =	vsel vm12, $0x300, v6;
	v7 =	vsel vm12, $0x380, v7  }
0xf: {  	v8 =	vunpack.c.l.s4.s8 v8;
	v9 =	vunpack.c.l.s4.s8 v9;
	v10 =	vunpack.c.l.s4.s8 v10  }
0x10: {  	v12 =	vunpack.c.l.s4.s8 v12;
	vm12 =	vcmask $0x2F10;
	v57 =	vsel vm15, $0x0, v22  }
0x11: {  	v27 =	vunpack.c.l.s4.s8 v23;
	v30 =	vunpack.c.l.s4.s8 v25;
	v28 =	vsel vm15, $0x400, v29  }
0x12: {  	v0 =	vsel vm11, $0x81, v0;
	v1 =	vsel vm11, $0x101, v1;
	v2 =	vsel vm11, $0x181, v2  }
0x13: {  	v3 =	vsel vm11, $0x201, v3;
	v4 =	vsel vm11, $0x281, v4;
	v5 =	vsel vm11, $0x301, v5  }
0x14: {  	v6 =	vsel vm11, $0x381, v6;
	v7 =	vsel vm11, $0x1, v7;
	vm11 =	vcmask $0x2B0C  }
0x15: {  	v54 =	vsel vm12, $0x0, v22;
	v34 =	vsel vm12, $0x400, v29;
	v0 =	vsel vm0, $0x102, v0  }
0x16: {  	v1 =	vsel vm0, $0x182, v1;
	v2 =	vsel vm0, $0x202, v2;
	v3 =	vsel vm0, $0x282, v3  }
0x17: {  	v4 =	vsel vm0, $0x302, v4;
	v5 =	vsel vm0, $0x382, v5;
	v6 =	vsel vm0, $0x2, v6  }
0x18: {  	v7 =	vsel vm0, $0x82, v7;
	v31 =	vunpack.c.0.s8.s32 v8;
	v32 =	vunpack.c.0.s8.s32 v9  }
0x19: {  	v8 =	vimm.s32 $0x10FEDCBA;
	v35 =	vunpack.c.0.s8.s32 v10;
	v36 =	vunpack.c.0.s8.s32 v12  }
0x1a: {  	v10 =	vimm.s32 $0xBA987654;
	v12 =	vimm.s32 $0x43210FED;
	v53 =	vsel vm11, $0x0, v22  }
0x1b: {  	v63 =	vsel vm11, $0x400, v29;
	v30 =	vunpack.c.0.s8.s32 v30;
	v0 =	vsel vm1, $0x183, v0  }
0x1c: {  	v1 =	vsel vm1, $0x203, v1;
	v2 =	vsel vm1, $0x283, v2;
	v3 =	vsel vm1, $0x303, v3  }
0x1d: {  	v4 =	vsel vm1, $0x383, v4;
	v5 =	vsel vm1, $0x3, v5;
	v6 =	vsel vm1, $0x83, v6  }
0x1e: {  	v7 =	vsel vm1, $0x103, v7;
	v9 =	vunpack.c.l.s4.s8 v8;
	v8 =	vimm.s32 $0x98765432  }
0x1f: {  	v10 =	vunpack.c.l.s4.s8 v10;
	v12 =	vunpack.c.l.s4.s8 v12;
	v0 =	vsel vm2, $0x204, v0  }
0x20: {  	v1 =	vsel vm2, $0x284, v1;
	v2 =	vsel vm2, $0x304, v2;
	v3 =	vsel vm2, $0x384, v3  }
0x21: {  	v4 =	vsel vm2, $0x4, v4;
	v5 =	vsel vm2, $0x84, v5;
	v6 =	vsel vm2, $0x104, v6  }
0x22: {  	v7 =	vsel vm2, $0x184, v7;
	v13 =	vcombine.low v32, v31;
	v14 =	vcombine.low v36, v35  }
0x23: {  	v11 =	vunpack.c.l.s4.s8 v8;
	v25 =	vcombine.low v31, v32;
	v35 =	vcombine.low v35, v36  }
0x24: {  	v0 =	vsel vm3, $0x285, v0;
	v1 =	vsel vm3, $0x305, v1;
	v2 =	vsel vm3, $0x385, v2  }
0x25: {  	v3 =	vsel vm3, $0x5, v3;
	v4 =	vsel vm3, $0x85, v4;
	v5 =	vsel vm3, $0x105, v5  }
0x26: {  	v6 =	vsel vm3, $0x185, v6;
	v7 =	vsel vm3, $0x205, v7;
	v33 =	vunpack.c.0.s8.s32 v9  }
0x27: {  	v9 =	vimm.s32 $0x3210FEDC;
	v38 =	vunpack.c.0.s8.s32 v10;
	v0 =	vsel vm4, $0x306, v0  }
0x28: {  	v1 =	vsel vm4, $0x386, v1;
	v2 =	vsel vm4, $0x6, v2;
	v3 =	vsel vm4, $0x86, v3  }
0x29: {  	v4 =	vsel vm4, $0x106, v4;
	v5 =	vsel vm4, $0x186, v5;
	v6 =	vsel vm4, $0x206, v6  }
0x2a: {  	v7 =	vsel vm4, $0x286, v7;
	v48 =	vunpack.c.0.s8.s32 v11;
	v49 =	vand.u32 $0xF, v13  }
0x2b: {  	v0 =	vsel vm5, $0x387, v0;
	v1 =	vsel vm5, $0x7, v1;
	v2 =	vsel vm5, $0x87, v2  }
0x2c: {  	v3 =	vsel vm5, $0x107, v3;
	v4 =	vsel vm5, $0x187, v4;
	v5 =	vsel vm5, $0x207, v5  }
0x2d: {  	v6 =	vsel vm5, $0x287, v6;
	v7 =	vsel vm5, $0x307, v7;
	v0 =	vsel vm6, $0x8, v0  }
0x2e: {  	v1 =	vsel vm6, $0x88, v1;
	v2 =	vsel vm6, $0x108, v2;
	v3 =	vsel vm6, $0x188, v3  }
0x2f: {  	v4 =	vsel vm6, $0x208, v4;
	v5 =	vsel vm6, $0x288, v5;
	v6 =	vsel vm6, $0x308, v6  }
0x30: {  	v7 =	vsel vm6, $0x388, v7;
	v13 =	vcombine.low v48, v33;
	v0 =	vsel vm7, $0x89, v0  }
0x31: {  	v1 =	vsel vm7, $0x109, v1;
	v2 =	vsel vm7, $0x189, v2;
	v3 =	vsel vm7, $0x209, v3  }
0x32: {  	v4 =	vsel vm7, $0x289, v4;
	v5 =	vsel vm7, $0x309, v5;
	v6 =	vsel vm7, $0x389, v6  }
0x33: {  	v7 =	vsel vm7, $0x9, v7;
	v0 =	vsel vm8, $0x10A, v0;
	v1 =	vsel vm8, $0x18A, v1  }
0x34: {  	v2 =	vsel vm8, $0x20A, v2;
	v3 =	vsel vm8, $0x28A, v3;
	v4 =	vsel vm8, $0x30A, v4  }
0x35: {  	v5 =	vsel vm8, $0x38A, v5;
	v6 =	vsel vm8, $0xA, v6;
	v7 =	vsel vm8, $0x8A, v7  }
0x36: {  	v50 =	vand.u32 $0xF, v13;
	v0 =	vsel vm9, $0x18B, v0;
	v1 =	vsel vm9, $0x20B, v1  }
0x37: {  	v2 =	vsel vm9, $0x28B, v2;
	v3 =	vsel vm9, $0x30B, v3;
	v4 =	vsel vm9, $0x38B, v4  }
0x38: {  	v5 =	vsel vm9, $0xB, v5;
	v6 =	vsel vm9, $0x8B, v6;
	v7 =	vsel vm9, $0x10B, v7  }
0x39: {  	[tilespmem:$0x1FF30] =	vst v57;
	v0 =	vsel vm13, $0x20C, v0;
	v1 =	vsel vm13, $0x28C, v1;
	v2 =	vsel vm13, $0x30C, v2  }
0x3a: {  	[tilespmem:$0x1FF00] =	vst v54;
	v3 =	vsel vm13, $0x38C, v3;
	v4 =	vsel vm13, $0xC, v4;
	v5 =	vsel vm13, $0x8C, v5  }
0x3b: {  	[tilespmem:$0x1FEF0] =	vst v53;
	v6 =	vsel vm13, $0x10C, v6;
	v7 =	vsel vm13, $0x18C, v7;
	vm13 =	vcmask $0x3314  }
0x3c: {  	v39 =	vunpack.c.0.s8.s32 v12;
	[tilespmem:$0x1FED0] =	vst v50;
	v0 =	vsel vm14, $0x28D, v0;
	v55 =	vsel vm13, $0x0, v22  }
0x3d: {  	v10 =	vimm.s32 $0xCBA98765;
	v1 =	vsel vm14, $0x30D, v1;
	v0 =	vsel vm10, $0x30E, v0;
	[tilespmem:$0x1FF10] =	vst v55  }
0x3e: {  	v12 =	vimm.s32 $0xDCBA9876;
	v2 =	vsel vm14, $0x38D, v2;
	v41 =	vsel vm10, $0x38E, v1;
	[tilespmem:$0x1FE50] =	vst v0  }
0x3f: {  	v11 =	vunpack.c.l.s4.s8 v9;
	v3 =	vsel vm14, $0xD, v3;
	v42 =	vsel vm10, $0xE, v2;
	[tilespmem:$0x1FE60] =	vst v41  }
0x40: {  	v9 =	vlaneseq.u32;
	v4 =	vsel vm14, $0x8D, v4;
	v43 =	vsel vm10, $0x8E, v3;
	[tilespmem:$0x1FE70] =	vst v42  }
0x41: {  	v10 =	vunpack.c.l.s4.s8 v10;
	v5 =	vsel vm14, $0x10D, v5;
	v44 =	vsel vm10, $0x10E, v4;
	[tilespmem:$0x1FE80] =	vst v43  }
0x42: {  	v12 =	vunpack.c.l.s4.s8 v12;
	v6 =	vsel vm14, $0x18D, v6;
	v45 =	vsel vm10, $0x18E, v5;
	[tilespmem:$0x1FE90] =	vst v44  }
0x43: {  	v60 =	vand.u32 $0xF, v14;
	v7 =	vsel vm14, $0x20D, v7;
	v46 =	vsel vm10, $0x20E, v6;
	[tilespmem:$0x1FEA0] =	vst v45  }
0x44: {  	v37 =	vunpack.c.0.s8.s32 v11;
	vm14 =	vcmask $0x3718;
	v47 =	vsel vm10, $0x28E, v7;
	[tilespmem:$0x1FEB0] =	vst v46  }
0x45: {  	s5 =	rddreg [dreg:$0x0];
	s3 =	srdreg.scid;
	v11 =	vimm.s32 $0x543210FE;
	vm10 =	vcmask $0x2708;
	v56 =	vsel vm14, $0x0, v22;
	[tilespmem:$0x1FEC0] =	vst v47  }
0x46: {  	s2 =	rddreg [dreg:$0x1];
	s6 =	sand.u32 $0x1, s3;
	s3 =	simm.s32 $0x0;
	v40 =	vunpack.c.0.s8.s32 v10;
	v10 =	vunpack.c.l.s4.s8 v15;
	v52 =	vsel vm10, $0x0, v22;
	[tilespmem:$0x1FF20] =	vst v56  }
0x47: {  	[smem:$0x7FF] =	sst s3;
	v15 =	vunpack.c.l.s4.s8 v16;
	v48 =	vcombine.low v33, v48;
	[tilespmem:$0x1FEE0] =	vst v52;
	v52 =	vand.u32 $0xF, v25  }
0x48: {  	s1 =	rddreg [dreg:$0x2];
	v11 =	vunpack.c.l.s4.s8 v11;
	vm9 =	vcmask $0x2304;
	v56 =	vand.u32 $0xF, v35;
	_ =	strace $0x80000047;
	[tilespmem:$0x1FF50] =	vst v52  }
0x49: {  	s0 =	stileid.u32;
	s11 =	simm.s32 $0x3;
	s12 =	simm.s32 $0x80;
	v16 =	vcombine.low v38, v37;
	v50 =	vcombine.low v37, v38;
	v23 =	vsel vm9, $0x400, v29;
	[tilespmem:$0x1FF60] =	vst v56  }
0x4a: {  	s13 =	simm.s32 $0x400;
	s14 =	simm.s32 $0xFA00;
	s15 =	simm.s32 $0x11300;
	v17 =	vcombine.low v40, v39;
	v41 =	vunpack.c.0.s8.s32 v11;
	v42 =	vunpack.c.0.s8.s32 v12;
	[tilespmem:$0x1FF80] =	vst v23  }
0x4b: {  	s16 =	simm.s32 $0x2000;
	s17 =	simm.s32 $0x13300;
	s4 =	sshll.u32 s0, $0x1;
	v57 =	vand.u32 $0xF, v50;
	v55 =	vand.u32 $0xF, v48;
	v26 =	vsel vm10, $0x400, v29;
	[tilespmem:$0x1FFB0] =	vst v28  }
0x4c: {  	s18 =	simm.s32 $0x1;
	s7 =	sshrl.u32 s0, $0x2;
	s4 =	sand.u32 $0x6, s4;
	v45 =	vunpack.c.0.s8.s32 v27;
	v46 =	vshrl.u32 v9, $0x3;
	v35 =	vmovc v55;
	v14 =	vcombine.low v42, v41;
	[tilespmem:$0x1FFC0] =	vst v26  }
0x4d: {  	s19 =	simm.s32 $0x2;
	s8 =	smul.u32 $0xC800, s7;
	s4 =	sor.u32 s6, s4;
	v37 =	vmovc v57;
	v43 =	vunpack.c.0.s8.s32 v10;
	v44 =	vunpack.c.0.s8.s32 v15;
	v47 =	vmul.u32 $0xFFFFFC00, v46;
	[tilespmem:$0x1FFD0] =	vst v35  }
0x4e: {  	s20 =	simm.s32 $0x0;
	s31 =	smul.u32 $0x320000, s7;
	s9 =	sshll.u32 s4, $0x7;
	v51 =	vand.u32 $0xF, v17;
	v24 =	vsel vm9, $0x0, v22;
	v45 =	vand.u32 $0xF, v45;
	[tilespmem:$0x1FFE0] =	vst v37  }
0x4f: {  	s6 =	ssub.s32 $0x2, s6;
	s4 =	sshll.u32 s4, $0xA;
	s8 =	sor.u32 s8, s9;
	v54 =	vcombine.low v43, v44;
	[tilespmem:$0x1FFF0] =	vst v24;
	v59 =	vcombine.low v45, v30;
	v30 =	vmovc v49;
	v49 =	vadd.s32 $0x400, v47  }
0x50: {  	s10 =	sshrl.u32 s6, $0x1;
	s9 =	sor.u32 s31, s4;
	s8 =	sshrl.u32 s8, $0x3;
	v53 =	vcombine.low v41, v42;
	v61 =	vand.u32 $0xF, v14;
	[tilespmem:$0x1FF90] =	vst v49;
	v14 =	vmovc v51;
	v51 =	vcombine.low v39, v40  }
0x51: {  	s10 =	ssub.s32 s6, s10;
	s9 =	sshrl.u32 s9, $0x3;
	s8 =	sadd.s32 s8, s5;
	v58 =	vsel vm14, $0x400, v29;
	v15 =	vcombine.low v44, v43;
	v7 =	vand.u32 $0xF, v54;
	[tilespmem:$0x1FF40] =	vst v59  }
0x52: {  	s6 =	smul.u32 $0x32, s7;
	s7 =	sadd.s32 $0x2400, s8;
	s8 =	sadd.s32 s2, s9;
	v62 =	vsel vm13, $0x400, v29;
	v29 =	vmovc v58;
	v59 =	vand.u32 $0xF, v53;
	[tilespmem:$0x1FFA0] =	vst v7;
	v58 =	vand.u32 $0xF, v51  }
0x53: {  	s10 =	smax.u32 s10, $0x1;
	s5 =	sadd.s32 $0x400, s5;
	s9 =	sadd.s32 $0x2000, s8;
	v21 =	vand.u32 $0xF, v16;
	v32 =	vmul.u32 $0x400, v46;
	v16 =	vand.u32 $0xF, v15;
	v39 =	vmovc v59;
	[tilespmem:$0x1FF70] =	vst v58  }
.LBB2_1:
0x54: {  	[tilespmem:s3], [sflag:$0x3] =	stream.linear.gather [hbm4b:s5+s3], $0xFA00, $0x38;
	[tilespmem:$0x15300] =	vst v63  }
0x55: {  	_ =	swait.ge [sflag:s11], $0xFA00  }
0x56: {  	[sflag:s11] =	ssyncset.done $0x0  }
0x57: {  	[sflag:s11] =	ssyncadd.s32 $0xFFFF0600  }
0x58: {  	[tilespmem:s14], [sflag:$0x3] =	stream.strided.gather [hbm4b:s7+s12], $0x1900, s13, s12, $0x38;
	[tilespmem:$0x15300] =	vst v63  }
0x59: {  	_ =	swait.ge [sflag:s11], $0x1900  }
0x5a: {  	[sflag:s11] =	ssyncset.done $0x0;
	v2 =	vld [tilespmem:$0x1FF50]  }
0x5b: {  	s21 =	simm.s32 $0x0;
	v24 =	vld [tilespmem:$0x1FF70];
	[sflag:s11] =	ssyncadd.s32 $0xFFFFE700  }
.LBB2_2:
0x5c: {  	s23 =	sshll.u32 s21, $0x4  }
0x5d: {  	v40 =	vld [tilespmem:s23+$0xFA00];
	_ =	sdelay $0x3  }
0x5e: {  	v58 =	vld [tilespmem:$0x1FED0]  }
0x5f: {  	s22 =	simm.s32 $0x0;
	v0 =	vshll.u32 v40, $0x6  }
0x60: {  	v40 =	vadd.s32 s22, v0  }
0x61: {  	v59 =	vld [tilespmem:$0x1FE50];
	v41 =	vor.u32 v9, v40  }
0x62: {  	v33 =	vld [tilespmem:$0x1FE60];
	v42 =	vor.u32 v30, v40  }
0x63: {  	v38 =	vld [tilespmem:$0x1FE70];
	v43 =	vor.u32 v58, v40  }
0x64: {  	v55 =	vld [tilespmem:$0x1FE80];
	v45 =	vor.u32 v60, v40  }
0x65: {  	v11 =	vmov v37;
	v37 =	vld [tilespmem:$0x1FEA0];
	v46 =	vor.u32 v21, v40  }
0x66: {  	v47 =	vmov s22;
	v48 =	vor.u32 v14, v40;
	v49 =	vld.idx.msk [tilespmem:v41+s3+$0x0], $0xffff  }
0x67: {  	v50 =	vshll.u32 v47, $0xA;
	v53 =	vor.u32 v61, v40;
	v56 =	vld.idx.msk [tilespmem:v42+s3+$0x0], $0xffff  }
0x68: {  	v47 =	vor.u32 v32, v50;
	v10 =	vadd.s32 s23, v59;
	v59 =	vld.idx.msk [tilespmem:v43+s3+$0x0], $0xffff  }
0x69: {  	v1 =	vmov v60;
	v57 =	vadd.s32 v10, v47;
	v54 =	vor.u32 v16, v40;
	v60 =	vld.idx.msk [tilespmem:v45+s3+$0x0], $0xffff  }
0x6a: {  	v36 =	vor.u32 v28, v50;
	v42 =	vadd.s32 s23, v33;
	v51 =	vld.idx.msk [tilespmem:v46+s3+$0x0], $0xffff  }
0x6b: {  	v43 =	vadd.s32 s23, v38;
	v41 =	vor.u32 v29, v50;
	v52 =	vld.idx.msk [tilespmem:v48+s3+$0x0], $0xffff;
	v58 =	vadd.s32 v42, v36  }
0x6c: {  	v15 =	vmovc v61;
	v3 =	vor.u32 v62, v50;
	v45 =	vadd.s32 s23, v55;
	v53 =	vld.idx.msk [tilespmem:v53+s3+$0x0], $0xffff;
	v61 =	vadd.s32 v43, v41  }
0x6d: {  	v26 =	vmov v62;
	v33 =	vld [tilespmem:$0x1FE90];
	v62 =	vadd.s32 v45, v3  }
0x6e: {  	v54 =	vld.idx.msk [tilespmem:v54+s3+$0x0], $0xffff;
	[tilespmem:v57+s15+$0x0] =	vst.idx.msk $0xffff, v49  }
0x6f: {  	v41 =	vld [tilespmem:$0x1FEB0]  }
0x70: {  	v46 =	vadd.s32 s23, v37;
	v37 =	vmov v35;
	v35 =	vld [tilespmem:$0x1FFC0];
	[tilespmem:v58+s15+$0x0] =	vst.idx.msk $0xffff, v56  }
0x71: {  	v58 =	vld [tilespmem:$0x1FEC0];
	[tilespmem:v61+s15+$0x0] =	vst.idx.msk $0xffff, v59  }
0x72: {  	[tilespmem:v62+s15+$0x0] =	vst.idx.msk $0xffff, v60  }
0x73: {  	v25 =	vmovc v30;
	v30 =	vmovc v32;
	v32 =	vmov v29;
	v29 =	vmov v34;
	v36 =	vor.u32 v34, v50;
	v34 =	vld [tilespmem:$0x1FF40]  }
0x74: {  	v17 =	vld [tilespmem:$0x1FFF0]  }
0x75: {  	v18 =	vld [tilespmem:$0x1FEE0]  }
0x76: {  	v19 =	vld [tilespmem:$0x1FEF0]  }
0x77: {  	v20 =	vld [tilespmem:$0x1FF00]  }
0x78: {  	v13 =	vmov v21;
	v21 =	vld [tilespmem:$0x1FF10]  }
0x79: {  	v31 =	vmovc v39;
	v27 =	vmov v63;
	v38 =	vor.u32 v63, v50;
	v47 =	vadd.s32 s23, v33;
	v22 =	vld [tilespmem:$0x1FF20]  }
0x7a: {  	v8 =	vmovc v23;
	v63 =	vor.u32 v23, v50;
	v57 =	vadd.s32 v46, v38;
	v55 =	vadd.s32 v47, v36;
	v23 =	vld [tilespmem:$0x1FF30]  }
0x7b: {  	v12 =	vmovc v1;
	v39 =	vmovc v0;
	v38 =	vld [tilespmem:$0x1FF60];
	v48 =	vadd.s32 s23, v41;
	v44 =	vor.u32 v35, v50;
	v49 =	vadd.s32 s23, v58  }
0x7c: {  	v36 =	vmovc v2;
	v28 =	vld [tilespmem:$0x1FF90];
	v58 =	vadd.s32 v48, v44;
	s23 =	simm.s32 $0x10;
	v59 =	vadd.s32 v49, v63;
	v56 =	vor.u32 v34, v40  }
.LBB2_3:
0x7d: {  	_ =	sdelay $0x1  }
0x7e: {  	[tilespmem:v55+s15+$0x0] =	vst.idx.msk $0xffff, v51;
	v44 =	vor.u32 v36, v40  }
0x7f: {  	v55 =	vor.u32 v38, v40;
	v0 =	vld [tilespmem:$0x1FED0];
	[tilespmem:v57+s15+$0x0] =	vst.idx.msk $0xffff, v52  }
0x80: {  	v33 =	vor.u32 v11, v40;
	[tilespmem:v58+s15+$0x0] =	vst.idx.msk $0xffff, v53  }
0x81: {  	v52 =	vor.u32 v37, v40;
	[tilespmem:v59+s15+$0x0] =	vst.idx.msk $0xffff, v54  }
0x82: {  	v57 =	vor.u32 v24, v40;
	v58 =	vor.u32 v7, v40;
	v56 =	vld.idx.msk [tilespmem:v56+s3+$0x0], $0xffff  }
0x83: {  	v54 =	vor.u32 v31, v40;
	v40 =	vadd.s32 s23, v39;
	v51 =	vld.idx.msk [tilespmem:v44+s3+$0x0], $0xffff;
	v44 =	vor.u32 v28, v50  }
0x84: {  	v2 =	vor.u32 v23, v50;
	v62 =	vor.u32 v0, v40;
	v55 =	vld.idx.msk [tilespmem:v55+s3+$0x0], $0xffff;
	v0 =	vadd.s32 v10, v44  }
0x85: {  	v2 =	vadd.s32 v42, v2;
	v59 =	vor.u32 v9, v40;
	v53 =	vld.idx.msk [tilespmem:v33+s3+$0x0], $0xffff  }
0x86: {  	v60 =	vor.u32 v25, v40;
	v52 =	vld.idx.msk [tilespmem:v52+s3+$0x0], $0xffff  }
0x87: {  	v57 =	vld.idx.msk [tilespmem:v57+s3+$0x0], $0xffff  }
0x88: {  	v4 =	vor.u32 v22, v50;
	v6 =	vor.u32 v21, v50;
	v58 =	vld.idx.msk [tilespmem:v58+s3+$0x0], $0xffff  }
0x89: {  	v41 =	vor.u32 v19, v50;
	v4 =	vadd.s32 v43, v4;
	v54 =	vld.idx.msk [tilespmem:v54+s3+$0x0], $0xffff;
	[tilespmem:v0+s15+$0x0] =	vst.idx.msk $0xffff, v56  }
0x8a: {  	v0 =	vadd.s32 v46, v41;
	v41 =	vor.u32 v18, v50;
	v56 =	vld.idx.msk [tilespmem:v59+s3+$0x0], $0xffff;
	[tilespmem:v2+s15+$0x0] =	vst.idx.msk $0xffff, v51  }
0x8b: {  	v44 =	vor.u32 v20, v50;
	v2 =	vadd.s32 v48, v41;
	v41 =	vor.u32 v17, v50;
	v50 =	vld.idx.msk [tilespmem:v60+s3+$0x0], $0xffff  }
0x8c: {  	s22 =	sadd.s32 $0x2, s22;
	v6 =	vadd.s32 v45, v6;
	v60 =	vld [tilespmem:$0x1FFB0]  }
0x8d: {  	v61 =	vmov s22;
	v63 =	vor.u32 v12, v40;
	v44 =	vadd.s32 v47, v44  }
0x8e: {  	v61 =	vshll.u32 v61, $0xA;
	v1 =	vor.u32 v13, v40  }
0x8f: {  	v3 =	vor.u32 v14, v40;
	v5 =	vor.u32 v15, v40;
	v33 =	vmovc v7;
	v7 =	vor.u32 v16, v40  }
0x90: {  	v59 =	vor.u32 v30, v61;
	[tilespmem:v4+s15+$0x0] =	vst.idx.msk $0xffff, v52;
	v4 =	vadd.s32 v49, v41  }
0x91: {  	v59 =	vadd.s32 v10, v59;
	v41 =	vld.idx.msk [tilespmem:v62+s3+$0x0], $0xffff;
	[tilespmem:v6+s15+$0x0] =	vst.idx.msk $0xffff, v55;
	v51 =	vor.u32 v60, v61  }
0x92: {  	v62 =	vor.u32 v32, v61;
	v6 =	vld.idx.msk [tilespmem:v63+s3+$0x0], $0xffff;
	[tilespmem:v44+s15+$0x0] =	vst.idx.msk $0xffff, v53;
	v60 =	vadd.s32 v42, v51  }
0x93: {  	v63 =	vor.u32 v26, v61;
	v51 =	vld.idx.msk [tilespmem:v1+s3+$0x0], $0xffff;
	v1 =	vadd.s32 v43, v62;
	[tilespmem:v0+s15+$0x0] =	vst.idx.msk $0xffff, v57  }
0x94: {  	p0 =	sne.s32 s23, $0x30;
	v0 =	vadd.s32 v45, v63;
	v52 =	vld.idx.msk [tilespmem:v3+s3+$0x0], $0xffff;
	[tilespmem:v2+s15+$0x0] =	vst.idx.msk $0xffff, v54  }
.Ltmp0:
0x95: {  	v44 =	vor.u32 v29, v61;
	v53 =	vld.idx.msk [tilespmem:v5+s3+$0x0], $0xffff;
	[tilespmem:v4+s15+$0x0] =	vst.idx.msk $0xffff, v58;
	(pc) =	sbr.rel @p0 .LBB2_3-.Ltmp0, $4  }
0x96: {  	v55 =	vadd.s32 v47, v44;
	v57 =	vor.u32 v27, v61;
	v54 =	vld.idx.msk [tilespmem:v7+s3+$0x0], $0xffff;
	[tilespmem:v59+s15+$0x0] =	vst.idx.msk $0xffff, v56  }
0x97: {  	v62 =	vor.u32 v35, v61;
	v63 =	vor.u32 v8, v61;
	[tilespmem:v60+s15+$0x0] =	vst.idx.msk $0xffff, v50  }
0x98: {  	v57 =	vadd.s32 v46, v57;
	v58 =	vadd.s32 v48, v62;
	v7 =	vmov v33;
	[tilespmem:v1+s15+$0x0] =	vst.idx.msk $0xffff, v41  }
0x99: {  	s23 =	sadd.s32 $0x10, s23;
	v59 =	vadd.s32 v49, v63;
	v56 =	vor.u32 v34, v40;
	v50 =	vmov v61;
	[tilespmem:v0+s15+$0x0] =	vst.idx.msk $0xffff, v6  }
0x9a: {  	_ =	sdelay $0x3  }
0x9b: {  	[tilespmem:v55+s15+$0x0] =	vst.idx.msk $0xffff, v51;
	v0 =	vor.u32 v36, v40  }
0x9c: {  	v1 =	vor.u32 v37, v40;
	[tilespmem:v57+s15+$0x0] =	vst.idx.msk $0xffff, v52  }
0x9d: {  	v2 =	vor.u32 v38, v40;
	[tilespmem:v58+s15+$0x0] =	vst.idx.msk $0xffff, v53  }
0x9e: {  	v3 =	vor.u32 v11, v40;
	[tilespmem:v59+s15+$0x0] =	vst.idx.msk $0xffff, v54  }
0x9f: {  	v4 =	vor.u32 v24, v40;
	v5 =	vld.idx.msk [tilespmem:v56+s3+$0x0], $0xffff  }
0xa0: {  	v6 =	vor.u32 v31, v40;
	v58 =	vor.u32 v28, v50;
	v0 =	vld.idx.msk [tilespmem:v0+s3+$0x0], $0xffff  }
0xa1: {  	v7 =	vor.u32 v33, v40;
	v41 =	vor.u32 v23, v50;
	v40 =	vadd.s32 v10, v58;
	v1 =	vld.idx.msk [tilespmem:v1+s3+$0x0], $0xffff  }
0xa2: {  	v41 =	vadd.s32 v42, v41;
	v59 =	vor.u32 v22, v50;
	v2 =	vld.idx.msk [tilespmem:v2+s3+$0x0], $0xffff  }
0xa3: {  	v60 =	vor.u32 v21, v50;
	v42 =	vadd.s32 v43, v59;
	v3 =	vld.idx.msk [tilespmem:v3+s3+$0x0], $0xffff  }
0xa4: {  	v44 =	vor.u32 v20, v50;
	v43 =	vadd.s32 v45, v60;
	v4 =	vld.idx.msk [tilespmem:v4+s3+$0x0], $0xffff  }
0xa5: {  	v61 =	vor.u32 v19, v50;
	v44 =	vadd.s32 v47, v44;
	v6 =	vld.idx.msk [tilespmem:v6+s3+$0x0], $0xffff  }
0xa6: {  	v62 =	vor.u32 v18, v50;
	v7 =	vld.idx.msk [tilespmem:v7+s3+$0x0], $0xffff;
	[tilespmem:v40+s15+$0x0] =	vst.idx.msk $0xffff, v5;
	v5 =	vadd.s32 v46, v61  }
0xa7: {  	v63 =	vor.u32 v17, v50;
	[tilespmem:v41+s15+$0x0] =	vst.idx.msk $0xffff, v0;
	v0 =	vadd.s32 v48, v62  }
0xa8: {  	s21 =	sadd.s32 $0x1, s21;
	[tilespmem:v42+s15+$0x0] =	vst.idx.msk $0xffff, v1;
	v1 =	vadd.s32 v49, v63  }
0xa9: {  	p0 =	sne.s32 s21, $0x8;
	[tilespmem:v43+s15+$0x0] =	vst.idx.msk $0xffff, v2  }
.Ltmp1:
0xaa: {  	[tilespmem:v44+s15+$0x0] =	vst.idx.msk $0xffff, v3;
	(pc) =	sbr.rel @p0 .LBB2_2-.Ltmp1, $4  }
0xab: {  	[tilespmem:v5+s15+$0x0] =	vst.idx.msk $0xffff, v4  }
0xac: {  	v39 =	vmovc v31;
	v34 =	vmovc v29;
	v29 =	vmov v32;
	v32 =	vmov v30;
	v30 =	vmov v25;
	[tilespmem:v0+s15+$0x0] =	vst.idx.msk $0xffff, v6  }
0xad: {  	v35 =	vmovc v37;
	v37 =	vmovc v11;
	v21 =	vmov v13;
	v23 =	vmov v8;
	v60 =	vmov v12;
	[tilespmem:v1+s15+$0x0] =	vst.idx.msk $0xffff, v7  }
0xae: {  	v61 =	vmovc v15;
	v62 =	vmovc v26;
	v63 =	vmov v27;
	v2 =	vmov v36;
	v7 =	vmov v33;
	v28 =	vld [tilespmem:$0x1FFB0]  }
0xaf: {  	v24 =	vld [tilespmem:$0x1FFF0]  }
0xb0: {  	v19 =	vld [tilespmem:$0x1FEF0]  }
0xb1: {  	v13 =	vld [tilespmem:$0x1FF00]  }
0xb2: {  	v15 =	vld [tilespmem:$0x1FF10]  }
0xb3: {  	v22 =	vld [tilespmem:$0x1FF20]  }
0xb4: {  	v11 =	vld [tilespmem:$0x1FF30]  }
0xb5: {  	v33 =	vld [tilespmem:$0x1FF60]  }
0xb6: {  	[hbm4b:s8+s13] =	stream.strided.scatter [tilespmem:s15], [sflag:$0x1], $0x2000, s16, s13, $0x38;
	v17 =	vld [tilespmem:$0x1FF90]  }
0xb7: {  	s21 =	simm.s32 $0x0;
	s22 =	simm.s32 $0x0;
	v36 =	vld [tilespmem:$0x1FF40]  }
.LBB2_6:
0xb8: {  	s23 =	sshll.u32 s22, $0x4  }
0xb9: {  	v0 =	vld [tilespmem:s23+$0xFA80];
	_ =	sdelay $0x3  }
0xba: {  	v5 =	vld [tilespmem:$0x1FED0]  }
0xbb: {  	v0 =	vshll.u32 v0, $0x6  }
0xbc: {  	v8 =	vld [tilespmem:$0x1FE60];
	v40 =	vadd.s32 s21, v0  }
0xbd: {  	v20 =	vmov v0;
	v0 =	vor.u32 v9, v40  }
0xbe: {  	v35 =	vld [tilespmem:$0x1FE50];
	v1 =	vor.u32 v30, v40  }
0xbf: {  	v27 =	vmov v2;
	v38 =	vld [tilespmem:$0x1FE80];
	v2 =	vor.u32 v5, v40  }
0xc0: {  	v57 =	vld [tilespmem:$0x1FEA0];
	v3 =	vor.u32 v60, v40  }
0xc1: {  	v42 =	vadd.s32 s23, v8;
	v8 =	vld [tilespmem:$0x1FE70];
	v4 =	vor.u32 v21, v40  }
0xc2: {  	v5 =	vmov s21;
	v6 =	vor.u32 v14, v40;
	v0 =	vld.idx.msk [tilespmem:v0+s3+$0x0], $0xffff  }
0xc3: {  	v7 =	vor.u32 v61, v40;
	v50 =	vshll.u32 v5, $0xA;
	v1 =	vld.idx.msk [tilespmem:v1+s3+$0x0], $0xffff  }
0xc4: {  	v41 =	vadd.s32 s23, v35;
	v43 =	vor.u32 v32, v50;
	v2 =	vld.idx.msk [tilespmem:v2+s3+$0x0], $0xffff  }
0xc5: {  	v37 =	vor.u32 v16, v40;
	v48 =	vadd.s32 v41, v43;
	v3 =	vld.idx.msk [tilespmem:v3+s3+$0x0], $0xffff  }
0xc6: {  	v44 =	vor.u32 v28, v50;
	v51 =	vld.idx.msk [tilespmem:v4+s3+$0x0], $0xffff  }
0xc7: {  	v49 =	vadd.s32 v42, v44;
	v52 =	vld.idx.msk [tilespmem:v6+s3+$0x0], $0xffff  }
0xc8: {  	v46 =	vor.u32 v29, v50;
	v43 =	vadd.s32 s23, v8;
	v53 =	vld.idx.msk [tilespmem:v7+s3+$0x0], $0xffff  }
0xc9: {  	v25 =	vmovc v41;
	v56 =	vor.u32 v62, v50;
	v44 =	vadd.s32 s23, v38;
	v41 =	vadd.s32 v43, v46;
	v7 =	vld [tilespmem:$0x1FE90]  }
0xca: {  	v6 =	vadd.s32 v44, v56;
	v54 =	vld.idx.msk [tilespmem:v37+s3+$0x0], $0xffff;
	[tilespmem:v48+s17+$0x0] =	vst.idx.msk $0xffff, v0  }
0xcb: {  	v0 =	vld [tilespmem:$0x1FEB0]  }
0xcc: {  	v26 =	vld [tilespmem:$0x1FFC0];
	[tilespmem:v49+s17+$0x0] =	vst.idx.msk $0xffff, v1  }
0xcd: {  	v1 =	vld [tilespmem:$0x1FEC0]  }
0xce: {  	[tilespmem:v41+s17+$0x0] =	vst.idx.msk $0xffff, v2  }
0xcf: {  	v18 =	vmov v63;
	v47 =	vadd.s32 s23, v7;
	v7 =	vor.u32 v34, v50;
	[tilespmem:v6+s17+$0x0] =	vst.idx.msk $0xffff, v3  }
0xd0: {  	v31 =	vmovc v28;
	v10 =	vmovc v30;
	v58 =	vor.u32 v63, v50;
	v46 =	vadd.s32 s23, v57;
	v55 =	vadd.s32 v47, v7;
	v28 =	vld [tilespmem:$0x1FFD0]  }
0xd1: {  	v30 =	vmovc v32;
	v63 =	vor.u32 v23, v50;
	v32 =	vmovc v29;
	v29 =	vmov v39;
	v57 =	vadd.s32 v46, v58;
	v39 =	vld [tilespmem:$0x1FFE0]  }
0xd2: {  	v35 =	vmovc v34;
	v38 =	vmovc v24;
	v34 =	vld [tilespmem:$0x1FF70];
	v48 =	vadd.s32 s23, v0;
	v59 =	vor.u32 v26, v50;
	v49 =	vadd.s32 s23, v1  }
0xd3: {  	s24 =	simm.s32 $0x0;
	v56 =	vor.u32 v36, v40;
	v37 =	vmovc v62;
	v8 =	vld [tilespmem:$0x1FFA0];
	v58 =	vadd.s32 v48, v59;
	s23 =	simm.s32 $0x10;
	v59 =	vadd.s32 v49, v63  }
.LBB2_7:
0xd4: {  	_ = 	snop  }
0xd5: {  	[tilespmem:v55+s17+$0x0] =	vst.idx.msk $0xffff, v51  }
0xd6: {  	v0 =	vor.u32 v27, v40;
	v1 =	vor.u32 v28, v40;
	v2 =	vor.u32 v33, v40  }
0xd7: {  	v3 =	vor.u32 v39, v40;
	v4 =	vor.u32 v34, v40;
	[tilespmem:v57+s17+$0x0] =	vst.idx.msk $0xffff, v52  }
0xd8: {  	v5 =	vor.u32 v29, v40;
	v6 =	vor.u32 v8, v40;
	v40 =	vadd.s32 s23, v20;
	[tilespmem:v58+s17+$0x0] =	vst.idx.msk $0xffff, v53  }
0xd9: {  	v7 =	vor.u32 v9, v40;
	v9 =	vld [tilespmem:$0x1FED0];
	[tilespmem:v59+s17+$0x0] =	vst.idx.msk $0xffff, v54  }
0xda: {  	v53 =	vld.idx.msk [tilespmem:v56+s3+$0x0], $0xffff  }
0xdb: {  	v0 =	vld.idx.msk [tilespmem:v0+s3+$0x0], $0xffff  }
0xdc: {  	v63 =	vor.u32 v17, v50;
	v1 =	vld.idx.msk [tilespmem:v1+s3+$0x0], $0xffff  }
0xdd: {  	v56 =	vadd.s32 v25, v63;
	v2 =	vld.idx.msk [tilespmem:v2+s3+$0x0], $0xffff  }
0xde: {  	v3 =	vld.idx.msk [tilespmem:v3+s3+$0x0], $0xffff  }
0xdf: {  	v4 =	vld.idx.msk [tilespmem:v4+s3+$0x0], $0xffff  }
0xe0: {  	v5 =	vld.idx.msk [tilespmem:v5+s3+$0x0], $0xffff  }
0xe1: {  	s24 =	sadd.s32 $0x2, s24;
	v41 =	vor.u32 v11, v50;
	v45 =	vor.u32 v22, v50;
	v6 =	vld.idx.msk [tilespmem:v6+s3+$0x0], $0xffff  }
0xe2: {  	v62 =	vor.u32 v15, v50;
	v51 =	vor.u32 v10, v40;
	v52 =	vmov s24;
	[tilespmem:v56+s17+$0x0] =	vst.idx.msk $0xffff, v53;
	v56 =	vld [tilespmem:$0x1FEE0]  }
0xe3: {  	v55 =	vor.u32 v60, v40;
	v57 =	vor.u32 v21, v40;
	v58 =	vadd.s32 v42, v41  }
0xe4: {  	v12 =	vmovc v60;
	v24 =	vor.u32 v61, v40;
	v60 =	vadd.s32 v43, v45;
	v62 =	vadd.s32 v44, v62  }
0xe5: {  	v45 =	vor.u32 v13, v50;
	v41 =	vshll.u32 v52, $0xA;
	v54 =	vor.u32 v9, v40  }
0xe6: {  	v45 =	vadd.s32 v47, v45;
	v52 =	vor.u32 v19, v50;
	v59 =	vor.u32 v14, v40  }
0xe7: {  	v52 =	vadd.s32 v46, v52;
	v63 =	vor.u32 v16, v40;
	v53 =	vor.u32 v56, v50  }
0xe8: {  	v7 =	vld.idx.msk [tilespmem:v7+s3+$0x0], $0xffff;
	[tilespmem:v58+s17+$0x0] =	vst.idx.msk $0xffff, v0;
	v50 =	vor.u32 v38, v50;
	v0 =	vadd.s32 v48, v53  }
0xe9: {  	v58 =	vor.u32 v30, v41;
	v56 =	vld.idx.msk [tilespmem:v51+s3+$0x0], $0xffff;
	[tilespmem:v60+s17+$0x0] =	vst.idx.msk $0xffff, v1;
	v1 =	vadd.s32 v49, v50  }
0xea: {  	v60 =	vld.idx.msk [tilespmem:v54+s3+$0x0], $0xffff;
	v50 =	vadd.s32 v25, v58;
	v58 =	vor.u32 v31, v41;
	[tilespmem:v62+s17+$0x0] =	vst.idx.msk $0xffff, v2  }
0xeb: {  	v62 =	vor.u32 v32, v41;
	v2 =	vld.idx.msk [tilespmem:v55+s3+$0x0], $0xffff;
	v58 =	vadd.s32 v42, v58;
	[tilespmem:v45+s17+$0x0] =	vst.idx.msk $0xffff, v3  }
0xec: {  	v3 =	vadd.s32 v43, v62;
	v51 =	vld.idx.msk [tilespmem:v57+s3+$0x0], $0xffff;
	v57 =	vor.u32 v37, v41;
	[tilespmem:v52+s17+$0x0] =	vst.idx.msk $0xffff, v4  }
0xed: {  	p0 =	sne.s32 s23, $0x30;
	v52 =	vld.idx.msk [tilespmem:v59+s3+$0x0], $0xffff;
	v4 =	vadd.s32 v44, v57;
	[tilespmem:v0+s17+$0x0] =	vst.idx.msk $0xffff, v5  }
.Ltmp2:
0xee: {  	v62 =	vor.u32 v35, v41;
	v45 =	vor.u32 v18, v41;
	v53 =	vld.idx.msk [tilespmem:v24+s3+$0x0], $0xffff;
	[tilespmem:v1+s17+$0x0] =	vst.idx.msk $0xffff, v6;
	(pc) =	sbr.rel @p0 .LBB2_7-.Ltmp2, $4  }
0xef: {  	v55 =	vadd.s32 v47, v62;
	v54 =	vld.idx.msk [tilespmem:v63+s3+$0x0], $0xffff;
	[tilespmem:v50+s17+$0x0] =	vst.idx.msk $0xffff, v7;
	v50 =	vor.u32 v26, v41  }
0xf0: {  	v57 =	vadd.s32 v46, v45;
	v59 =	vor.u32 v23, v41;
	[tilespmem:v58+s17+$0x0] =	vst.idx.msk $0xffff, v56  }
0xf1: {  	v59 =	vadd.s32 v49, v59;
	v58 =	vadd.s32 v48, v50;
	[tilespmem:v3+s17+$0x0] =	vst.idx.msk $0xffff, v60  }
0xf2: {  	s23 =	sadd.s32 $0x10, s23;
	v9 =	vlaneseq.u32;
	v56 =	vor.u32 v36, v40;
	v60 =	vmovc v12;
	v50 =	vmov v41;
	[tilespmem:v4+s17+$0x0] =	vst.idx.msk $0xffff, v2  }
0xf3: {  	_ =	sdelay $0x3  }
0xf4: {  	[tilespmem:v55+s17+$0x0] =	vst.idx.msk $0xffff, v51;
	v0 =	vor.u32 v27, v40  }
0xf5: {  	v1 =	vor.u32 v28, v40;
	[tilespmem:v57+s17+$0x0] =	vst.idx.msk $0xffff, v52  }
0xf6: {  	v2 =	vor.u32 v33, v40;
	[tilespmem:v58+s17+$0x0] =	vst.idx.msk $0xffff, v53  }
0xf7: {  	v3 =	vor.u32 v39, v40;
	[tilespmem:v59+s17+$0x0] =	vst.idx.msk $0xffff, v54  }
0xf8: {  	v4 =	vor.u32 v34, v40;
	v5 =	vld.idx.msk [tilespmem:v56+s3+$0x0], $0xffff  }
0xf9: {  	v6 =	vor.u32 v29, v40;
	v55 =	vor.u32 v17, v50;
	v0 =	vld.idx.msk [tilespmem:v0+s3+$0x0], $0xffff  }
0xfa: {  	v7 =	vor.u32 v8, v40;
	v40 =	vadd.s32 v25, v55;
	v1 =	vld.idx.msk [tilespmem:v1+s3+$0x0], $0xffff  }
0xfb: {  	v2 =	vld.idx.msk [tilespmem:v2+s3+$0x0], $0xffff  }
0xfc: {  	v3 =	vld.idx.msk [tilespmem:v3+s3+$0x0], $0xffff  }
0xfd: {  	v4 =	vld.idx.msk [tilespmem:v4+s3+$0x0], $0xffff  }
0xfe: {  	v6 =	vld.idx.msk [tilespmem:v6+s3+$0x0], $0xffff  }
0xff: {  	v7 =	vld.idx.msk [tilespmem:v7+s3+$0x0], $0xffff;
	[tilespmem:v40+s17+$0x0] =	vst.idx.msk $0xffff, v5  }
0x100: {  	v41 =	vor.u32 v11, v50;
	v8 =	vmov v19;
	v45 =	vor.u32 v19, v50;
	v19 =	vld [tilespmem:$0x1FEE0]  }
0x101: {  	v41 =	vadd.s32 v42, v41;
	v56 =	vor.u32 v22, v50  }
0x102: {  	v57 =	vor.u32 v15, v50;
	v42 =	vadd.s32 v43, v56  }
0x103: {  	v58 =	vor.u32 v13, v50;
	v43 =	vadd.s32 v44, v57  }
0x104: {  	v44 =	vadd.s32 v47, v58  }
0x105: {  	v59 =	vadd.s32 v46, v45;
	v62 =	vor.u32 v19, v50  }
0x106: {  	v63 =	vor.u32 v38, v50;
	s22 =	sadd.s32 $0x1, s22;
	[tilespmem:v41+s17+$0x0] =	vst.idx.msk $0xffff, v0;
	v0 =	vadd.s32 v48, v62  }
0x107: {  	p0 =	sne.s32 s22, $0x8;
	[tilespmem:v42+s17+$0x0] =	vst.idx.msk $0xffff, v1;
	v1 =	vadd.s32 v49, v63  }
.Ltmp3:
0x108: {  	[tilespmem:v43+s17+$0x0] =	vst.idx.msk $0xffff, v2;
	(pc) =	sbr.rel @p0 .LBB2_6-.Ltmp3, $4  }
0x109: {  	[tilespmem:v44+s17+$0x0] =	vst.idx.msk $0xffff, v3  }
0x10a: {  	v34 =	vmov v35;
	[tilespmem:v59+s17+$0x0] =	vst.idx.msk $0xffff, v4  }
0x10b: {  	v39 =	vmovc v29;
	v29 =	vmovc v32;
	v32 =	vmov v30;
	v30 =	vmov v10;
	v24 =	vmov v38;
	[tilespmem:v0+s17+$0x0] =	vst.idx.msk $0xffff, v6  }
0x10c: {  	v28 =	vmovc v31;
	v63 =	vmovc v18;
	v2 =	vmov v27;
	v19 =	vmov v8;
	v62 =	vmov v37;
	[tilespmem:v1+s17+$0x0] =	vst.idx.msk $0xffff, v7  }
0x10d: {  	v26 =	vld [tilespmem:$0x1FFC0]  }
0x10e: {  	[hbm4b:s9+s13] =	stream.strided.scatter [tilespmem:s17], [sflag:$0x2], $0x2000, s16, s13, $0x38;
	v35 =	vld [tilespmem:$0x1FFD0]  }
0x10f: {  	v15 =	vmov v61;
	v13 =	vmov v21;
	v12 =	vmov v60;
	s21 =	simm.s32 $0x1;
	v37 =	vld [tilespmem:$0x1FFE0]  }
.LBB2_10:
0x110: {  	_ =	swait.ge [sflag:s18], $0x2000  }
0x111: {  	v18 =	vld [tilespmem:$0x1FEE0]  }
0x112: {  	s22 =	sshll.u32 s21, $0x8;
	v19 =	vld [tilespmem:$0x1FEF0]  }
0x113: {  	s22 =	sand.u32 $0x3FFFFF00, s22;
	v20 =	vld [tilespmem:$0x1FF00]  }
0x114: {  	v21 =	vld [tilespmem:$0x1FF10];
	s23 =	sadd.s32 $0xFA00, s22  }
0x115: {  	[sflag:s18] =	ssyncset.done $0x0;
	v22 =	vld [tilespmem:$0x1FF20];
	v0 =	vmov s23  }
0x116: {  	v23 =	vld [tilespmem:$0x1FF30];
	[sflag:s18] =	ssyncadd.s32 $0xFFFFE000;
	s22 =	simm.s32 $0x0;
	s23 =	simm.s32 $0x0;
	[tilespmem:$0x1FE40] =	vst v0  }
.LBB2_11:
0x117: {  	v0 =	vld [tilespmem:$0x1FE40];
	_ =	sdelay $0x6  }
0x118: {  	s24 =	sshll.u32 s23, $0x4  }
0x119: {  	v0 =	vld.idx.msk [tilespmem:v0+s24+$0x0 ss:$0x1], $0xffff;
	_ =	sdelay $0x3  }
0x11a: {  	v11 =	vld [tilespmem:$0x1FED0]  }
0x11b: {  	v46 =	vshll.u32 v0, $0x6  }
0x11c: {  	v8 =	vld [tilespmem:$0x1FE60];
	v41 =	vadd.s32 s22, v46  }
0x11d: {  	v59 =	vor.u32 v9, v41  }
0x11e: {  	v60 =	vld [tilespmem:$0x1FE50];
	v1 =	vor.u32 v30, v41  }
0x11f: {  	v33 =	vld [tilespmem:$0x1FE80];
	v2 =	vor.u32 v11, v41  }
0x120: {  	v57 =	vld [tilespmem:$0x1FE90];
	v3 =	vor.u32 v12, v41  }
0x121: {  	v43 =	vadd.s32 s24, v8;
	v8 =	vld [tilespmem:$0x1FE70];
	v4 =	vor.u32 v13, v41  }
0x122: {  	v5 =	vmov s22;
	v6 =	vor.u32 v14, v41;
	v0 =	vld.idx.msk [tilespmem:v59+s3+$0x0], $0xffff  }
0x123: {  	v51 =	vshll.u32 v5, $0xA;
	v7 =	vor.u32 v15, v41;
	v1 =	vld.idx.msk [tilespmem:v1+s3+$0x0], $0xffff  }
0x124: {  	v44 =	vor.u32 v32, v51;
	v42 =	vadd.s32 s24, v60;
	v61 =	vor.u32 v16, v41;
	v2 =	vld.idx.msk [tilespmem:v2+s3+$0x0], $0xffff  }
0x125: {  	v45 =	vor.u32 v28, v51;
	v49 =	vadd.s32 v42, v44;
	v3 =	vld.idx.msk [tilespmem:v3+s3+$0x0], $0xffff  }
0x126: {  	v50 =	vadd.s32 v43, v45;
	v52 =	vld.idx.msk [tilespmem:v4+s3+$0x0], $0xffff  }
0x127: {  	v47 =	vor.u32 v29, v51;
	v44 =	vadd.s32 s24, v8;
	v53 =	vld.idx.msk [tilespmem:v6+s3+$0x0], $0xffff  }
0x128: {  	v38 =	vor.u32 v62, v51;
	v45 =	vadd.s32 s24, v33;
	v36 =	vadd.s32 v44, v47;
	v54 =	vld.idx.msk [tilespmem:v7+s3+$0x0], $0xffff  }
0x129: {  	v40 =	vadd.s32 v45, v38;
	v55 =	vld.idx.msk [tilespmem:v61+s3+$0x0], $0xffff  }
0x12a: {  	v59 =	vld [tilespmem:$0x1FEA0];
	[tilespmem:v49+s15+$0x0] =	vst.idx.msk $0xffff, v0  }
0x12b: {  	v0 =	vld [tilespmem:$0x1FEB0];
	[tilespmem:v50+s15+$0x0] =	vst.idx.msk $0xffff, v1  }
0x12c: {  	v1 =	vld [tilespmem:$0x1FEC0]  }
0x12d: {  	v25 =	vld [tilespmem:$0x1FF80];
	[tilespmem:v36+s15+$0x0] =	vst.idx.msk $0xffff, v2  }
0x12e: {  	[tilespmem:v40+s15+$0x0] =	vst.idx.msk $0xffff, v3  }
0x12f: {  	v33 =	vmov v32;
	v32 =	vld [tilespmem:$0x1FF40]  }
0x130: {  	v10 =	vmovc v30;
	v27 =	vmov v63;
	v58 =	vor.u32 v34, v51;
	v28 =	vmov v34;
	v34 =	vld [tilespmem:$0x1FF90]  }
0x131: {  	v17 =	vmovc v24;
	v48 =	vadd.s32 s24, v57;
	v60 =	vor.u32 v63, v51;
	v47 =	vadd.s32 s24, v59;
	v36 =	vmovc v35;
	v35 =	vld [tilespmem:$0x1FF50]  }
0x132: {  	v56 =	vadd.s32 v48, v58;
	v38 =	vmovc v37;
	v61 =	vor.u32 v26, v51;
	v58 =	vadd.s32 v47, v60;
	v37 =	vld [tilespmem:$0x1FF60]  }
0x133: {  	v24 =	vmovc v39;
	v30 =	vmovc v29;
	v39 =	vld [tilespmem:$0x1FF70];
	v49 =	vadd.s32 s24, v0;
	v50 =	vadd.s32 s24, v1;
	v63 =	vor.u32 v25, v51  }
0x134: {  	s25 =	simm.s32 $0x0;
	v29 =	vmovc v62;
	v31 =	vld [tilespmem:$0x1FFA0];
	v59 =	vadd.s32 v49, v61;
	s24 =	simm.s32 $0x10;
	v60 =	vadd.s32 v50, v63;
	v57 =	vor.u32 v32, v41  }
.LBB2_12:
0x135: {  	_ =	sdelay $0x1  }
0x136: {  	[tilespmem:v56+s15+$0x0] =	vst.idx.msk $0xffff, v52;
	v0 =	vor.u32 v35, v41  }
0x137: {  	v1 =	vor.u32 v36, v41;
	[tilespmem:v58+s15+$0x0] =	vst.idx.msk $0xffff, v53  }
0x138: {  	v2 =	vor.u32 v37, v41;
	[tilespmem:v59+s15+$0x0] =	vst.idx.msk $0xffff, v54  }
0x139: {  	v3 =	vor.u32 v38, v41;
	[tilespmem:v60+s15+$0x0] =	vst.idx.msk $0xffff, v55  }
0x13a: {  	v4 =	vor.u32 v39, v41;
	v5 =	vor.u32 v24, v41;
	v54 =	vld.idx.msk [tilespmem:v57+s3+$0x0], $0xffff  }
0x13b: {  	v6 =	vor.u32 v31, v41;
	v41 =	vadd.s32 s24, v46;
	v63 =	vor.u32 v34, v51;
	v0 =	vld.idx.msk [tilespmem:v0+s3+$0x0], $0xffff  }
0x13c: {  	v7 =	vlaneseq.u32;
	v40 =	vor.u32 v23, v51;
	v57 =	vadd.s32 v42, v63;
	v1 =	vld.idx.msk [tilespmem:v1+s3+$0x0], $0xffff  }
0x13d: {  	v7 =	vor.u32 v7, v41;
	v59 =	vadd.s32 v43, v40;
	v2 =	vld.idx.msk [tilespmem:v2+s3+$0x0], $0xffff  }
0x13e: {  	s25 =	sadd.s32 $0x2, s25;
	v61 =	vor.u32 v22, v51;
	v52 =	vor.u32 v10, v41;
	v3 =	vld.idx.msk [tilespmem:v3+s3+$0x0], $0xffff  }
0x13f: {  	v53 =	vmov s25;
	v61 =	vadd.s32 v44, v61;
	v4 =	vld.idx.msk [tilespmem:v4+s3+$0x0], $0xffff  }
0x140: {  	v8 =	vor.u32 v20, v51;
	v9 =	vshll.u32 v53, $0xA;
	v53 =	vor.u32 v19, v51;
	v5 =	vld.idx.msk [tilespmem:v5+s3+$0x0], $0xffff  }
0x141: {  	v55 =	vor.u32 v11, v41;
	v63 =	vor.u32 v21, v51;
	v6 =	vld.idx.msk [tilespmem:v6+s3+$0x0], $0xffff;
	[tilespmem:v57+s15+$0x0] =	vst.idx.msk $0xffff, v54  }
0x142: {  	v63 =	vadd.s32 v45, v63;
	v57 =	vor.u32 v18, v51;
	v7 =	vld.idx.msk [tilespmem:v7+s3+$0x0], $0xffff;
	[tilespmem:v59+s15+$0x0] =	vst.idx.msk $0xffff, v0  }
0x143: {  	v51 =	vor.u32 v17, v51;
	v0 =	vadd.s32 v49, v57;
	v59 =	vor.u32 v33, v9;
	v57 =	vld.idx.msk [tilespmem:v52+s3+$0x0], $0xffff  }
0x144: {  	[tilespmem:v61+s15+$0x0] =	vst.idx.msk $0xffff, v1;
	v1 =	vadd.s32 v50, v51;
	v51 =	vadd.s32 v42, v59;
	v59 =	vld [tilespmem:$0x1FFB0]  }
0x145: {  	v56 =	vor.u32 v12, v41;
	v8 =	vadd.s32 v48, v8  }
0x146: {  	v58 =	vor.u32 v13, v41;
	v53 =	vadd.s32 v47, v53  }
0x147: {  	v60 =	vor.u32 v14, v41  }
0x148: {  	v62 =	vor.u32 v15, v41  }
0x149: {  	v40 =	vor.u32 v16, v41;
	v61 =	vld.idx.msk [tilespmem:v55+s3+$0x0], $0xffff;
	[tilespmem:v63+s15+$0x0] =	vst.idx.msk $0xffff, v2;
	v52 =	vor.u32 v59, v9  }
0x14a: {  	v63 =	vor.u32 v30, v9;
	v2 =	vld.idx.msk [tilespmem:v56+s3+$0x0], $0xffff;
	[tilespmem:v8+s15+$0x0] =	vst.idx.msk $0xffff, v3;
	v59 =	vadd.s32 v43, v52  }
0x14b: {  	v3 =	vadd.s32 v44, v63;
	v8 =	vor.u32 v29, v9;
	v52 =	vld.idx.msk [tilespmem:v58+s3+$0x0], $0xffff;
	[tilespmem:v53+s15+$0x0] =	vst.idx.msk $0xffff, v4  }
0x14c: {  	p0 =	sne.s32 s24, $0x30;
	v4 =	vadd.s32 v45, v8;
	v53 =	vld.idx.msk [tilespmem:v60+s3+$0x0], $0xffff;
	[tilespmem:v0+s15+$0x0] =	vst.idx.msk $0xffff, v5  }
.Ltmp4:
0x14d: {  	v63 =	vor.u32 v25, v9;
	v54 =	vld.idx.msk [tilespmem:v62+s3+$0x0], $0xffff;
	[tilespmem:v1+s15+$0x0] =	vst.idx.msk $0xffff, v6;
	(pc) =	sbr.rel @p0 .LBB2_12-.Ltmp4, $4  }
0x14e: {  	v8 =	vor.u32 v28, v9;
	v60 =	vor.u32 v27, v9;
	v55 =	vld.idx.msk [tilespmem:v40+s3+$0x0], $0xffff;
	[tilespmem:v51+s15+$0x0] =	vst.idx.msk $0xffff, v7  }
0x14f: {  	v56 =	vadd.s32 v48, v8;
	v58 =	vadd.s32 v47, v60;
	[tilespmem:v59+s15+$0x0] =	vst.idx.msk $0xffff, v57  }
0x150: {  	v62 =	vor.u32 v26, v9;
	v60 =	vadd.s32 v50, v63;
	[tilespmem:v3+s15+$0x0] =	vst.idx.msk $0xffff, v61  }
0x151: {  	s24 =	sadd.s32 $0x10, s24;
	v51 =	vmov v9;
	v59 =	vadd.s32 v49, v62;
	v57 =	vor.u32 v32, v41;
	[tilespmem:v4+s15+$0x0] =	vst.idx.msk $0xffff, v2  }
0x152: {  	_ =	sdelay $0x3  }
0x153: {  	[tilespmem:v56+s15+$0x0] =	vst.idx.msk $0xffff, v52;
	v0 =	vor.u32 v35, v41  }
0x154: {  	v1 =	vor.u32 v36, v41;
	[tilespmem:v58+s15+$0x0] =	vst.idx.msk $0xffff, v53  }
0x155: {  	v2 =	vor.u32 v37, v41;
	[tilespmem:v59+s15+$0x0] =	vst.idx.msk $0xffff, v54  }
0x156: {  	v3 =	vor.u32 v38, v41;
	[tilespmem:v60+s15+$0x0] =	vst.idx.msk $0xffff, v55  }
0x157: {  	v4 =	vor.u32 v39, v41;
	v5 =	vld.idx.msk [tilespmem:v57+s3+$0x0], $0xffff  }
0x158: {  	v6 =	vor.u32 v24, v41;
	v8 =	vor.u32 v34, v51;
	v0 =	vld.idx.msk [tilespmem:v0+s3+$0x0], $0xffff  }
0x159: {  	v7 =	vor.u32 v31, v41;
	v9 =	vor.u32 v23, v51;
	v8 =	vadd.s32 v42, v8;
	v1 =	vld.idx.msk [tilespmem:v1+s3+$0x0], $0xffff  }
0x15a: {  	v40 =	vor.u32 v22, v51;
	v9 =	vadd.s32 v43, v9;
	v2 =	vld.idx.msk [tilespmem:v2+s3+$0x0], $0xffff  }
0x15b: {  	v40 =	vadd.s32 v44, v40;
	v58 =	vor.u32 v21, v51;
	v3 =	vld.idx.msk [tilespmem:v3+s3+$0x0], $0xffff  }
0x15c: {  	v41 =	vadd.s32 v45, v58;
	v59 =	vor.u32 v20, v51;
	v4 =	vld.idx.msk [tilespmem:v4+s3+$0x0], $0xffff  }
0x15d: {  	v42 =	vadd.s32 v48, v59;
	v60 =	vor.u32 v19, v51;
	v6 =	vld.idx.msk [tilespmem:v6+s3+$0x0], $0xffff  }
0x15e: {  	v61 =	vadd.s32 v47, v60;
	v7 =	vld.idx.msk [tilespmem:v7+s3+$0x0], $0xffff;
	[tilespmem:v8+s15+$0x0] =	vst.idx.msk $0xffff, v5;
	v8 =	vor.u32 v18, v51  }
0x15f: {  	[tilespmem:v9+s15+$0x0] =	vst.idx.msk $0xffff, v0;
	v62 =	vadd.s32 v49, v8;
	v8 =	vor.u32 v17, v51  }
0x160: {  	s23 =	sadd.s32 $0x1, s23;
	[tilespmem:v40+s15+$0x0] =	vst.idx.msk $0xffff, v1;
	v63 =	vadd.s32 v50, v8  }
0x161: {  	p0 =	sne.s32 s23, $0x8;
	[tilespmem:v41+s15+$0x0] =	vst.idx.msk $0xffff, v2  }
.Ltmp5:
0x162: {  	[tilespmem:v42+s15+$0x0] =	vst.idx.msk $0xffff, v3;
	(pc) =	sbr.rel @p0 .LBB2_11-.Ltmp5, $4  }
0x163: {  	[tilespmem:v61+s15+$0x0] =	vst.idx.msk $0xffff, v4  }
0x164: {  	v34 =	vmov v28;
	[tilespmem:v62+s15+$0x0] =	vst.idx.msk $0xffff, v6  }
0x165: {  	v32 =	vmovc v33;
	v35 =	vmovc v36;
	v37 =	vmov v38;
	v39 =	vmov v24;
	v24 =	vmov v17;
	[tilespmem:v63+s15+$0x0] =	vst.idx.msk $0xffff, v7  }
0x166: {  	v9 =	vlaneseq.u32;
	v62 =	vmovc v29;
	v29 =	vmovc v30;
	v30 =	vmov v10;
	v63 =	vmov v27;
	v28 =	vld [tilespmem:$0x1FFB0]  }
0x167: {  	s22 =	sshll.u32 s21, $0x1  }
0x168: {  	s22 =	sadd.s32 s6, s22  }
0x169: {  	s22 =	sshll.u32 s22, $0x10  }
0x16a: {  	s22 =	sor.u32 s4, s22  }
0x16b: {  	s22 =	sshrl.u32 s22, $0x3  }
0x16c: {  	s22 =	sadd.s32 s2, s22  }
0x16d: {  	[hbm4b:s22+s13] =	stream.strided.scatter [tilespmem:s15], [sflag:$0x1], $0x2000, s16, s13, $0x38;
	[tilespmem:$0x15300] =	vst v63  }
0x16e: {  	s22 =	sshllo.u32 s21, $0x1  }
0x16f: {  	s23 =	sshll.u32 s22, $0x7  }
0x170: {  	s23 =	sand.u32 $0x3FFFFF80, s23  }
0x171: {  	_ =	swait.ge [sflag:s19], $0x2000;
	s24 =	sadd.s32 $0xFA00, s23  }
0x172: {  	[sflag:s19] =	ssyncset.done $0x0;
	v0 =	vmov s24  }
0x173: {  	[sflag:s19] =	ssyncadd.s32 $0xFFFFE000;
	s23 =	simm.s32 $0x0;
	s24 =	simm.s32 $0x0;
	[tilespmem:$0x1FE30] =	vst v0  }
.LBB2_15:
0x174: {  	v0 =	vld [tilespmem:$0x1FE30];
	_ =	sdelay $0x6  }
0x175: {  	s25 =	sshll.u32 s24, $0x4  }
0x176: {  	v0 =	vld.idx.msk [tilespmem:v0+s25+$0x0 ss:$0x1], $0xffff;
	_ =	sdelay $0x3  }
0x177: {  	v10 =	vld [tilespmem:$0x1FED0]  }
0x178: {  	v46 =	vshll.u32 v0, $0x6  }
0x179: {  	v41 =	vadd.s32 s23, v46  }
0x17a: {  	v60 =	vld [tilespmem:$0x1FE50];
	v59 =	vor.u32 v9, v41  }
0x17b: {  	v40 =	vld [tilespmem:$0x1FE70];
	v1 =	vor.u32 v30, v41  }
0x17c: {  	v33 =	vld [tilespmem:$0x1FE80];
	v2 =	vor.u32 v10, v41  }
0x17d: {  	v3 =	vor.u32 v12, v41;
	v9 =	vld [tilespmem:$0x1FE60]  }
0x17e: {  	v57 =	vld [tilespmem:$0x1FE90];
	v4 =	vor.u32 v13, v41  }
0x17f: {  	v5 =	vmov s23;
	v6 =	vor.u32 v14, v41;
	v0 =	vld.idx.msk [tilespmem:v59+s3+$0x0], $0xffff  }
0x180: {  	v51 =	vshll.u32 v5, $0xA;
	v7 =	vor.u32 v15, v41;
	v1 =	vld.idx.msk [tilespmem:v1+s3+$0x0], $0xffff  }
0x181: {  	v8 =	vor.u32 v32, v51;
	v42 =	vadd.s32 s25, v60;
	v61 =	vor.u32 v16, v41;
	v2 =	vld.idx.msk [tilespmem:v2+s3+$0x0], $0xffff  }
0x182: {  	v8 =	vadd.s32 v42, v8;
	v43 =	vadd.s32 s25, v9;
	v9 =	vor.u32 v28, v51;
	v3 =	vld.idx.msk [tilespmem:v3+s3+$0x0], $0xffff  }
0x183: {  	v52 =	vld.idx.msk [tilespmem:v4+s3+$0x0], $0xffff;
	v9 =	vadd.s32 v43, v9  }
0x184: {  	v47 =	vor.u32 v29, v51;
	v44 =	vadd.s32 s25, v40;
	v53 =	vld.idx.msk [tilespmem:v6+s3+$0x0], $0xffff  }
0x185: {  	v38 =	vor.u32 v62, v51;
	v45 =	vadd.s32 s25, v33;
	v36 =	vadd.s32 v44, v47;
	v54 =	vld.idx.msk [tilespmem:v7+s3+$0x0], $0xffff  }
0x186: {  	v40 =	vadd.s32 v45, v38;
	v55 =	vld.idx.msk [tilespmem:v61+s3+$0x0], $0xffff  }
0x187: {  	v59 =	vld [tilespmem:$0x1FEA0];
	[tilespmem:v8+s17+$0x0] =	vst.idx.msk $0xffff, v0  }
0x188: {  	v0 =	vld [tilespmem:$0x1FEB0];
	[tilespmem:v9+s17+$0x0] =	vst.idx.msk $0xffff, v1  }
0x189: {  	v1 =	vld [tilespmem:$0x1FEC0]  }
0x18a: {  	v25 =	vld [tilespmem:$0x1FF80];
	[tilespmem:v36+s17+$0x0] =	vst.idx.msk $0xffff, v2  }
0x18b: {  	[tilespmem:v40+s17+$0x0] =	vst.idx.msk $0xffff, v3  }
0x18c: {  	v33 =	vmov v32;
	v32 =	vld [tilespmem:$0x1FF40]  }
0x18d: {  	v17 =	vmovc v24;
	v11 =	vmovc v28;
	v27 =	vmov v63;
	v58 =	vor.u32 v34, v51;
	v28 =	vmov v34;
	v34 =	vld [tilespmem:$0x1FF90]  }
0x18e: {  	v24 =	vmovc v39;
	v48 =	vadd.s32 s25, v57;
	v60 =	vor.u32 v63, v51;
	v47 =	vadd.s32 s25, v59;
	v36 =	vmovc v35;
	v35 =	vld [tilespmem:$0x1FF50]  }
0x18f: {  	v56 =	vadd.s32 v48, v58;
	v38 =	vmovc v37;
	v61 =	vor.u32 v26, v51;
	v58 =	vadd.s32 v47, v60;
	v37 =	vld [tilespmem:$0x1FF60]  }
0x190: {  	v10 =	vmovc v30;
	v30 =	vmovc v29;
	v39 =	vld [tilespmem:$0x1FF70];
	v49 =	vadd.s32 s25, v0;
	v50 =	vadd.s32 s25, v1;
	v63 =	vor.u32 v25, v51  }
0x191: {  	s26 =	simm.s32 $0x0;
	v29 =	vmovc v62;
	v31 =	vld [tilespmem:$0x1FFA0];
	v59 =	vadd.s32 v49, v61;
	s25 =	simm.s32 $0x10;
	v60 =	vadd.s32 v50, v63;
	v57 =	vor.u32 v32, v41  }
.LBB2_16:
0x192: {  	_ =	sdelay $0x1  }
0x193: {  	[tilespmem:v56+s17+$0x0] =	vst.idx.msk $0xffff, v52;
	v0 =	vor.u32 v35, v41;
	v1 =	vor.u32 v36, v41  }
0x194: {  	v2 =	vor.u32 v37, v41;
	v3 =	vor.u32 v38, v41;
	[tilespmem:v58+s17+$0x0] =	vst.idx.msk $0xffff, v53  }
0x195: {  	v4 =	vor.u32 v39, v41;
	v5 =	vor.u32 v24, v41;
	v40 =	vld [tilespmem:$0x1FED0];
	[tilespmem:v59+s17+$0x0] =	vst.idx.msk $0xffff, v54  }
0x196: {  	v6 =	vor.u32 v31, v41;
	v41 =	vadd.s32 s25, v46;
	v7 =	vlaneseq.u32;
	[tilespmem:v60+s17+$0x0] =	vst.idx.msk $0xffff, v55  }
0x197: {  	s26 =	sadd.s32 $0x2, s26;
	v62 =	vor.u32 v34, v51;
	v63 =	vor.u32 v23, v51;
	v61 =	vor.u32 v21, v51;
	v52 =	vld.idx.msk [tilespmem:v57+s3+$0x0], $0xffff  }
0x198: {  	v7 =	vor.u32 v7, v41;
	v8 =	vor.u32 v10, v41;
	v9 =	vmov s26;
	v0 =	vld.idx.msk [tilespmem:v0+s3+$0x0], $0xffff  }
0x199: {  	v56 =	vor.u32 v13, v41;
	v58 =	vor.u32 v14, v41;
	v55 =	vadd.s32 v42, v62;
	v1 =	vld.idx.msk [tilespmem:v1+s3+$0x0], $0xffff  }
0x19a: {  	v57 =	vadd.s32 v43, v63;
	v53 =	vor.u32 v40, v41;
	v2 =	vld.idx.msk [tilespmem:v2+s3+$0x0], $0xffff;
	v40 =	vor.u32 v22, v51  }
0x19b: {  	v61 =	vadd.s32 v45, v61;
	v54 =	vor.u32 v12, v41;
	v3 =	vld.idx.msk [tilespmem:v3+s3+$0x0], $0xffff;
	v59 =	vadd.s32 v44, v40  }
0x19c: {  	v9 =	vshll.u32 v9, $0xA;
	v60 =	vor.u32 v15, v41;
	v63 =	vor.u32 v20, v51;
	v4 =	vld.idx.msk [tilespmem:v4+s3+$0x0], $0xffff  }
0x19d: {  	v62 =	vor.u32 v16, v41;
	v5 =	vld.idx.msk [tilespmem:v5+s3+$0x0], $0xffff;
	v63 =	vadd.s32 v48, v63;
	v40 =	vor.u32 v19, v51  }
0x19e: {  	v6 =	vld.idx.msk [tilespmem:v6+s3+$0x0], $0xffff;
	v40 =	vadd.s32 v47, v40;
	[tilespmem:v55+s17+$0x0] =	vst.idx.msk $0xffff, v52;
	v52 =	vor.u32 v18, v51  }
0x19f: {  	v7 =	vld.idx.msk [tilespmem:v7+s3+$0x0], $0xffff;
	[tilespmem:v57+s17+$0x0] =	vst.idx.msk $0xffff, v0;
	v0 =	vadd.s32 v49, v52;
	v57 =	vor.u32 v17, v51  }
0x1a0: {  	v52 =	vor.u32 v33, v9;
	v8 =	vld.idx.msk [tilespmem:v8+s3+$0x0], $0xffff;
	[tilespmem:v59+s17+$0x0] =	vst.idx.msk $0xffff, v1;
	v1 =	vadd.s32 v50, v57  }
0x1a1: {  	v51 =	vadd.s32 v42, v52;
	v59 =	vor.u32 v11, v9;
	v57 =	vld.idx.msk [tilespmem:v53+s3+$0x0], $0xffff;
	[tilespmem:v61+s17+$0x0] =	vst.idx.msk $0xffff, v2  }
0x1a2: {  	v59 =	vadd.s32 v43, v59;
	v61 =	vor.u32 v30, v9;
	v2 =	vld.idx.msk [tilespmem:v54+s3+$0x0], $0xffff;
	[tilespmem:v63+s17+$0x0] =	vst.idx.msk $0xffff, v3  }
0x1a3: {  	v3 =	vadd.s32 v44, v61;
	v63 =	vor.u32 v29, v9;
	v52 =	vld.idx.msk [tilespmem:v56+s3+$0x0], $0xffff;
	[tilespmem:v40+s17+$0x0] =	vst.idx.msk $0xffff, v4  }
0x1a4: {  	p0 =	sne.s32 s25, $0x30;
	v4 =	vadd.s32 v45, v63;
	v53 =	vld.idx.msk [tilespmem:v58+s3+$0x0], $0xffff;
	[tilespmem:v0+s17+$0x0] =	vst.idx.msk $0xffff, v5  }
.Ltmp6:
0x1a5: {  	v61 =	vor.u32 v27, v9;
	v54 =	vld.idx.msk [tilespmem:v60+s3+$0x0], $0xffff;
	[tilespmem:v1+s17+$0x0] =	vst.idx.msk $0xffff, v6;
	(pc) =	sbr.rel @p0 .LBB2_16-.Ltmp6, $4  }
0x1a6: {  	v63 =	vor.u32 v25, v9;
	v58 =	vor.u32 v28, v9;
	v55 =	vld.idx.msk [tilespmem:v62+s3+$0x0], $0xffff;
	[tilespmem:v51+s17+$0x0] =	vst.idx.msk $0xffff, v7  }
0x1a7: {  	v56 =	vadd.s32 v48, v58;
	v58 =	vadd.s32 v47, v61;
	[tilespmem:v59+s17+$0x0] =	vst.idx.msk $0xffff, v8  }
0x1a8: {  	v60 =	vadd.s32 v50, v63;
	v62 =	vor.u32 v26, v9;
	[tilespmem:v3+s17+$0x0] =	vst.idx.msk $0xffff, v57  }
0x1a9: {  	s25 =	sadd.s32 $0x10, s25;
	v51 =	vmov v9;
	v59 =	vadd.s32 v49, v62;
	v57 =	vor.u32 v32, v41;
	[tilespmem:v4+s17+$0x0] =	vst.idx.msk $0xffff, v2  }
0x1aa: {  	_ =	sdelay $0x3  }
0x1ab: {  	[tilespmem:v56+s17+$0x0] =	vst.idx.msk $0xffff, v52;
	v0 =	vor.u32 v35, v41  }
0x1ac: {  	v1 =	vor.u32 v36, v41;
	[tilespmem:v58+s17+$0x0] =	vst.idx.msk $0xffff, v53  }
0x1ad: {  	v2 =	vor.u32 v37, v41;
	[tilespmem:v59+s17+$0x0] =	vst.idx.msk $0xffff, v54  }
0x1ae: {  	v3 =	vor.u32 v38, v41;
	[tilespmem:v60+s17+$0x0] =	vst.idx.msk $0xffff, v55  }
0x1af: {  	v4 =	vor.u32 v39, v41;
	v5 =	vld.idx.msk [tilespmem:v57+s3+$0x0], $0xffff  }
0x1b0: {  	v6 =	vor.u32 v24, v41;
	v8 =	vor.u32 v34, v51;
	v0 =	vld.idx.msk [tilespmem:v0+s3+$0x0], $0xffff  }
0x1b1: {  	v7 =	vor.u32 v31, v41;
	v9 =	vor.u32 v23, v51;
	v8 =	vadd.s32 v42, v8;
	v1 =	vld.idx.msk [tilespmem:v1+s3+$0x0], $0xffff  }
0x1b2: {  	v40 =	vor.u32 v22, v51;
	v9 =	vadd.s32 v43, v9;
	v2 =	vld.idx.msk [tilespmem:v2+s3+$0x0], $0xffff  }
0x1b3: {  	v40 =	vadd.s32 v44, v40;
	v58 =	vor.u32 v21, v51;
	v3 =	vld.idx.msk [tilespmem:v3+s3+$0x0], $0xffff  }
0x1b4: {  	v41 =	vadd.s32 v45, v58;
	v59 =	vor.u32 v20, v51;
	v4 =	vld.idx.msk [tilespmem:v4+s3+$0x0], $0xffff  }
0x1b5: {  	v42 =	vadd.s32 v48, v59;
	v60 =	vor.u32 v19, v51;
	v6 =	vld.idx.msk [tilespmem:v6+s3+$0x0], $0xffff  }
0x1b6: {  	v61 =	vadd.s32 v47, v60;
	v7 =	vld.idx.msk [tilespmem:v7+s3+$0x0], $0xffff;
	[tilespmem:v8+s17+$0x0] =	vst.idx.msk $0xffff, v5;
	v8 =	vor.u32 v18, v51  }
0x1b7: {  	s24 =	sadd.s32 $0x1, s24;
	[tilespmem:v9+s17+$0x0] =	vst.idx.msk $0xffff, v0;
	v62 =	vadd.s32 v49, v8;
	v8 =	vor.u32 v17, v51  }
0x1b8: {  	p0 =	sne.s32 s24, $0x8;
	[tilespmem:v40+s17+$0x0] =	vst.idx.msk $0xffff, v1;
	v63 =	vadd.s32 v50, v8  }
.Ltmp7:
0x1b9: {  	[tilespmem:v41+s17+$0x0] =	vst.idx.msk $0xffff, v2;
	(pc) =	sbr.rel @p0 .LBB2_15-.Ltmp7, $4  }
0x1ba: {  	[tilespmem:v42+s17+$0x0] =	vst.idx.msk $0xffff, v3  }
0x1bb: {  	v34 =	vmov v28;
	v28 =	vmov v11;
	[tilespmem:v61+s17+$0x0] =	vst.idx.msk $0xffff, v4  }
0x1bc: {  	v32 =	vmovc v33;
	v35 =	vmovc v36;
	v37 =	vmov v38;
	v39 =	vmov v24;
	v24 =	vmov v17;
	[tilespmem:v62+s17+$0x0] =	vst.idx.msk $0xffff, v6  }
0x1bd: {  	v9 =	vlaneseq.u32;
	v62 =	vmovc v29;
	v29 =	vmovc v30;
	v30 =	vmov v10;
	[tilespmem:v63+s17+$0x0] =	vst.idx.msk $0xffff, v7;
	v63 =	vmov v27  }
0x1be: {  	s21 =	sadd.s32 $0x1, s21  }
0x1bf: {  	s22 =	sadd.s32 s6, s22;
	p0 =	sne.s32 s21, $0x19  }
.Ltmp8:
0x1c0: {  	s22 =	sshll.u32 s22, $0x10;
	(pc) =	sbr.rel @p0 .LBB2_10-.Ltmp8, $4  }
0x1c1: {  	s22 =	sor.u32 s4, s22  }
0x1c2: {  	s22 =	sshrl.u32 s22, $0x3  }
0x1c3: {  	s22 =	sadd.s32 s2, s22  }
0x1c4: {  	[hbm4b:s22+s13] =	stream.strided.scatter [tilespmem:s17], [sflag:$0x2], $0x2000, s16, s13, $0x38;
	[tilespmem:$0x15300] =	vst v63  }
0x1c5: {  	s20 =	sadd.s32 $0x1, s20  }
0x1c6: {  	_ =	swait.ge [sflag:s18], $0x2000;
	p0 =	sne.s32 s20, s10  }
.Ltmp9:
0x1c7: {  	[sflag:s18] =	ssyncset.done $0x0;
	(pc) =	sbr.rel @p0 .LBB2_1-.Ltmp9, $4  }
0x1c8: {  	[sflag:s18] =	ssyncadd.s32 $0xFFFFE000  }
0x1c9: {  	_ =	swait.ge [sflag:s19], $0x2000  }
0x1ca: {  	[sflag:s19] =	ssyncset.done $0x0;
	v23 =	vld [tilespmem:$0x1FF80]  }
0x1cb: {  	v60 =	vmov v12;
	v21 =	vmov v13;
	v61 =	vmov v15;
	v7 =	vld [tilespmem:$0x1FFA0];
	[sflag:s19] =	ssyncadd.s32 $0xFFFFE000  }
0x1cc: {  	_ =	sfence.sel $0x180000  }
0x1cd: {  	[bflag:$0x0] =	sbarrier.arrive $0xFFFF  }
0x1ce: {  	p0 =	sne.s32 s0, $0x0;
	_ =	strace $0x90000047  }
0x1cf: {  	s0 =	sadd.s32 @!p0 $0x100000, s1;
	[bflag:$0x2] =	sbarrier.arrive $0xFFFF  }
0x1d0: {  	[sflag:s0] =	ssyncadd.tile.s32 @!p0 $0x1;
	_ =	shalt  }
.Lfunc_end2:
_tile_overlayer_lowered:
.L_overlay_start_2:
0x1d1: {  	(tag) =	ssettag $0x2  }
0x1d2: {  	s0 =	rddreg [dreg:$0x0];
	s2 =	stileid.u32  }
0x1d3: {  	s1 =	rddreg [dreg:$0x1];
	p0 =	sne.s32 s2, $0x0  }
0x1d4: {  	s3 =	rddreg [dreg:$0x2];
	[bflag:$0x3] =	sbarrier.arrive $0xFFFF;
	s2 =	simm.s32 @!p0 $0x1C03  }
0x1d5: {  	[timem:s3], [sflag:s2] =	dma.local @!p0 [hbm:s0], s1  }
0x1d6: {  	s0 =	simm.s32 @!p0 $0x3  }
0x1d7: {  	_ =	swait.ge @!p0 [sflag:s0], s1  }
0x1d8: {  	s1 =	ssub.s32 @!p0 $0x0, s1;
	[sflag:s0] =	ssyncset.done @!p0 $0x0  }
0x1d9: {  	[sflag:s0] =	ssyncadd.s32 @!p0 s1  }
0x1da: {  	[bflag:$0x3] =	sbarrier.arrive $0xFFFF  }
0x1db: {  	_ =	shalt  }

</sc_bundles>
